<compile_context>
chip_gen: v7x
topology: tpu7x:2x2x1
jax: 0.10.2.dev20260603
libtpu: 0.0.44.dev20260713+nightly
codegen_flags: <defaults>
</compile_context>

<pallas_src>
import functools

import jax
import jax.numpy as jnp
from jax import lax
from jax.experimental import pallas as pl
from jax.experimental.pallas import tpu as pltpu
from jax.experimental.pallas import tpu_sc as plsc

_N = 10000
_E = 320000
_CHUNK = 64
_NC, _NS = 2, 16
_CPT = 160
_SEG = 40
_TOT_CHUNKS = _NC * _NS * _CPT
_EPAD = _TOT_CHUNKS * _CHUNK
_NACC = 10240
_RPT = _NACC // _NS
_ZR = 16
_NB = 4
_RB = 1000


def _vec_mesh():
    return plsc.VectorSubcoreMesh(
        core_axis_name="c", subcore_axis_name="s",
        num_cores=_NC, num_subcores=_NS)


def _fill_rows(ref, rows, width, value):
    vec = jnp.full((16,), value, jnp.float32)

    @pl.loop(0, rows)
    def _(r):
        row = ref.at[r]
        for c in range(width // 16):
            row[pl.ds(c * 16, 16)] = vec


_DEG_CHUNK = 128
_DEG_CPT = _EPAD // (_NC * _NS * _DEG_CHUNK)
_DEG_NB = 8


def _make_sc_deg():
    @functools.partial(
        pl.kernel,
        out_type=jax.ShapeDtypeStruct((_NC, _NACC, 16), jnp.float32),
        mesh=_vec_mesh(),
        scratch_types=[
            pltpu.VMEM((_DEG_CPT, _DEG_CHUNK), jnp.int32),
            pltpu.VMEM((_DEG_CHUNK, 16), jnp.float32),
            pltpu.VMEM((_ZR, 16), jnp.float32),
            pltpu.VMEM_SHARED((_NACC, 16), jnp.float32),
            pltpu.SemaphoreType.DMA((_DEG_NB,)),
        ])
    def deg_kernel(dst_hbm, out_hbm, dst_v, ones_v, z_v, acc, sem):
        cid = lax.axis_index("c")
        sid = lax.axis_index("s")
        w = cid * _NS + sid
        _fill_rows(ones_v, _DEG_CHUNK, 16, 1.0)
        _fill_rows(z_v, _ZR, 16, 0.0)

        @pl.loop(0, _RPT // _ZR)
        def _(z):
            pltpu.sync_copy(z_v, acc.at[pl.ds(sid * _RPT + z * _ZR, _ZR)])

        pltpu.sync_copy(dst_hbm.at[pl.ds(w * _DEG_CPT, _DEG_CPT)], dst_v)
        plsc.subcore_barrier()

        @pl.loop(0, _DEG_CPT, step=_DEG_NB)
        def _(j):
            for b in range(_DEG_NB):
                pltpu.async_copy(ones_v, acc.at[dst_v.at[j + b]], sem.at[b],
                                 add=True)
            for b in range(_DEG_NB):
                pltpu.make_async_copy(ones_v, acc.at[dst_v.at[j + b]],
                                      sem.at[b]).wait()

        plsc.subcore_barrier()
        pltpu.sync_copy(acc.at[pl.ds(sid * _RPT, _RPT)],
                        out_hbm.at[cid, pl.ds(sid * _RPT, _RPT)])

    return deg_kernel


def _make_sc_agg(d):
    scratch = [
        pltpu.VMEM((_SEG, _CHUNK), jnp.int32),
        pltpu.VMEM((_SEG, _CHUNK), jnp.int32),
        pltpu.VMEM((_NB, _CHUNK, d), jnp.float32),
        pltpu.VMEM_SHARED((_NACC, d), jnp.float32),
        pltpu.SemaphoreType.DMA((_NB,)),
        pltpu.SemaphoreType.DMA((_NB,)),
    ]

    @functools.partial(
        pl.kernel,
        out_type=jax.ShapeDtypeStruct((_NC, _NACC, d), jnp.float32),
        mesh=_vec_mesh(),
        scratch_types=scratch)
    def agg_kernel(g_hbm, src_hbm, dst_hbm, out_hbm,
                   src_v, dst_v, gbuf, acc, gsem, ssem):
        cid = lax.axis_index("c")
        sid = lax.axis_index("s")
        w = cid * _NS + sid
        g_src = g_hbm
        _fill_rows(gbuf.at[0], _CHUNK, d, 0.0)

        @pl.loop(0, _RPT // _CHUNK)
        def _(z):
            pltpu.sync_copy(gbuf.at[0],
                            acc.at[pl.ds(sid * _RPT + z * _CHUNK, _CHUNK)])

        plsc.subcore_barrier()

        def start_gather(j, b):
            pltpu.async_copy(g_src.at[src_v.at[j + b]], gbuf.at[b],
                             gsem.at[b])

        def wait_gather(j, b):
            pltpu.make_async_copy(
                g_src.at[src_v.at[j + b]], gbuf.at[b], gsem.at[b]).wait()

        def start_scatter(j, b):
            pltpu.async_copy(gbuf.at[b], acc.at[dst_v.at[j + b]], ssem.at[b],
                             add=True)

        def wait_scatter(j, b):
            pltpu.make_async_copy(
                gbuf.at[b], acc.at[dst_v.at[j + b]], ssem.at[b]).wait()

        @pl.loop(0, _CPT // _SEG)
        def _(s):
            base = w * _CPT + s * _SEG
            pltpu.sync_copy(src_hbm.at[pl.ds(base, _SEG)], src_v)
            pltpu.sync_copy(dst_hbm.at[pl.ds(base, _SEG)], dst_v)
            for b in range(_NB):
                start_gather(0, b)

            @pl.loop(0, _SEG - _NB, step=_NB)
            def _(j):
                for b in range(_NB):
                    wait_gather(j, b)
                    start_scatter(j, b)
                for b in range(_NB):
                    wait_scatter(j, b)
                    start_gather(j + _NB, b)

            for b in range(_NB):
                wait_gather(_SEG - _NB, b)
                start_scatter(_SEG - _NB, b)
            for b in range(_NB):
                wait_scatter(_SEG - _NB, b)

        plsc.subcore_barrier()
        pltpu.sync_copy(acc.at[pl.ds(sid * _RPT, _RPT)],
                        out_hbm.at[cid, pl.ds(sid * _RPT, _RPT)])

    return agg_kernel


_sc_deg = _make_sc_deg()
_sc_agg128 = _make_sc_agg(128)


def _deg_specs(rb=_RB):
    return [
        pl.BlockSpec((1, rb, 16), lambda i: (0, i, 0)),
        pl.BlockSpec((1, rb, 16), lambda i: (1, i, 0)),
    ]


def _dinv(d0_ref, d1_ref):
    return lax.rsqrt(d0_ref[0][:, :1] + d1_ref[0][:, :1] + 1.0)


_RBW = 1024


def _tc_g1(x_p, deg2, w1):
    def body(x_ref, d0_ref, d1_ref, w_ref, o_ref):
        o_ref[...] = jnp.dot(x_ref[...], w_ref[...],
                             preferred_element_type=jnp.float32
                             ) * _dinv(d0_ref, d1_ref)

    return pl.pallas_call(
        body,
        grid=(_NACC // _RBW,),
        in_specs=[pl.BlockSpec((_RBW, 128), lambda i: (i, 0))]
                 + _deg_specs(_RBW)
                 + [pl.BlockSpec((128, 128), lambda i: (0, 0))],
        out_specs=pl.BlockSpec((_RBW, 128), lambda i: (i, 0)),
        out_shape=jax.ShapeDtypeStruct((_NACC, 128), jnp.float32),
    )(x_p, deg2, deg2, w1)


def _tc_layer2(agg, g1, deg2, b1, w2):
    def body(a0_ref, a1_ref, g_ref, d0_ref, d1_ref, b_ref, w_ref, o_ref):
        dinv = _dinv(d0_ref, d1_ref)
        g = g_ref[...]
        pre = (a0_ref[0] + a1_ref[0] + g) * dinv + b_ref[...]
        h = jnp.maximum(pre, 0.0)
        g2 = jnp.dot(h, w_ref[...], preferred_element_type=jnp.float32) * dinv
        o_ref[...] = jnp.pad(g2, ((0, 0), (0, 64)))

    return pl.pallas_call(
        body,
        grid=(_NACC // _RBW,),
        in_specs=[pl.BlockSpec((1, _RBW, 128), lambda i: (0, i, 0)),
                  pl.BlockSpec((1, _RBW, 128), lambda i: (1, i, 0)),
                  pl.BlockSpec((_RBW, 128), lambda i: (i, 0))]
                 + _deg_specs(_RBW)
                 + [pl.BlockSpec((1, 128), lambda i: (0, 0)),
                    pl.BlockSpec((128, 64), lambda i: (0, 0))],
        out_specs=pl.BlockSpec((_RBW, 128), lambda i: (i, 0)),
        out_shape=jax.ShapeDtypeStruct((_NACC, 128), jnp.float32),
    )(agg, agg, g1, deg2, deg2, b1, w2)


def _tc_out(agg, g2, deg2, b2):
    def body(a0_ref, a1_ref, g_ref, d0_ref, d1_ref, b_ref, o_ref):
        dinv = _dinv(d0_ref, d1_ref)
        o = ((a0_ref[0] + a1_ref[0] + g_ref[...]) * dinv)[:, :64] + b_ref[...]
        m = jnp.max(o, axis=1, keepdims=True)
        s = jnp.log(jnp.sum(jnp.exp(o - m), axis=1, keepdims=True))
        o_ref[...] = o - m - s

    return pl.pallas_call(
        body,
        grid=(_N // _RB,),
        in_specs=[pl.BlockSpec((1, _RB, 128), lambda i: (0, i, 0)),
                  pl.BlockSpec((1, _RB, 128), lambda i: (1, i, 0)),
                  pl.BlockSpec((_RB, 128), lambda i: (i, 0))]
                 + _deg_specs()
                 + [pl.BlockSpec((1, 64), lambda i: (0, 0))],
        out_specs=pl.BlockSpec((_RB, 64), lambda i: (i, 0)),
        out_shape=jax.ShapeDtypeStruct((_N, 64), jnp.float32),
    )(agg, agg, g2, deg2, deg2, b2)


def kernel(x, edge_index, W1, b1, W2, b2):
    ei = edge_index.astype(jnp.int32)
    pad = _EPAD - _E
    pad_idx = jnp.arange(pad, dtype=jnp.int32)
    srcp = jnp.concatenate(
        [ei[0], pad_idx % _N]).reshape(_TOT_CHUNKS, _CHUNK)
    dstp = jnp.concatenate(
        [ei[1], _N + pad_idx % (_NACC - _N)]).reshape(_TOT_CHUNKS, _CHUNK)

    deg2 = _sc_deg(dstp.reshape(_EPAD // _DEG_CHUNK, _DEG_CHUNK))
    x_p = jnp.pad(x, ((0, _NACC - _N), (0, 0)))
    g1 = _tc_g1(x_p, deg2, W1)
    agg1 = _sc_agg128(g1, srcp, dstp)
    g2 = _tc_layer2(agg1, g1, deg2, b1.reshape(1, 128), W2)
    agg2 = _sc_agg128(g2, srcp, dstp)
    return _tc_out(agg2, g2, deg2, b2.reshape(1, 64))

# --- scband reference (transcript-rebuilt; emitter-appended) ---
"""Pipeline reference for scband-gcn-29841432773036 (READ-ONLY COPY).

The authoritative reference and input builder live on the scoring server;
editing this copy changes nothing except your own understanding.
"""

import jax, jax.numpy as jnp
import numpy as np

N_NODES = 10000

def gcn_conv(x, edge_index, W, b):
    n = x.shape[0]
    src = edge_index[0]
    dst = edge_index[1]
    loop = jnp.arange(n, dtype=edge_index.dtype)
    src = jnp.concatenate([src, loop])
    dst = jnp.concatenate([dst, loop])
    # symmetric normalization with self loops (GCNConv default)
    deg = jnp.zeros((n,), dtype=x.dtype).at[dst].add(1.0)
    dinv = jnp.where(deg > 0, deg ** -0.5, 0.0)
    norm = dinv[src] * dinv[dst]
    h = x @ W
    msg = h[src] * norm[:, None]
    out = jnp.zeros((n, h.shape[1]), dtype=x.dtype).at[dst].add(msg)
    return out + b

def setup_inputs(seed: int = 0) -> dict:
    key = jax.random.key(seed)
    k1, k2, k3, k4, k5, k6 = jax.random.split(key, 6)
    x = jax.random.normal(k1, (N_NODES, 128), dtype=jnp.float32)
    edge_index = jax.random.randint(k2, (2, 320000), 0, N_NODES, dtype=jnp.int64)
    W1 = jax.random.normal(k3, (128, 128), dtype=jnp.float32) * (1.0 / np.sqrt(128))
    b1 = jnp.zeros((128,), dtype=jnp.float32)
    W2 = jax.random.normal(k4, (128, 64), dtype=jnp.float32) * (1.0 / np.sqrt(128))
    b2 = jnp.zeros((64,), dtype=jnp.float32)
    return {"x": x, "edge_index": edge_index, "W1": W1, "b1": b1, "W2": W2, "b2": b2}

def reference(x, edge_index, W1, b1, W2, b2):
    h = gcn_conv(x, edge_index, W1, b1)
    h = jax.nn.relu(h)
    o = gcn_conv(h, edge_index, W2, b2)
    return jax.nn.log_softmax(o, axis=1)

if __name__ == "__main__":
    import jax
    _d = setup_inputs()
    print(jax.jit(kernel)(*tuple(_d.values())))

</pallas_src>

<mosaic_0001>
#map = affine_map<(d0, d1) -> (0, 0)>
#map1 = affine_map<(d0, d1) -> (0, 0, 0)>
module attributes {stable_mosaic.version = 14 : i64} {
  func.func @deg_kernel(%arg0: i32, %arg1: i32, %arg2: memref<2560x128xi32, #tpu.memory_space<hbm>>, %arg3: memref<2x10240x16xf32, #tpu.memory_space<hbm>>, %arg4: memref<80x128xi32, #tpu.memory_space<vmem>>, %arg5: memref<128x16xf32, #tpu.memory_space<vmem>>, %arg6: memref<16x16xf32, #tpu.memory_space<vmem>>, %arg7: memref<10240x16xf32, #tpu.memory_space<vmem_shared>>, %arg8: memref<8x!tpu.dma_semaphore, #tpu.memory_space<semaphore_mem>>) attributes {dimension_semantics = [#tpu.dimension_semantics<core_parallel>, #tpu.dimension_semantics<subcore_parallel>], iteration_bounds = array<i64: 2, 16>, scalar_prefetch = 0 : i64, scratch_operands = 5 : i64, tpu.core_type = #tpu.core_type<sc_vector_subcore>, window_params = [{transform_indices = #map}, {transform_indices = #map1}]} {
    %mul3A = arith.constant 16 : i32
    %mul3A_0 = arith.muli %arg0, %mul3A : i32
    %add3A = arith.addi %mul3A_0, %arg1 : i32
    %broadcast_in_dim3A = arith.constant 1.000000e+00 : f32
    %broadcast_in_dim3A_1 = vector.broadcast %broadcast_in_dim3A : f32 to vector<16xf32>
    %scan3A = arith.constant 0 : i32
    %scan3A_2 = arith.constant 128 : i32
    %scan3A_3 = arith.addi %scan3A, %scan3A_2 : i32
    %scan3A_4 = arith.constant 1 : i32
    scf.for %scan3A_30 = %scan3A to %scan3A_3 step %scan3A_4  : i32 {
      %mul3A_31 = arith.constant 1 : i32
      %mul3A_32 = arith.muli %scan3A_30, %mul3A_31 : i32
      %add3A_33 = arith.constant 0 : i32
      %add3A_34 = arith.addi %add3A_33, %mul3A_32 : i32
      %swap3A = arith.constant 0 : i32
      %swap3A_35 = tpu.memref_slice %arg5[%add3A_34, %swap3A] : memref<128x16xf32, #tpu.memory_space<vmem>> -> memref<1x16xf32, #tpu.memory_space<vmem>>
      %swap3A_36 = tpu.memref_squeeze %swap3A_35 : memref<1x16xf32, #tpu.memory_space<vmem>> -> memref<16xf32, #tpu.memory_space<vmem>>
      %swap3A_37 = arith.constant 0 : index
      %swap3A_38 = tpu.vector_load %swap3A_36[%swap3A_37] {strides = array<i32>} : memref<16xf32, #tpu.memory_space<vmem>>, vector<16xf32>,
      %swap3A_39 = vector.shape_cast %swap3A_38 : vector<16xf32> to vector<16xf32>
      %swap3A_40 = vector.shape_cast %broadcast_in_dim3A_1 : vector<16xf32> to vector<16xf32>
      tpu.vector_store %swap3A_36[%swap3A_37], %swap3A_40 {strides = array<i32>} : memref<16xf32, #tpu.memory_space<vmem>>, vector<16xf32>,
    }
    %scan3A_5 = arith.constant 128 : i32
    %broadcast_in_dim3A_6 = arith.constant 0.000000e+00 : f32
    %broadcast_in_dim3A_7 = vector.broadcast %broadcast_in_dim3A_6 : f32 to vector<16xf32>
    %scan3A_8 = arith.constant 0 : i32
    %scan3A_9 = arith.constant 16 : i32
    %scan3A_10 = arith.addi %scan3A_8, %scan3A_9 : i32
    %scan3A_11 = arith.constant 1 : i32
    scf.for %scan3A_30 = %scan3A_8 to %scan3A_10 step %scan3A_11  : i32 {
      %mul3A_31 = arith.constant 1 : i32
      %mul3A_32 = arith.muli %scan3A_30, %mul3A_31 : i32
      %add3A_33 = arith.constant 0 : i32
      %add3A_34 = arith.addi %add3A_33, %mul3A_32 : i32
      %swap3A = arith.constant 0 : i32
      %swap3A_35 = tpu.memref_slice %arg6[%add3A_34, %swap3A] : memref<16x16xf32, #tpu.memory_space<vmem>> -> memref<1x16xf32, #tpu.memory_space<vmem>>
      %swap3A_36 = tpu.memref_squeeze %swap3A_35 : memref<1x16xf32, #tpu.memory_space<vmem>> -> memref<16xf32, #tpu.memory_space<vmem>>
      %swap3A_37 = arith.constant 0 : index
      %swap3A_38 = tpu.vector_load %swap3A_36[%swap3A_37] {strides = array<i32>} : memref<16xf32, #tpu.memory_space<vmem>>, vector<16xf32>,
      %swap3A_39 = vector.shape_cast %swap3A_38 : vector<16xf32> to vector<16xf32>
      %swap3A_40 = vector.shape_cast %broadcast_in_dim3A_7 : vector<16xf32> to vector<16xf32>
      tpu.vector_store %swap3A_36[%swap3A_37], %swap3A_40 {strides = array<i32>} : memref<16xf32, #tpu.memory_space<vmem>>, vector<16xf32>,
    }
    %scan3A_12 = arith.constant 16 : i32
    %scan3A_13 = arith.constant 0 : i32
    %scan3A_14 = arith.constant 40 : i32
    %scan3A_15 = arith.addi %scan3A_13, %scan3A_14 : i32
    %scan3A_16 = arith.constant 1 : i32
    scf.for %scan3A_30 = %scan3A_13 to %scan3A_15 step %scan3A_16  : i32 {
      %mul3A_31 = arith.constant 1 : i32
      %mul3A_32 = arith.muli %scan3A_30, %mul3A_31 : i32
      %add3A_33 = arith.constant 0 : i32
      %add3A_34 = arith.addi %add3A_33, %mul3A_32 : i32
      %mul3A_35 = arith.constant 640 : i32
      %mul3A_36 = arith.muli %arg1, %mul3A_35 : i32
      %mul3A_37 = arith.constant 16 : i32
      %mul3A_38 = arith.muli %add3A_34, %mul3A_37 : i32
      %add3A_39 = arith.addi %mul3A_36, %mul3A_38 : i32
      "tpu.region"() ({
        %run_scoped3A = tpu.sem_alloc : memref<!tpu.dma_semaphore, #tpu.memory_space<semaphore_mem>>
        %dma_start3A = arith.constant 0 : i32
        %dma_start3A_40 = tpu.memref_slice %arg7[%add3A_39, %dma_start3A] : memref<10240x16xf32, #tpu.memory_space<vmem_shared>> -> memref<16x16xf32, #tpu.memory_space<vmem_shared>>
        %dma_start3A_41 = arith.constant 0 : i32
        %dma_start3A_42 = tpu.memref_slice %arg7[%add3A_39, %dma_start3A_41] : memref<10240x16xf32, #tpu.memory_space<vmem_shared>> -> memref<16x16xf32, #tpu.memory_space<vmem_shared>>
        tpu.enqueue_dma source(%arg6 : memref<16x16xf32, #tpu.memory_space<vmem>>) target(%dma_start3A_42 : memref<16x16xf32, #tpu.memory_space<vmem_shared>>) target_semaphore(%run_scoped3A : memref<!tpu.dma_semaphore, #tpu.memory_space<semaphore_mem>>)
        %dma_wait3A = arith.constant 0 : i32
        %dma_wait3A_43 = tpu.memref_slice %arg7[%add3A_39, %dma_wait3A] : memref<10240x16xf32, #tpu.memory_space<vmem_shared>> -> memref<16x16xf32, #tpu.memory_space<vmem_shared>>
        %dma_wait3A_44 = arith.constant 0 : i32
        %dma_wait3A_45 = tpu.memref_slice %arg7[%add3A_39, %dma_wait3A_44] : memref<10240x16xf32, #tpu.memory_space<vmem_shared>> -> memref<16x16xf32, #tpu.memory_space<vmem_shared>>
        tpu.wait_dma2 semaphore(%run_scoped3A : memref<!tpu.dma_semaphore, #tpu.memory_space<semaphore_mem>>) src(%arg6 : memref<16x16xf32, #tpu.memory_space<vmem>>) dst(%dma_wait3A_45 : memref<16x16xf32, #tpu.memory_space<vmem_shared>>)
        tpu.yield
      }) : () -> ()
    }
    %scan3A_17 = arith.constant 40 : i32
    %mul3A_18 = arith.constant 80 : i32
    %mul3A_19 = arith.muli %add3A, %mul3A_18 : i32
    "tpu.region"() ({
      %run_scoped3A = tpu.sem_alloc : memref<!tpu.dma_semaphore, #tpu.memory_space<semaphore_mem>>
      %dma_start3A = arith.constant 0 : i32
      %dma_start3A_30 = tpu.memref_slice %arg2[%mul3A_19, %dma_start3A] : memref<2560x128xi32, #tpu.memory_space<hbm>> -> memref<80x128xi32, #tpu.memory_space<hbm>>
      %dma_start3A_31 = arith.constant 0 : i32
      %dma_start3A_32 = tpu.memref_slice %arg2[%mul3A_19, %dma_start3A_31] : memref<2560x128xi32, #tpu.memory_space<hbm>> -> memref<80x128xi32, #tpu.memory_space<hbm>>
      tpu.enqueue_dma source(%dma_start3A_32 : memref<80x128xi32, #tpu.memory_space<hbm>>) target(%arg4 : memref<80x128xi32, #tpu.memory_space<vmem>>) target_semaphore(%run_scoped3A : memref<!tpu.dma_semaphore, #tpu.memory_space<semaphore_mem>>)
      %dma_wait3A = arith.constant 0 : i32
      %dma_wait3A_33 = tpu.memref_slice %arg2[%mul3A_19, %dma_wait3A] : memref<2560x128xi32, #tpu.memory_space<hbm>> -> memref<80x128xi32, #tpu.memory_space<hbm>>
      %dma_wait3A_34 = arith.constant 0 : i32
      %dma_wait3A_35 = tpu.memref_slice %arg2[%mul3A_19, %dma_wait3A_34] : memref<2560x128xi32, #tpu.memory_space<hbm>> -> memref<80x128xi32, #tpu.memory_space<hbm>>
      tpu.wait_dma2 semaphore(%run_scoped3A : memref<!tpu.dma_semaphore, #tpu.memory_space<semaphore_mem>>) src(%dma_wait3A_35 : memref<80x128xi32, #tpu.memory_space<hbm>>) dst(%arg4 : memref<80x128xi32, #tpu.memory_space<vmem>>)
      tpu.yield
    }) : () -> ()
    %barrier3A = arith.constant 0 : index
    tpu.barrier barrier_id(%barrier3A)
    %scan3A_20 = arith.constant 0 : i32
    %scan3A_21 = arith.constant 10 : i32
    %scan3A_22 = arith.addi %scan3A_20, %scan3A_21 : i32
    %scan3A_23 = arith.constant 1 : i32
    scf.for %scan3A_30 = %scan3A_20 to %scan3A_22 step %scan3A_23  : i32 {
      %mul3A_31 = arith.constant 8 : i32
      %mul3A_32 = arith.muli %scan3A_30, %mul3A_31 : i32
      %add3A_33 = arith.constant 0 : i32
      %add3A_34 = arith.addi %add3A_33, %mul3A_32 : i32
      %add3A_35 = arith.constant 0 : i32
      %add3A_36 = arith.addi %add3A_34, %add3A_35 : i32
      %dma_start3A = arith.constant 0 : i32
      %dma_start3A_37 = arith.constant 0 : i32
      %dma_start3A_38 = tpu.memref_slice %arg4[%add3A_36, %dma_start3A_37] : memref<80x128xi32, #tpu.memory_space<vmem>> -> memref<1x128xi32, #tpu.memory_space<vmem>>
      %dma_start3A_39 = tpu.memref_squeeze %dma_start3A_38 : memref<1x128xi32, #tpu.memory_space<vmem>> -> memref<128xi32, #tpu.memory_space<vmem>>
      %dma_start3A_40 = arith.constant 0 : i32
      %dma_start3A_41 = arith.constant 0 : i32
      %dma_start3A_42 = tpu.memref_slice %arg7[%dma_start3A_40, %dma_start3A_41] : memref<10240x16xf32, #tpu.memory_space<vmem_shared>> -> memref<10240x16xf32, #tpu.memory_space<vmem_shared>>
      %dma_start3A_43 = tpu.memref_slice %arg8[%dma_start3A] : memref<8x!tpu.dma_semaphore, #tpu.memory_space<semaphore_mem>> -> memref<1x!tpu.dma_semaphore, #tpu.memory_space<semaphore_mem>>
      %dma_start3A_44 = tpu.memref_squeeze %dma_start3A_43 : memref<1x!tpu.dma_semaphore, #tpu.memory_space<semaphore_mem>> -> memref<!tpu.dma_semaphore, #tpu.memory_space<semaphore_mem>>
      tpu.enqueue_indirect_dma source(%arg5 : memref<128x16xf32, #tpu.memory_space<vmem>>) target(%dma_start3A_42 : memref<10240x16xf32, #tpu.memory_space<vmem_shared>>) offsets(%dma_start3A_39 : memref<128xi32, #tpu.memory_space<vmem>>) semaphore(%dma_start3A_44 : memref<!tpu.dma_semaphore, #tpu.memory_space<semaphore_mem>>) {add = true}
      %add3A_45 = arith.constant 1 : i32
      %add3A_46 = arith.addi %add3A_34, %add3A_45 : i32
      %dma_start3A_47 = arith.constant 1 : i32
      %dma_start3A_48 = arith.constant 0 : i32
      %dma_start3A_49 = tpu.memref_slice %arg4[%add3A_46, %dma_start3A_48] : memref<80x128xi32, #tpu.memory_space<vmem>> -> memref<1x128xi32, #tpu.memory_space<vmem>>
      %dma_start3A_50 = tpu.memref_squeeze %dma_start3A_49 : memref<1x128xi32, #tpu.memory_space<vmem>> -> memref<128xi32, #tpu.memory_space<vmem>>
      %dma_start3A_51 = arith.constant 0 : i32
      %dma_start3A_52 = arith.constant 0 : i32
      %dma_start3A_53 = tpu.memref_slice %arg7[%dma_start3A_51, %dma_start3A_52] : memref<10240x16xf32, #tpu.memory_space<vmem_shared>> -> memref<10240x16xf32, #tpu.memory_space<vmem_shared>>
      %dma_start3A_54 = tpu.memref_slice %arg8[%dma_start3A_47] : memref<8x!tpu.dma_semaphore, #tpu.memory_space<semaphore_mem>> -> memref<1x!tpu.dma_semaphore, #tpu.memory_space<semaphore_mem>>
      %dma_start3A_55 = tpu.memref_squeeze %dma_start3A_54 : memref<1x!tpu.dma_semaphore, #tpu.memory_space<semaphore_mem>> -> memref<!tpu.dma_semaphore, #tpu.memory_space<semaphore_mem>>
      tpu.enqueue_indirect_dma source(%arg5 : memref<128x16xf32, #tpu.memory_space<vmem>>) target(%dma_start3A_53 : memref<10240x16xf32, #tpu.memory_space<vmem_shared>>) offsets(%dma_start3A_50 : memref<128xi32, #tpu.memory_space<vmem>>) semaphore(%dma_start3A_55 : memref<!tpu.dma_semaphore, #tpu.memory_space<semaphore_mem>>) {add = true}
      %add3A_56 = arith.constant 2 : i32
      %add3A_57 = arith.addi %add3A_34, %add3A_56 : i32
      %dma_start3A_58 = arith.constant 2 : i32
      %dma_start3A_59 = arith.constant 0 : i32
      %dma_start3A_60 = tpu.memref_slice %arg4[%add3A_57, %dma_start3A_59] : memref<80x128xi32, #tpu.memory_space<vmem>> -> memref<1x128xi32, #tpu.memory_space<vmem>>
      %dma_start3A_61 = tpu.memref_squeeze %dma_start3A_60 : memref<1x128xi32, #tpu.memory_space<vmem>> -> memref<128xi32, #tpu.memory_space<vmem>>
      %dma_start3A_62 = arith.constant 0 : i32
      %dma_start3A_63 = arith.constant 0 : i32
      %dma_start3A_64 = tpu.memref_slice %arg7[%dma_start3A_62, %dma_start3A_63] : memref<10240x16xf32, #tpu.memory_space<vmem_shared>> -> memref<10240x16xf32, #tpu.memory_space<vmem_shared>>
      %dma_start3A_65 = tpu.memref_slice %arg8[%dma_start3A_58] : memref<8x!tpu.dma_semaphore, #tpu.memory_space<semaphore_mem>> -> memref<1x!tpu.dma_semaphore, #tpu.memory_space<semaphore_mem>>
      %dma_start3A_66 = tpu.memref_squeeze %dma_start3A_65 : memref<1x!tpu.dma_semaphore, #tpu.memory_space<semaphore_mem>> -> memref<!tpu.dma_semaphore, #tpu.memory_space<semaphore_mem>>
      tpu.enqueue_indirect_dma source(%arg5 : memref<128x16xf32, #tpu.memory_space<vmem>>) target(%dma_start3A_64 : memref<10240x16xf32, #tpu.memory_space<vmem_shared>>) offsets(%dma_start3A_61 : memref<128xi32, #tpu.memory_space<vmem>>) semaphore(%dma_start3A_66 : memref<!tpu.dma_semaphore, #tpu.memory_space<semaphore_mem>>) {add = true}
      %add3A_67 = arith.constant 3 : i32
      %add3A_68 = arith.addi %add3A_34, %add3A_67 : i32
      %dma_start3A_69 = arith.constant 3 : i32
      %dma_start3A_70 = arith.constant 0 : i32
      %dma_start3A_71 = tpu.memref_slice %arg4[%add3A_68, %dma_start3A_70] : memref<80x128xi32, #tpu.memory_space<vmem>> -> memref<1x128xi32, #tpu.memory_space<vmem>>
      %dma_start3A_72 = tpu.memref_squeeze %dma_start3A_71 : memref<1x128xi32, #tpu.memory_space<vmem>> -> memref<128xi32, #tpu.memory_space<vmem>>
      %dma_start3A_73 = arith.constant 0 : i32
      %dma_start3A_74 = arith.constant 0 : i32
      %dma_start3A_75 = tpu.memref_slice %arg7[%dma_start3A_73, %dma_start3A_74] : memref<10240x16xf32, #tpu.memory_space<vmem_shared>> -> memref<10240x16xf32, #tpu.memory_space<vmem_shared>>
      %dma_start3A_76 = tpu.memref_slice %arg8[%dma_start3A_69] : memref<8x!tpu.dma_semaphore, #tpu.memory_space<semaphore_mem>> -> memref<1x!tpu.dma_semaphore, #tpu.memory_space<semaphore_mem>>
      %dma_start3A_77 = tpu.memref_squeeze %dma_start3A_76 : memref<1x!tpu.dma_semaphore, #tpu.memory_space<semaphore_mem>> -> memref<!tpu.dma_semaphore, #tpu.memory_space<semaphore_mem>>
      tpu.enqueue_indirect_dma source(%arg5 : memref<128x16xf32, #tpu.memory_space<vmem>>) target(%dma_start3A_75 : memref<10240x16xf32, #tpu.memory_space<vmem_shared>>) offsets(%dma_start3A_72 : memref<128xi32, #tpu.memory_space<vmem>>) semaphore(%dma_start3A_77 : memref<!tpu.dma_semaphore, #tpu.memory_space<semaphore_mem>>) {add = true}
      %add3A_78 = arith.constant 4 : i32
      %add3A_79 = arith.addi %add3A_34, %add3A_78 : i32
      %dma_start3A_80 = arith.constant 4 : i32
      %dma_start3A_81 = arith.constant 0 : i32
      %dma_start3A_82 = tpu.memref_slice %arg4[%add3A_79, %dma_start3A_81] : memref<80x128xi32, #tpu.memory_space<vmem>> -> memref<1x128xi32, #tpu.memory_space<vmem>>
      %dma_start3A_83 = tpu.memref_squeeze %dma_start3A_82 : memref<1x128xi32, #tpu.memory_space<vmem>> -> memref<128xi32, #tpu.memory_space<vmem>>
      %dma_start3A_84 = arith.constant 0 : i32
      %dma_start3A_85 = arith.constant 0 : i32
      %dma_start3A_86 = tpu.memref_slice %arg7[%dma_start3A_84, %dma_start3A_85] : memref<10240x16xf32, #tpu.memory_space<vmem_shared>> -> memref<10240x16xf32, #tpu.memory_space<vmem_shared>>
      %dma_start3A_87 = tpu.memref_slice %arg8[%dma_start3A_80] : memref<8x!tpu.dma_semaphore, #tpu.memory_space<semaphore_mem>> -> memref<1x!tpu.dma_semaphore, #tpu.memory_space<semaphore_mem>>
      %dma_start3A_88 = tpu.memref_squeeze %dma_start3A_87 : memref<1x!tpu.dma_semaphore, #tpu.memory_space<semaphore_mem>> -> memref<!tpu.dma_semaphore, #tpu.memory_space<semaphore_mem>>
      tpu.enqueue_indirect_dma source(%arg5 : memref<128x16xf32, #tpu.memory_space<vmem>>) target(%dma_start3A_86 : memref<10240x16xf32, #tpu.memory_space<vmem_shared>>) offsets(%dma_start3A_83 : memref<128xi32, #tpu.memory_space<vmem>>) semaphore(%dma_start3A_88 : memref<!tpu.dma_semaphore, #tpu.memory_space<semaphore_mem>>) {add = true}
      %add3A_89 = arith.constant 5 : i32
      %add3A_90 = arith.addi %add3A_34, %add3A_89 : i32
      %dma_start3A_91 = arith.constant 5 : i32
      %dma_start3A_92 = arith.constant 0 : i32
      %dma_start3A_93 = tpu.memref_slice %arg4[%add3A_90, %dma_start3A_92] : memref<80x128xi32, #tpu.memory_space<vmem>> -> memref<1x128xi32, #tpu.memory_space<vmem>>
      %dma_start3A_94 = tpu.memref_squeeze %dma_start3A_93 : memref<1x128xi32, #tpu.memory_space<vmem>> -> memref<128xi32, #tpu.memory_space<vmem>>
      %dma_start3A_95 = arith.constant 0 : i32
      %dma_start3A_96 = arith.constant 0 : i32
      %dma_start3A_97 = tpu.memref_slice %arg7[%dma_start3A_95, %dma_start3A_96] : memref<10240x16xf32, #tpu.memory_space<vmem_shared>> -> memref<10240x16xf32, #tpu.memory_space<vmem_shared>>
      %dma_start3A_98 = tpu.memref_slice %arg8[%dma_start3A_91] : memref<8x!tpu.dma_semaphore, #tpu.memory_space<semaphore_mem>> -> memref<1x!tpu.dma_semaphore, #tpu.memory_space<semaphore_mem>>
      %dma_start3A_99 = tpu.memref_squeeze %dma_start3A_98 : memref<1x!tpu.dma_semaphore, #tpu.memory_space<semaphore_mem>> -> memref<!tpu.dma_semaphore, #tpu.memory_space<semaphore_mem>>
      tpu.enqueue_indirect_dma source(%arg5 : memref<128x16xf32, #tpu.memory_space<vmem>>) target(%dma_start3A_97 : memref<10240x16xf32, #tpu.memory_space<vmem_shared>>) offsets(%dma_start3A_94 : memref<128xi32, #tpu.memory_space<vmem>>) semaphore(%dma_start3A_99 : memref<!tpu.dma_semaphore, #tpu.memory_space<semaphore_mem>>) {add = true}
      %add3A_100 = arith.constant 6 : i32
      %add3A_101 = arith.addi %add3A_34, %add3A_100 : i32
      %dma_start3A_102 = arith.constant 6 : i32
      %dma_start3A_103 = arith.constant 0 : i32
      %dma_start3A_104 = tpu.memref_slice %arg4[%add3A_101, %dma_start3A_103] : memref<80x128xi32, #tpu.memory_space<vmem>> -> memref<1x128xi32, #tpu.memory_space<vmem>>
      %dma_start3A_105 = tpu.memref_squeeze %dma_start3A_104 : memref<1x128xi32, #tpu.memory_space<vmem>> -> memref<128xi32, #tpu.memory_space<vmem>>
      %dma_start3A_106 = arith.constant 0 : i32
      %dma_start3A_107 = arith.constant 0 : i32
      %dma_start3A_108 = tpu.memref_slice %arg7[%dma_start3A_106, %dma_start3A_107] : memref<10240x16xf32, #tpu.memory_space<vmem_shared>> -> memref<10240x16xf32, #tpu.memory_space<vmem_shared>>
      %dma_start3A_109 = tpu.memref_slice %arg8[%dma_start3A_102] : memref<8x!tpu.dma_semaphore, #tpu.memory_space<semaphore_mem>> -> memref<1x!tpu.dma_semaphore, #tpu.memory_space<semaphore_mem>>
      %dma_start3A_110 = tpu.memref_squeeze %dma_start3A_109 : memref<1x!tpu.dma_semaphore, #tpu.memory_space<semaphore_mem>> -> memref<!tpu.dma_semaphore, #tpu.memory_space<semaphore_mem>>
      tpu.enqueue_indirect_dma source(%arg5 : memref<128x16xf32, #tpu.memory_space<vmem>>) target(%dma_start3A_108 : memref<10240x16xf32, #tpu.memory_space<vmem_shared>>) offsets(%dma_start3A_105 : memref<128xi32, #tpu.memory_space<vmem>>) semaphore(%dma_start3A_110 : memref<!tpu.dma_semaphore, #tpu.memory_space<semaphore_mem>>) {add = true}
      %add3A_111 = arith.constant 7 : i32
      %add3A_112 = arith.addi %add3A_34, %add3A_111 : i32
      %dma_start3A_113 = arith.constant 7 : i32
      %dma_start3A_114 = arith.constant 0 : i32
      %dma_start3A_115 = tpu.memref_slice %arg4[%add3A_112, %dma_start3A_114] : memref<80x128xi32, #tpu.memory_space<vmem>> -> memref<1x128xi32, #tpu.memory_space<vmem>>
      %dma_start3A_116 = tpu.memref_squeeze %dma_start3A_115 : memref<1x128xi32, #tpu.memory_space<vmem>> -> memref<128xi32, #tpu.memory_space<vmem>>
      %dma_start3A_117 = arith.constant 0 : i32
      %dma_start3A_118 = arith.constant 0 : i32
      %dma_start3A_119 = tpu.memref_slice %arg7[%dma_start3A_117, %dma_start3A_118] : memref<10240x16xf32, #tpu.memory_space<vmem_shared>> -> memref<10240x16xf32, #tpu.memory_space<vmem_shared>>
      %dma_start3A_120 = tpu.memref_slice %arg8[%dma_start3A_113] : memref<8x!tpu.dma_semaphore, #tpu.memory_space<semaphore_mem>> -> memref<1x!tpu.dma_semaphore, #tpu.memory_space<semaphore_mem>>
      %dma_start3A_121 = tpu.memref_squeeze %dma_start3A_120 : memref<1x!tpu.dma_semaphore, #tpu.memory_space<semaphore_mem>> -> memref<!tpu.dma_semaphore, #tpu.memory_space<semaphore_mem>>
      tpu.enqueue_indirect_dma source(%arg5 : memref<128x16xf32, #tpu.memory_space<vmem>>) target(%dma_start3A_119 : memref<10240x16xf32, #tpu.memory_space<vmem_shared>>) offsets(%dma_start3A_116 : memref<128xi32, #tpu.memory_space<vmem>>) semaphore(%dma_start3A_121 : memref<!tpu.dma_semaphore, #tpu.memory_space<semaphore_mem>>) {add = true}
      %add3A_122 = arith.constant 0 : i32
      %add3A_123 = arith.addi %add3A_34, %add3A_122 : i32
      %dma_wait3A = arith.constant 0 : i32
      %dma_wait3A_124 = arith.constant 0 : i32
      %dma_wait3A_125 = tpu.memref_slice %arg4[%add3A_123, %dma_wait3A_124] : memref<80x128xi32, #tpu.memory_space<vmem>> -> memref<1x128xi32, #tpu.memory_space<vmem>>
      %dma_wait3A_126 = tpu.memref_squeeze %dma_wait3A_125 : memref<1x128xi32, #tpu.memory_space<vmem>> -> memref<128xi32, #tpu.memory_space<vmem>>
      %dma_wait3A_127 = arith.constant 0 : i32
      %dma_wait3A_128 = arith.constant 0 : i32
      %dma_wait3A_129 = tpu.memref_slice %arg7[%dma_wait3A_127, %dma_wait3A_128] : memref<10240x16xf32, #tpu.memory_space<vmem_shared>> -> memref<10240x16xf32, #tpu.memory_space<vmem_shared>>
      %dma_wait3A_130 = tpu.memref_slice %arg8[%dma_wait3A] : memref<8x!tpu.dma_semaphore, #tpu.memory_space<semaphore_mem>> -> memref<1x!tpu.dma_semaphore, #tpu.memory_space<semaphore_mem>>
      %dma_wait3A_131 = tpu.memref_squeeze %dma_wait3A_130 : memref<1x!tpu.dma_semaphore, #tpu.memory_space<semaphore_mem>> -> memref<!tpu.dma_semaphore, #tpu.memory_space<semaphore_mem>>
      tpu.wait_indirect_dma semaphore(%dma_wait3A_131 : memref<!tpu.dma_semaphore, #tpu.memory_space<semaphore_mem>>) src(%arg5 : memref<128x16xf32, #tpu.memory_space<vmem>>) dst(%dma_wait3A_129 : memref<10240x16xf32, #tpu.memory_space<vmem_shared>>)
      %add3A_132 = arith.constant 1 : i32
      %add3A_133 = arith.addi %add3A_34, %add3A_132 : i32
      %dma_wait3A_134 = arith.constant 1 : i32
      %dma_wait3A_135 = arith.constant 0 : i32
      %dma_wait3A_136 = tpu.memref_slice %arg4[%add3A_133, %dma_wait3A_135] : memref<80x128xi32, #tpu.memory_space<vmem>> -> memref<1x128xi32, #tpu.memory_space<vmem>>
      %dma_wait3A_137 = tpu.memref_squeeze %dma_wait3A_136 : memref<1x128xi32, #tpu.memory_space<vmem>> -> memref<128xi32, #tpu.memory_space<vmem>>
      %dma_wait3A_138 = arith.constant 0 : i32
      %dma_wait3A_139 = arith.constant 0 : i32
      %dma_wait3A_140 = tpu.memref_slice %arg7[%dma_wait3A_138, %dma_wait3A_139] : memref<10240x16xf32, #tpu.memory_space<vmem_shared>> -> memref<10240x16xf32, #tpu.memory_space<vmem_shared>>
      %dma_wait3A_141 = tpu.memref_slice %arg8[%dma_wait3A_134] : memref<8x!tpu.dma_semaphore, #tpu.memory_space<semaphore_mem>> -> memref<1x!tpu.dma_semaphore, #tpu.memory_space<semaphore_mem>>
      %dma_wait3A_142 = tpu.memref_squeeze %dma_wait3A_141 : memref<1x!tpu.dma_semaphore, #tpu.memory_space<semaphore_mem>> -> memref<!tpu.dma_semaphore, #tpu.memory_space<semaphore_mem>>
      tpu.wait_indirect_dma semaphore(%dma_wait3A_142 : memref<!tpu.dma_semaphore, #tpu.memory_space<semaphore_mem>>) src(%arg5 : memref<128x16xf32, #tpu.memory_space<vmem>>) dst(%dma_wait3A_140 : memref<10240x16xf32, #tpu.memory_space<vmem_shared>>)
      %add3A_143 = arith.constant 2 : i32
      %add3A_144 = arith.addi %add3A_34, %add3A_143 : i32
      %dma_wait3A_145 = arith.constant 2 : i32
      %dma_wait3A_146 = arith.constant 0 : i32
      %dma_wait3A_147 = tpu.memref_slice %arg4[%add3A_144, %dma_wait3A_146] : memref<80x128xi32, #tpu.memory_space<vmem>> -> memref<1x128xi32, #tpu.memory_space<vmem>>
      %dma_wait3A_148 = tpu.memref_squeeze %dma_wait3A_147 : memref<1x128xi32, #tpu.memory_space<vmem>> -> memref<128xi32, #tpu.memory_space<vmem>>
      %dma_wait3A_149 = arith.constant 0 : i32
      %dma_wait3A_150 = arith.constant 0 : i32
      %dma_wait3A_151 = tpu.memref_slice %arg7[%dma_wait3A_149, %dma_wait3A_150] : memref<10240x16xf32, #tpu.memory_space<vmem_shared>> -> memref<10240x16xf32, #tpu.memory_space<vmem_shared>>
      %dma_wait3A_152 = tpu.memref_slice %arg8[%dma_wait3A_145] : memref<8x!tpu.dma_semaphore, #tpu.memory_space<semaphore_mem>> -> memref<1x!tpu.dma_semaphore, #tpu.memory_space<semaphore_mem>>
      %dma_wait3A_153 = tpu.memref_squeeze %dma_wait3A_152 : memref<1x!tpu.dma_semaphore, #tpu.memory_space<semaphore_mem>> -> memref<!tpu.dma_semaphore, #tpu.memory_space<semaphore_mem>>
      tpu.wait_indirect_dma semaphore(%dma_wait3A_153 : memref<!tpu.dma_semaphore, #tpu.memory_space<semaphore_mem>>) src(%arg5 : memref<128x16xf32, #tpu.memory_space<vmem>>) dst(%dma_wait3A_151 : memref<10240x16xf32, #tpu.memory_space<vmem_shared>>)
      %add3A_154 = arith.constant 3 : i32
      %add3A_155 = arith.addi %add3A_34, %add3A_154 : i32
      %dma_wait3A_156 = arith.constant 3 : i32
      %dma_wait3A_157 = arith.constant 0 : i32
      %dma_wait3A_158 = tpu.memref_slice %arg4[%add3A_155, %dma_wait3A_157] : memref<80x128xi32, #tpu.memory_space<vmem>> -> memref<1x128xi32, #tpu.memory_space<vmem>>
      %dma_wait3A_159 = tpu.memref_squeeze %dma_wait3A_158 : memref<1x128xi32, #tpu.memory_space<vmem>> -> memref<128xi32, #tpu.memory_space<vmem>>
      %dma_wait3A_160 = arith.constant 0 : i32
      %dma_wait3A_161 = arith.constant 0 : i32
      %dma_wait3A_162 = tpu.memref_slice %arg7[%dma_wait3A_160, %dma_wait3A_161] : memref<10240x16xf32, #tpu.memory_space<vmem_shared>> -> memref<10240x16xf32, #tpu.memory_space<vmem_shared>>
      %dma_wait3A_163 = tpu.memref_slice %arg8[%dma_wait3A_156] : memref<8x!tpu.dma_semaphore, #tpu.memory_space<semaphore_mem>> -> memref<1x!tpu.dma_semaphore, #tpu.memory_space<semaphore_mem>>
      %dma_wait3A_164 = tpu.memref_squeeze %dma_wait3A_163 : memref<1x!tpu.dma_semaphore, #tpu.memory_space<semaphore_mem>> -> memref<!tpu.dma_semaphore, #tpu.memory_space<semaphore_mem>>
      tpu.wait_indirect_dma semaphore(%dma_wait3A_164 : memref<!tpu.dma_semaphore, #tpu.memory_space<semaphore_mem>>) src(%arg5 : memref<128x16xf32, #tpu.memory_space<vmem>>) dst(%dma_wait3A_162 : memref<10240x16xf32, #tpu.memory_space<vmem_shared>>)
      %add3A_165 = arith.constant 4 : i32
      %add3A_166 = arith.addi %add3A_34, %add3A_165 : i32
      %dma_wait3A_167 = arith.constant 4 : i32
      %dma_wait3A_168 = arith.constant 0 : i32
      %dma_wait3A_169 = tpu.memref_slice %arg4[%add3A_166, %dma_wait3A_168] : memref<80x128xi32, #tpu.memory_space<vmem>> -> memref<1x128xi32, #tpu.memory_space<vmem>>
      %dma_wait3A_170 = tpu.memref_squeeze %dma_wait3A_169 : memref<1x128xi32, #tpu.memory_space<vmem>> -> memref<128xi32, #tpu.memory_space<vmem>>
      %dma_wait3A_171 = arith.constant 0 : i32
      %dma_wait3A_172 = arith.constant 0 : i32
      %dma_wait3A_173 = tpu.memref_slice %arg7[%dma_wait3A_171, %dma_wait3A_172] : memref<10240x16xf32, #tpu.memory_space<vmem_shared>> -> memref<10240x16xf32, #tpu.memory_space<vmem_shared>>
      %dma_wait3A_174 = tpu.memref_slice %arg8[%dma_wait3A_167] : memref<8x!tpu.dma_semaphore, #tpu.memory_space<semaphore_mem>> -> memref<1x!tpu.dma_semaphore, #tpu.memory_space<semaphore_mem>>
      %dma_wait3A_175 = tpu.memref_squeeze %dma_wait3A_174 : memref<1x!tpu.dma_semaphore, #tpu.memory_space<semaphore_mem>> -> memref<!tpu.dma_semaphore, #tpu.memory_space<semaphore_mem>>
      tpu.wait_indirect_dma semaphore(%dma_wait3A_175 : memref<!tpu.dma_semaphore, #tpu.memory_space<semaphore_mem>>) src(%arg5 : memref<128x16xf32, #tpu.memory_space<vmem>>) dst(%dma_wait3A_173 : memref<10240x16xf32, #tpu.memory_space<vmem_shared>>)
      %add3A_176 = arith.constant 5 : i32
      %add3A_177 = arith.addi %add3A_34, %add3A_176 : i32
      %dma_wait3A_178 = arith.constant 5 : i32
      %dma_wait3A_179 = arith.constant 0 : i32
      %dma_wait3A_180 = tpu.memref_slice %arg4[%add3A_177, %dma_wait3A_179] : memref<80x128xi32, #tpu.memory_space<vmem>> -> memref<1x128xi32, #tpu.memory_space<vmem>>
      %dma_wait3A_181 = tpu.memref_squeeze %dma_wait3A_180 : memref<1x128xi32, #tpu.memory_space<vmem>> -> memref<128xi32, #tpu.memory_space<vmem>>
      %dma_wait3A_182 = arith.constant 0 : i32
      %dma_wait3A_183 = arith.constant 0 : i32
      %dma_wait3A_184 = tpu.memref_slice %arg7[%dma_wait3A_182, %dma_wait3A_183] : memref<10240x16xf32, #tpu.memory_space<vmem_shared>> -> memref<10240x16xf32, #tpu.memory_space<vmem_shared>>
      %dma_wait3A_185 = tpu.memref_slice %arg8[%dma_wait3A_178] : memref<8x!tpu.dma_semaphore, #tpu.memory_space<semaphore_mem>> -> memref<1x!tpu.dma_semaphore, #tpu.memory_space<semaphore_mem>>
      %dma_wait3A_186 = tpu.memref_squeeze %dma_wait3A_185 : memref<1x!tpu.dma_semaphore, #tpu.memory_space<semaphore_mem>> -> memref<!tpu.dma_semaphore, #tpu.memory_space<semaphore_mem>>
      tpu.wait_indirect_dma semaphore(%dma_wait3A_186 : memref<!tpu.dma_semaphore, #tpu.memory_space<semaphore_mem>>) src(%arg5 : memref<128x16xf32, #tpu.memory_space<vmem>>) dst(%dma_wait3A_184 : memref<10240x16xf32, #tpu.memory_space<vmem_shared>>)
      %add3A_187 = arith.constant 6 : i32
      %add3A_188 = arith.addi %add3A_34, %add3A_187 : i32
      %dma_wait3A_189 = arith.constant 6 : i32
      %dma_wait3A_190 = arith.constant 0 : i32
      %dma_wait3A_191 = tpu.memref_slice %arg4[%add3A_188, %dma_wait3A_190] : memref<80x128xi32, #tpu.memory_space<vmem>> -> memref<1x128xi32, #tpu.memory_space<vmem>>
      %dma_wait3A_192 = tpu.memref_squeeze %dma_wait3A_191 : memref<1x128xi32, #tpu.memory_space<vmem>> -> memref<128xi32, #tpu.memory_space<vmem>>
      %dma_wait3A_193 = arith.constant 0 : i32
      %dma_wait3A_194 = arith.constant 0 : i32
      %dma_wait3A_195 = tpu.memref_slice %arg7[%dma_wait3A_193, %dma_wait3A_194] : memref<10240x16xf32, #tpu.memory_space<vmem_shared>> -> memref<10240x16xf32, #tpu.memory_space<vmem_shared>>
      %dma_wait3A_196 = tpu.memref_slice %arg8[%dma_wait3A_189] : memref<8x!tpu.dma_semaphore, #tpu.memory_space<semaphore_mem>> -> memref<1x!tpu.dma_semaphore, #tpu.memory_space<semaphore_mem>>
      %dma_wait3A_197 = tpu.memref_squeeze %dma_wait3A_196 : memref<1x!tpu.dma_semaphore, #tpu.memory_space<semaphore_mem>> -> memref<!tpu.dma_semaphore, #tpu.memory_space<semaphore_mem>>
      tpu.wait_indirect_dma semaphore(%dma_wait3A_197 : memref<!tpu.dma_semaphore, #tpu.memory_space<semaphore_mem>>) src(%arg5 : memref<128x16xf32, #tpu.memory_space<vmem>>) dst(%dma_wait3A_195 : memref<10240x16xf32, #tpu.memory_space<vmem_shared>>)
      %add3A_198 = arith.constant 7 : i32
      %add3A_199 = arith.addi %add3A_34, %add3A_198 : i32
      %dma_wait3A_200 = arith.constant 7 : i32
      %dma_wait3A_201 = arith.constant 0 : i32
      %dma_wait3A_202 = tpu.memref_slice %arg4[%add3A_199, %dma_wait3A_201] : memref<80x128xi32, #tpu.memory_space<vmem>> -> memref<1x128xi32, #tpu.memory_space<vmem>>
      %dma_wait3A_203 = tpu.memref_squeeze %dma_wait3A_202 : memref<1x128xi32, #tpu.memory_space<vmem>> -> memref<128xi32, #tpu.memory_space<vmem>>
      %dma_wait3A_204 = arith.constant 0 : i32
      %dma_wait3A_205 = arith.constant 0 : i32
      %dma_wait3A_206 = tpu.memref_slice %arg7[%dma_wait3A_204, %dma_wait3A_205] : memref<10240x16xf32, #tpu.memory_space<vmem_shared>> -> memref<10240x16xf32, #tpu.memory_space<vmem_shared>>
      %dma_wait3A_207 = tpu.memref_slice %arg8[%dma_wait3A_200] : memref<8x!tpu.dma_semaphore, #tpu.memory_space<semaphore_mem>> -> memref<1x!tpu.dma_semaphore, #tpu.memory_space<semaphore_mem>>
      %dma_wait3A_208 = tpu.memref_squeeze %dma_wait3A_207 : memref<1x!tpu.dma_semaphore, #tpu.memory_space<semaphore_mem>> -> memref<!tpu.dma_semaphore, #tpu.memory_space<semaphore_mem>>
      tpu.wait_indirect_dma semaphore(%dma_wait3A_208 : memref<!tpu.dma_semaphore, #tpu.memory_space<semaphore_mem>>) src(%arg5 : memref<128x16xf32, #tpu.memory_space<vmem>>) dst(%dma_wait3A_206 : memref<10240x16xf32, #tpu.memory_space<vmem_shared>>)
    }
    %scan3A_24 = arith.constant 10 : i32
    %barrier3A_25 = arith.constant 0 : index
    tpu.barrier barrier_id(%barrier3A_25)
    %mul3A_26 = arith.constant 640 : i32
    %mul3A_27 = arith.muli %arg1, %mul3A_26 : i32
    %mul3A_28 = arith.constant 640 : i32
    %mul3A_29 = arith.muli %arg1, %mul3A_28 : i32
    "tpu.region"() ({
      %run_scoped3A = tpu.sem_alloc : memref<!tpu.dma_semaphore, #tpu.memory_space<semaphore_mem>>
      %dma_start3A = arith.constant 0 : i32
      %dma_start3A_30 = tpu.memref_slice %arg3[%arg0, %mul3A_29, %dma_start3A] : memref<2x10240x16xf32, #tpu.memory_space<hbm>> -> memref<1x640x16xf32, #tpu.memory_space<hbm>>
      %dma_start3A_31 = tpu.memref_squeeze %dma_start3A_30 : memref<1x640x16xf32, #tpu.memory_space<hbm>> -> memref<640x16xf32, #tpu.memory_space<hbm>>
      %dma_start3A_32 = arith.constant 0 : i32
      %dma_start3A_33 = tpu.memref_slice %arg7[%mul3A_27, %dma_start3A_32] : memref<10240x16xf32, #tpu.memory_space<vmem_shared>> -> memref<640x16xf32, #tpu.memory_space<vmem_shared>>
      tpu.enqueue_dma source(%dma_start3A_33 : memref<640x16xf32, #tpu.memory_space<vmem_shared>>) target(%dma_start3A_31 : memref<640x16xf32, #tpu.memory_space<hbm>>) target_semaphore(%run_scoped3A : memref<!tpu.dma_semaphore, #tpu.memory_space<semaphore_mem>>)
      %dma_wait3A = arith.constant 0 : i32
      %dma_wait3A_34 = tpu.memref_slice %arg3[%arg0, %mul3A_29, %dma_wait3A] : memref<2x10240x16xf32, #tpu.memory_space<hbm>> -> memref<1x640x16xf32, #tpu.memory_space<hbm>>
      %dma_wait3A_35 = tpu.memref_squeeze %dma_wait3A_34 : memref<1x640x16xf32, #tpu.memory_space<hbm>> -> memref<640x16xf32, #tpu.memory_space<hbm>>
      %dma_wait3A_36 = arith.constant 0 : i32
      %dma_wait3A_37 = tpu.memref_slice %arg7[%mul3A_27, %dma_wait3A_36] : memref<10240x16xf32, #tpu.memory_space<vmem_shared>> -> memref<640x16xf32, #tpu.memory_space<vmem_shared>>
      tpu.wait_dma2 semaphore(%run_scoped3A : memref<!tpu.dma_semaphore, #tpu.memory_space<semaphore_mem>>) src(%dma_wait3A_37 : memref<640x16xf32, #tpu.memory_space<vmem_shared>>) dst(%dma_wait3A_35 : memref<640x16xf32, #tpu.memory_space<hbm>>)
      tpu.yield
    }) : () -> ()
    return
  }
}

#map = affine_map<(d0, d1) -> (0, 0)>
#map1 = affine_map<(d0, d1) -> (0, 0, 0)>
module attributes {stable_mosaic.version = 14 : i64} {
  func.func @agg_kernel(%arg0: i32, %arg1: i32, %arg2: memref<10240x128xf32, #tpu.memory_space<hbm>>, %arg3: memref<5120x64xi32, #tpu.memory_space<hbm>>, %arg4: memref<5120x64xi32, #tpu.memory_space<hbm>>, %arg5: memref<2x10240x128xf32, #tpu.memory_space<hbm>>, %arg6: memref<40x64xi32, #tpu.memory_space<vmem>>, %arg7: memref<40x64xi32, #tpu.memory_space<vmem>>, %arg8: memref<4x64x128xf32, #tpu.memory_space<vmem>>, %arg9: memref<10240x128xf32, #tpu.memory_space<vmem_shared>>, %arg10: memref<4x!tpu.dma_semaphore, #tpu.memory_space<semaphore_mem>>, %arg11: memref<4x!tpu.dma_semaphore, #tpu.memory_space<semaphore_mem>>) attributes {dimension_semantics = [#tpu.dimension_semantics<core_parallel>, #tpu.dimension_semantics<subcore_parallel>], iteration_bounds = array<i64: 2, 16>, scalar_prefetch = 0 : i64, scratch_operands = 6 : i64, tpu.core_type = #tpu.core_type<sc_vector_subcore>, window_params = [{transform_indices = #map}, {transform_indices = #map}, {transform_indices = #map}, {transform_indices = #map1}]} {
    %mul3A = arith.constant 16 : i32
    %mul3A_0 = arith.muli %arg0, %mul3A : i32
    %add3A = arith.addi %mul3A_0, %arg1 : i32
    %broadcast_in_dim3A = arith.constant 0.000000e+00 : f32
    %broadcast_in_dim3A_1 = vector.broadcast %broadcast_in_dim3A : f32 to vector<16xf32>
    %scan3A = arith.constant 0 : i32
    %scan3A_2 = arith.constant 0 : i32
    %scan3A_3 = arith.constant 64 : i32
    %scan3A_4 = arith.addi %scan3A_2, %scan3A_3 : i32
    %scan3A_5 = arith.constant 1 : i32
    scf.for %scan3A_22 = %scan3A_2 to %scan3A_4 step %scan3A_5  : i32 {
      %mul3A_23 = arith.constant 1 : i32
      %mul3A_24 = arith.muli %scan3A_22, %mul3A_23 : i32
      %add3A_25 = arith.constant 0 : i32
      %add3A_26 = arith.addi %add3A_25, %mul3A_24 : i32
      %swap3A = arith.constant 0 : i32
      %swap3A_27 = arith.constant 0 : i32
      %swap3A_28 = tpu.memref_slice %arg8[%scan3A, %swap3A, %swap3A_27] : memref<4x64x128xf32, #tpu.memory_space<vmem>> -> memref<1x64x128xf32, #tpu.memory_space<vmem>>
      %swap3A_29 = tpu.memref_squeeze %swap3A_28 : memref<1x64x128xf32, #tpu.memory_space<vmem>> -> memref<64x128xf32, #tpu.memory_space<vmem>>
      %swap3A_30 = arith.constant 0 : i32
      %swap3A_31 = tpu.memref_slice %swap3A_29[%add3A_26, %swap3A_30] : memref<64x128xf32, #tpu.memory_space<vmem>> -> memref<1x128xf32, #tpu.memory_space<vmem>>
      %swap3A_32 = tpu.memref_squeeze %swap3A_31 : memref<1x128xf32, #tpu.memory_space<vmem>> -> memref<128xf32, #tpu.memory_space<vmem>>
      %swap3A_33 = arith.constant 0 : index
      %swap3A_34 = tpu.vector_load %swap3A_32[%swap3A_33] {strides = array<i32>} : memref<128xf32, #tpu.memory_space<vmem>>, vector<16xf32>,
      %swap3A_35 = vector.shape_cast %swap3A_34 : vector<16xf32> to vector<16xf32>
      %swap3A_36 = vector.shape_cast %broadcast_in_dim3A_1 : vector<16xf32> to vector<16xf32>
      tpu.vector_store %swap3A_32[%swap3A_33], %swap3A_36 {strides = array<i32>} : memref<128xf32, #tpu.memory_space<vmem>>, vector<16xf32>,
      %swap3A_37 = arith.constant 0 : i32
      %swap3A_38 = arith.constant 0 : i32
      %swap3A_39 = tpu.memref_slice %arg8[%scan3A, %swap3A_37, %swap3A_38] : memref<4x64x128xf32, #tpu.memory_space<vmem>> -> memref<1x64x128xf32, #tpu.memory_space<vmem>>
      %swap3A_40 = tpu.memref_squeeze %swap3A_39 : memref<1x64x128xf32, #tpu.memory_space<vmem>> -> memref<64x128xf32, #tpu.memory_space<vmem>>
      %swap3A_41 = arith.constant 0 : i32
      %swap3A_42 = tpu.memref_slice %swap3A_40[%add3A_26, %swap3A_41] : memref<64x128xf32, #tpu.memory_space<vmem>> -> memref<1x128xf32, #tpu.memory_space<vmem>>
      %swap3A_43 = tpu.memref_squeeze %swap3A_42 : memref<1x128xf32, #tpu.memory_space<vmem>> -> memref<128xf32, #tpu.memory_space<vmem>>
      %swap3A_44 = arith.constant 16 : index
      %swap3A_45 = tpu.vector_load %swap3A_43[%swap3A_44] {strides = array<i32>} : memref<128xf32, #tpu.memory_space<vmem>>, vector<16xf32>,
      %swap3A_46 = vector.shape_cast %swap3A_45 : vector<16xf32> to vector<16xf32>
      %swap3A_47 = vector.shape_cast %broadcast_in_dim3A_1 : vector<16xf32> to vector<16xf32>
      tpu.vector_store %swap3A_43[%swap3A_44], %swap3A_47 {strides = array<i32>} : memref<128xf32, #tpu.memory_space<vmem>>, vector<16xf32>,
      %swap3A_48 = arith.constant 0 : i32
      %swap3A_49 = arith.constant 0 : i32
      %swap3A_50 = tpu.memref_slice %arg8[%scan3A, %swap3A_48, %swap3A_49] : memref<4x64x128xf32, #tpu.memory_space<vmem>> -> memref<1x64x128xf32, #tpu.memory_space<vmem>>
      %swap3A_51 = tpu.memref_squeeze %swap3A_50 : memref<1x64x128xf32, #tpu.memory_space<vmem>> -> memref<64x128xf32, #tpu.memory_space<vmem>>
      %swap3A_52 = arith.constant 0 : i32
      %swap3A_53 = tpu.memref_slice %swap3A_51[%add3A_26, %swap3A_52] : memref<64x128xf32, #tpu.memory_space<vmem>> -> memref<1x128xf32, #tpu.memory_space<vmem>>
      %swap3A_54 = tpu.memref_squeeze %swap3A_53 : memref<1x128xf32, #tpu.memory_space<vmem>> -> memref<128xf32, #tpu.memory_space<vmem>>
      %swap3A_55 = arith.constant 32 : index
      %swap3A_56 = tpu.vector_load %swap3A_54[%swap3A_55] {strides = array<i32>} : memref<128xf32, #tpu.memory_space<vmem>>, vector<16xf32>,
      %swap3A_57 = vector.shape_cast %swap3A_56 : vector<16xf32> to vector<16xf32>
      %swap3A_58 = vector.shape_cast %broadcast_in_dim3A_1 : vector<16xf32> to vector<16xf32>
      tpu.vector_store %swap3A_54[%swap3A_55], %swap3A_58 {strides = array<i32>} : memref<128xf32, #tpu.memory_space<vmem>>, vector<16xf32>,
      %swap3A_59 = arith.constant 0 : i32
      %swap3A_60 = arith.constant 0 : i32
      %swap3A_61 = tpu.memref_slice %arg8[%scan3A, %swap3A_59, %swap3A_60] : memref<4x64x128xf32, #tpu.memory_space<vmem>> -> memref<1x64x128xf32, #tpu.memory_space<vmem>>
      %swap3A_62 = tpu.memref_squeeze %swap3A_61 : memref<1x64x128xf32, #tpu.memory_space<vmem>> -> memref<64x128xf32, #tpu.memory_space<vmem>>
      %swap3A_63 = arith.constant 0 : i32
      %swap3A_64 = tpu.memref_slice %swap3A_62[%add3A_26, %swap3A_63] : memref<64x128xf32, #tpu.memory_space<vmem>> -> memref<1x128xf32, #tpu.memory_space<vmem>>
      %swap3A_65 = tpu.memref_squeeze %swap3A_64 : memref<1x128xf32, #tpu.memory_space<vmem>> -> memref<128xf32, #tpu.memory_space<vmem>>
      %swap3A_66 = arith.constant 48 : index
      %swap3A_67 = tpu.vector_load %swap3A_65[%swap3A_66] {strides = array<i32>} : memref<128xf32, #tpu.memory_space<vmem>>, vector<16xf32>,
      %swap3A_68 = vector.shape_cast %swap3A_67 : vector<16xf32> to vector<16xf32>
      %swap3A_69 = vector.shape_cast %broadcast_in_dim3A_1 : vector<16xf32> to vector<16xf32>
      tpu.vector_store %swap3A_65[%swap3A_66], %swap3A_69 {strides = array<i32>} : memref<128xf32, #tpu.memory_space<vmem>>, vector<16xf32>,
      %swap3A_70 = arith.constant 0 : i32
      %swap3A_71 = arith.constant 0 : i32
      %swap3A_72 = tpu.memref_slice %arg8[%scan3A, %swap3A_70, %swap3A_71] : memref<4x64x128xf32, #tpu.memory_space<vmem>> -> memref<1x64x128xf32, #tpu.memory_space<vmem>>
      %swap3A_73 = tpu.memref_squeeze %swap3A_72 : memref<1x64x128xf32, #tpu.memory_space<vmem>> -> memref<64x128xf32, #tpu.memory_space<vmem>>
      %swap3A_74 = arith.constant 0 : i32
      %swap3A_75 = tpu.memref_slice %swap3A_73[%add3A_26, %swap3A_74] : memref<64x128xf32, #tpu.memory_space<vmem>> -> memref<1x128xf32, #tpu.memory_space<vmem>>
      %swap3A_76 = tpu.memref_squeeze %swap3A_75 : memref<1x128xf32, #tpu.memory_space<vmem>> -> memref<128xf32, #tpu.memory_space<vmem>>
      %swap3A_77 = arith.constant 64 : index
      %swap3A_78 = tpu.vector_load %swap3A_76[%swap3A_77] {strides = array<i32>} : memref<128xf32, #tpu.memory_space<vmem>>, vector<16xf32>,
      %swap3A_79 = vector.shape_cast %swap3A_78 : vector<16xf32> to vector<16xf32>
      %swap3A_80 = vector.shape_cast %broadcast_in_dim3A_1 : vector<16xf32> to vector<16xf32>
      tpu.vector_store %swap3A_76[%swap3A_77], %swap3A_80 {strides = array<i32>} : memref<128xf32, #tpu.memory_space<vmem>>, vector<16xf32>,
      %swap3A_81 = arith.constant 0 : i32
      %swap3A_82 = arith.constant 0 : i32
      %swap3A_83 = tpu.memref_slice %arg8[%scan3A, %swap3A_81, %swap3A_82] : memref<4x64x128xf32, #tpu.memory_space<vmem>> -> memref<1x64x128xf32, #tpu.memory_space<vmem>>
      %swap3A_84 = tpu.memref_squeeze %swap3A_83 : memref<1x64x128xf32, #tpu.memory_space<vmem>> -> memref<64x128xf32, #tpu.memory_space<vmem>>
      %swap3A_85 = arith.constant 0 : i32
      %swap3A_86 = tpu.memref_slice %swap3A_84[%add3A_26, %swap3A_85] : memref<64x128xf32, #tpu.memory_space<vmem>> -> memref<1x128xf32, #tpu.memory_space<vmem>>
      %swap3A_87 = tpu.memref_squeeze %swap3A_86 : memref<1x128xf32, #tpu.memory_space<vmem>> -> memref<128xf32, #tpu.memory_space<vmem>>
      %swap3A_88 = arith.constant 80 : index
      %swap3A_89 = tpu.vector_load %swap3A_87[%swap3A_88] {strides = array<i32>} : memref<128xf32, #tpu.memory_space<vmem>>, vector<16xf32>,
      %swap3A_90 = vector.shape_cast %swap3A_89 : vector<16xf32> to vector<16xf32>
      %swap3A_91 = vector.shape_cast %broadcast_in_dim3A_1 : vector<16xf32> to vector<16xf32>
      tpu.vector_store %swap3A_87[%swap3A_88], %swap3A_91 {strides = array<i32>} : memref<128xf32, #tpu.memory_space<vmem>>, vector<16xf32>,
      %swap3A_92 = arith.constant 0 : i32
      %swap3A_93 = arith.constant 0 : i32
      %swap3A_94 = tpu.memref_slice %arg8[%scan3A, %swap3A_92, %swap3A_93] : memref<4x64x128xf32, #tpu.memory_space<vmem>> -> memref<1x64x128xf32, #tpu.memory_space<vmem>>
      %swap3A_95 = tpu.memref_squeeze %swap3A_94 : memref<1x64x128xf32, #tpu.memory_space<vmem>> -> memref<64x128xf32, #tpu.memory_space<vmem>>
      %swap3A_96 = arith.constant 0 : i32
      %swap3A_97 = tpu.memref_slice %swap3A_95[%add3A_26, %swap3A_96] : memref<64x128xf32, #tpu.memory_space<vmem>> -> memref<1x128xf32, #tpu.memory_space<vmem>>
      %swap3A_98 = tpu.memref_squeeze %swap3A_97 : memref<1x128xf32, #tpu.memory_space<vmem>> -> memref<128xf32, #tpu.memory_space<vmem>>
      %swap3A_99 = arith.constant 96 : index
      %swap3A_100 = tpu.vector_load %swap3A_98[%swap3A_99] {strides = array<i32>} : memref<128xf32, #tpu.memory_space<vmem>>, vector<16xf32>,
      %swap3A_101 = vector.shape_cast %swap3A_100 : vector<16xf32> to vector<16xf32>
      %swap3A_102 = vector.shape_cast %broadcast_in_dim3A_1 : vector<16xf32> to vector<16xf32>
      tpu.vector_store %swap3A_98[%swap3A_99], %swap3A_102 {strides = array<i32>} : memref<128xf32, #tpu.memory_space<vmem>>, vector<16xf32>,
      %swap3A_103 = arith.constant 0 : i32
      %swap3A_104 = arith.constant 0 : i32
      %swap3A_105 = tpu.memref_slice %arg8[%scan3A, %swap3A_103, %swap3A_104] : memref<4x64x128xf32, #tpu.memory_space<vmem>> -> memref<1x64x128xf32, #tpu.memory_space<vmem>>
      %swap3A_106 = tpu.memref_squeeze %swap3A_105 : memref<1x64x128xf32, #tpu.memory_space<vmem>> -> memref<64x128xf32, #tpu.memory_space<vmem>>
      %swap3A_107 = arith.constant 0 : i32
      %swap3A_108 = tpu.memref_slice %swap3A_106[%add3A_26, %swap3A_107] : memref<64x128xf32, #tpu.memory_space<vmem>> -> memref<1x128xf32, #tpu.memory_space<vmem>>
      %swap3A_109 = tpu.memref_squeeze %swap3A_108 : memref<1x128xf32, #tpu.memory_space<vmem>> -> memref<128xf32, #tpu.memory_space<vmem>>
      %swap3A_110 = arith.constant 112 : index
      %swap3A_111 = tpu.vector_load %swap3A_109[%swap3A_110] {strides = array<i32>} : memref<128xf32, #tpu.memory_space<vmem>>, vector<16xf32>,
      %swap3A_112 = vector.shape_cast %swap3A_111 : vector<16xf32> to vector<16xf32>
      %swap3A_113 = vector.shape_cast %broadcast_in_dim3A_1 : vector<16xf32> to vector<16xf32>
      tpu.vector_store %swap3A_109[%swap3A_110], %swap3A_113 {strides = array<i32>} : memref<128xf32, #tpu.memory_space<vmem>>, vector<16xf32>,
    }
    %scan3A_6 = arith.constant 64 : i32
    %scan3A_7 = arith.constant 0 : i32
    %scan3A_8 = arith.constant 10 : i32
    %scan3A_9 = arith.addi %scan3A_7, %scan3A_8 : i32
    %scan3A_10 = arith.constant 1 : i32
    scf.for %scan3A_22 = %scan3A_7 to %scan3A_9 step %scan3A_10  : i32 {
      %mul3A_23 = arith.constant 1 : i32
      %mul3A_24 = arith.muli %scan3A_22, %mul3A_23 : i32
      %add3A_25 = arith.constant 0 : i32
      %add3A_26 = arith.addi %add3A_25, %mul3A_24 : i32
      %mul3A_27 = arith.constant 640 : i32
      %mul3A_28 = arith.muli %arg1, %mul3A_27 : i32
      %mul3A_29 = arith.constant 64 : i32
      %mul3A_30 = arith.muli %add3A_26, %mul3A_29 : i32
      %add3A_31 = arith.addi %mul3A_28, %mul3A_30 : i32
      %run_scoped3A = arith.constant 0 : i32
      "tpu.region"() ({
        %run_scoped3A_32 = tpu.sem_alloc : memref<!tpu.dma_semaphore, #tpu.memory_space<semaphore_mem>>
        %dma_start3A = arith.constant 0 : i32
        %dma_start3A_33 = arith.constant 0 : i32
        %dma_start3A_34 = tpu.memref_slice %arg8[%run_scoped3A, %dma_start3A, %dma_start3A_33] : memref<4x64x128xf32, #tpu.memory_space<vmem>> -> memref<1x64x128xf32, #tpu.memory_space<vmem>>
        %dma_start3A_35 = tpu.memref_squeeze %dma_start3A_34 : memref<1x64x128xf32, #tpu.memory_space<vmem>> -> memref<64x128xf32, #tpu.memory_space<vmem>>
        %dma_start3A_36 = arith.constant 0 : i32
        %dma_start3A_37 = tpu.memref_slice %arg9[%add3A_31, %dma_start3A_36] : memref<10240x128xf32, #tpu.memory_space<vmem_shared>> -> memref<64x128xf32, #tpu.memory_space<vmem_shared>>
        %dma_start3A_38 = arith.constant 0 : i32
        %dma_start3A_39 = tpu.memref_slice %arg9[%add3A_31, %dma_start3A_38] : memref<10240x128xf32, #tpu.memory_space<vmem_shared>> -> memref<64x128xf32, #tpu.memory_space<vmem_shared>>
        %dma_start3A_40 = arith.constant 0 : i32
        %dma_start3A_41 = arith.constant 0 : i32
        %dma_start3A_42 = tpu.memref_slice %arg8[%run_scoped3A, %dma_start3A_40, %dma_start3A_41] : memref<4x64x128xf32, #tpu.memory_space<vmem>> -> memref<1x64x128xf32, #tpu.memory_space<vmem>>
        %dma_start3A_43 = tpu.memref_squeeze %dma_start3A_42 : memref<1x64x128xf32, #tpu.memory_space<vmem>> -> memref<64x128xf32, #tpu.memory_space<vmem>>
        tpu.enqueue_dma source(%dma_start3A_43 : memref<64x128xf32, #tpu.memory_space<vmem>>) target(%dma_start3A_39 : memref<64x128xf32, #tpu.memory_space<vmem_shared>>) target_semaphore(%run_scoped3A_32 : memref<!tpu.dma_semaphore, #tpu.memory_space<semaphore_mem>>)
        %dma_wait3A = arith.constant 0 : i32
        %dma_wait3A_44 = arith.constant 0 : i32
        %dma_wait3A_45 = tpu.memref_slice %arg8[%run_scoped3A, %dma_wait3A, %dma_wait3A_44] : memref<4x64x128xf32, #tpu.memory_space<vmem>> -> memref<1x64x128xf32, #tpu.memory_space<vmem>>
        %dma_wait3A_46 = tpu.memref_squeeze %dma_wait3A_45 : memref<1x64x128xf32, #tpu.memory_space<vmem>> -> memref<64x128xf32, #tpu.memory_space<vmem>>
        %dma_wait3A_47 = arith.constant 0 : i32
        %dma_wait3A_48 = tpu.memref_slice %arg9[%add3A_31, %dma_wait3A_47] : memref<10240x128xf32, #tpu.memory_space<vmem_shared>> -> memref<64x128xf32, #tpu.memory_space<vmem_shared>>
        %dma_wait3A_49 = arith.constant 0 : i32
        %dma_wait3A_50 = tpu.memref_slice %arg9[%add3A_31, %dma_wait3A_49] : memref<10240x128xf32, #tpu.memory_space<vmem_shared>> -> memref<64x128xf32, #tpu.memory_space<vmem_shared>>
        %dma_wait3A_51 = arith.constant 0 : i32
        %dma_wait3A_52 = arith.constant 0 : i32
        %dma_wait3A_53 = tpu.memref_slice %arg8[%run_scoped3A, %dma_wait3A_51, %dma_wait3A_52] : memref<4x64x128xf32, #tpu.memory_space<vmem>> -> memref<1x64x128xf32, #tpu.memory_space<vmem>>
        %dma_wait3A_54 = tpu.memref_squeeze %dma_wait3A_53 : memref<1x64x128xf32, #tpu.memory_space<vmem>> -> memref<64x128xf32, #tpu.memory_space<vmem>>
        tpu.wait_dma2 semaphore(%run_scoped3A_32 : memref<!tpu.dma_semaphore, #tpu.memory_space<semaphore_mem>>) src(%dma_wait3A_54 : memref<64x128xf32, #tpu.memory_space<vmem>>) dst(%dma_wait3A_50 : memref<64x128xf32, #tpu.memory_space<vmem_shared>>)
        tpu.yield
      }) : () -> ()
    }
    %scan3A_11 = arith.constant 10 : i32
    %barrier3A = arith.constant 0 : index
    tpu.barrier barrier_id(%barrier3A)
    %scan3A_12 = arith.constant 0 : i32
    %scan3A_13 = arith.constant 4 : i32
    %scan3A_14 = arith.addi %scan3A_12, %scan3A_13 : i32
    %scan3A_15 = arith.constant 1 : i32
    scf.for %scan3A_22 = %scan3A_12 to %scan3A_14 step %scan3A_15  : i32 {
      %mul3A_23 = arith.constant 1 : i32
      %mul3A_24 = arith.muli %scan3A_22, %mul3A_23 : i32
      %add3A_25 = arith.constant 0 : i32
      %add3A_26 = arith.addi %add3A_25, %mul3A_24 : i32
      %mul3A_27 = arith.constant 160 : i32
      %mul3A_28 = arith.muli %add3A, %mul3A_27 : i32
      %mul3A_29 = arith.constant 40 : i32
      %mul3A_30 = arith.muli %add3A_26, %mul3A_29 : i32
      %add3A_31 = arith.addi %mul3A_28, %mul3A_30 : i32
      "tpu.region"() ({
        %run_scoped3A = tpu.sem_alloc : memref<!tpu.dma_semaphore, #tpu.memory_space<semaphore_mem>>
        %dma_start3A_275 = arith.constant 0 : i32
        %dma_start3A_276 = tpu.memref_slice %arg3[%add3A_31, %dma_start3A_275] : memref<5120x64xi32, #tpu.memory_space<hbm>> -> memref<40x64xi32, #tpu.memory_space<hbm>>
        %dma_start3A_277 = arith.constant 0 : i32
        %dma_start3A_278 = tpu.memref_slice %arg3[%add3A_31, %dma_start3A_277] : memref<5120x64xi32, #tpu.memory_space<hbm>> -> memref<40x64xi32, #tpu.memory_space<hbm>>
        tpu.enqueue_dma source(%dma_start3A_278 : memref<40x64xi32, #tpu.memory_space<hbm>>) target(%arg6 : memref<40x64xi32, #tpu.memory_space<vmem>>) target_semaphore(%run_scoped3A : memref<!tpu.dma_semaphore, #tpu.memory_space<semaphore_mem>>)
        %dma_wait3A_279 = arith.constant 0 : i32
        %dma_wait3A_280 = tpu.memref_slice %arg3[%add3A_31, %dma_wait3A_279] : memref<5120x64xi32, #tpu.memory_space<hbm>> -> memref<40x64xi32, #tpu.memory_space<hbm>>
        %dma_wait3A_281 = arith.constant 0 : i32
        %dma_wait3A_282 = tpu.memref_slice %arg3[%add3A_31, %dma_wait3A_281] : memref<5120x64xi32, #tpu.memory_space<hbm>> -> memref<40x64xi32, #tpu.memory_space<hbm>>
        tpu.wait_dma2 semaphore(%run_scoped3A : memref<!tpu.dma_semaphore, #tpu.memory_space<semaphore_mem>>) src(%dma_wait3A_282 : memref<40x64xi32, #tpu.memory_space<hbm>>) dst(%arg6 : memref<40x64xi32, #tpu.memory_space<vmem>>)
        tpu.yield
      }) : () -> ()
      "tpu.region"() ({
        %run_scoped3A = tpu.sem_alloc : memref<!tpu.dma_semaphore, #tpu.memory_space<semaphore_mem>>
        %dma_start3A_275 = arith.constant 0 : i32
        %dma_start3A_276 = tpu.memref_slice %arg4[%add3A_31, %dma_start3A_275] : memref<5120x64xi32, #tpu.memory_space<hbm>> -> memref<40x64xi32, #tpu.memory_space<hbm>>
        %dma_start3A_277 = arith.constant 0 : i32
        %dma_start3A_278 = tpu.memref_slice %arg4[%add3A_31, %dma_start3A_277] : memref<5120x64xi32, #tpu.memory_space<hbm>> -> memref<40x64xi32, #tpu.memory_space<hbm>>
        tpu.enqueue_dma source(%dma_start3A_278 : memref<40x64xi32, #tpu.memory_space<hbm>>) target(%arg7 : memref<40x64xi32, #tpu.memory_space<vmem>>) target_semaphore(%run_scoped3A : memref<!tpu.dma_semaphore, #tpu.memory_space<semaphore_mem>>)
        %dma_wait3A_279 = arith.constant 0 : i32
        %dma_wait3A_280 = tpu.memref_slice %arg4[%add3A_31, %dma_wait3A_279] : memref<5120x64xi32, #tpu.memory_space<hbm>> -> memref<40x64xi32, #tpu.memory_space<hbm>>
        %dma_wait3A_281 = arith.constant 0 : i32
        %dma_wait3A_282 = tpu.memref_slice %arg4[%add3A_31, %dma_wait3A_281] : memref<5120x64xi32, #tpu.memory_space<hbm>> -> memref<40x64xi32, #tpu.memory_space<hbm>>
        tpu.wait_dma2 semaphore(%run_scoped3A : memref<!tpu.dma_semaphore, #tpu.memory_space<semaphore_mem>>) src(%dma_wait3A_282 : memref<40x64xi32, #tpu.memory_space<hbm>>) dst(%arg7 : memref<40x64xi32, #tpu.memory_space<vmem>>)
        tpu.yield
      }) : () -> ()
      %dma_start3A = arith.constant 0 : i32
      %dma_start3A_32 = arith.constant 0 : i32
      %dma_start3A_33 = arith.constant 0 : i32
      %dma_start3A_34 = arith.constant 0 : i32
      %dma_start3A_35 = arith.constant 0 : i32
      %dma_start3A_36 = tpu.memref_slice %arg8[%dma_start3A_32, %dma_start3A_34, %dma_start3A_35] : memref<4x64x128xf32, #tpu.memory_space<vmem>> -> memref<1x64x128xf32, #tpu.memory_space<vmem>>
      %dma_start3A_37 = tpu.memref_squeeze %dma_start3A_36 : memref<1x64x128xf32, #tpu.memory_space<vmem>> -> memref<64x128xf32, #tpu.memory_space<vmem>>
      %dma_start3A_38 = arith.constant 0 : i32
      %dma_start3A_39 = tpu.memref_slice %arg6[%dma_start3A, %dma_start3A_38] : memref<40x64xi32, #tpu.memory_space<vmem>> -> memref<1x64xi32, #tpu.memory_space<vmem>>
      %dma_start3A_40 = tpu.memref_squeeze %dma_start3A_39 : memref<1x64xi32, #tpu.memory_space<vmem>> -> memref<64xi32, #tpu.memory_space<vmem>>
      %dma_start3A_41 = arith.constant 0 : i32
      %dma_start3A_42 = arith.constant 0 : i32
      %dma_start3A_43 = tpu.memref_slice %arg2[%dma_start3A_41, %dma_start3A_42] : memref<10240x128xf32, #tpu.memory_space<hbm>> -> memref<10240x128xf32, #tpu.memory_space<hbm>>
      %dma_start3A_44 = tpu.memref_slice %arg10[%dma_start3A_33] : memref<4x!tpu.dma_semaphore, #tpu.memory_space<semaphore_mem>> -> memref<1x!tpu.dma_semaphore, #tpu.memory_space<semaphore_mem>>
      %dma_start3A_45 = tpu.memref_squeeze %dma_start3A_44 : memref<1x!tpu.dma_semaphore, #tpu.memory_space<semaphore_mem>> -> memref<!tpu.dma_semaphore, #tpu.memory_space<semaphore_mem>>
      tpu.enqueue_indirect_dma source(%dma_start3A_43 : memref<10240x128xf32, #tpu.memory_space<hbm>>) target(%dma_start3A_37 : memref<64x128xf32, #tpu.memory_space<vmem>>) offsets(%dma_start3A_40 : memref<64xi32, #tpu.memory_space<vmem>>) semaphore(%dma_start3A_45 : memref<!tpu.dma_semaphore, #tpu.memory_space<semaphore_mem>>)
      %dma_start3A_46 = arith.constant 1 : i32
      %dma_start3A_47 = arith.constant 1 : i32
      %dma_start3A_48 = arith.constant 1 : i32
      %dma_start3A_49 = arith.constant 0 : i32
      %dma_start3A_50 = arith.constant 0 : i32
      %dma_start3A_51 = tpu.memref_slice %arg8[%dma_start3A_47, %dma_start3A_49, %dma_start3A_50] : memref<4x64x128xf32, #tpu.memory_space<vmem>> -> memref<1x64x128xf32, #tpu.memory_space<vmem>>
      %dma_start3A_52 = tpu.memref_squeeze %dma_start3A_51 : memref<1x64x128xf32, #tpu.memory_space<vmem>> -> memref<64x128xf32, #tpu.memory_space<vmem>>
      %dma_start3A_53 = arith.constant 0 : i32
      %dma_start3A_54 = tpu.memref_slice %arg6[%dma_start3A_46, %dma_start3A_53] : memref<40x64xi32, #tpu.memory_space<vmem>> -> memref<1x64xi32, #tpu.memory_space<vmem>>
      %dma_start3A_55 = tpu.memref_squeeze %dma_start3A_54 : memref<1x64xi32, #tpu.memory_space<vmem>> -> memref<64xi32, #tpu.memory_space<vmem>>
      %dma_start3A_56 = arith.constant 0 : i32
      %dma_start3A_57 = arith.constant 0 : i32
      %dma_start3A_58 = tpu.memref_slice %arg2[%dma_start3A_56, %dma_start3A_57] : memref<10240x128xf32, #tpu.memory_space<hbm>> -> memref<10240x128xf32, #tpu.memory_space<hbm>>
      %dma_start3A_59 = tpu.memref_slice %arg10[%dma_start3A_48] : memref<4x!tpu.dma_semaphore, #tpu.memory_space<semaphore_mem>> -> memref<1x!tpu.dma_semaphore, #tpu.memory_space<semaphore_mem>>
      %dma_start3A_60 = tpu.memref_squeeze %dma_start3A_59 : memref<1x!tpu.dma_semaphore, #tpu.memory_space<semaphore_mem>> -> memref<!tpu.dma_semaphore, #tpu.memory_space<semaphore_mem>>
      tpu.enqueue_indirect_dma source(%dma_start3A_58 : memref<10240x128xf32, #tpu.memory_space<hbm>>) target(%dma_start3A_52 : memref<64x128xf32, #tpu.memory_space<vmem>>) offsets(%dma_start3A_55 : memref<64xi32, #tpu.memory_space<vmem>>) semaphore(%dma_start3A_60 : memref<!tpu.dma_semaphore, #tpu.memory_space<semaphore_mem>>)
      %dma_start3A_61 = arith.constant 2 : i32
      %dma_start3A_62 = arith.constant 2 : i32
      %dma_start3A_63 = arith.constant 2 : i32
      %dma_start3A_64 = arith.constant 0 : i32
      %dma_start3A_65 = arith.constant 0 : i32
      %dma_start3A_66 = tpu.memref_slice %arg8[%dma_start3A_62, %dma_start3A_64, %dma_start3A_65] : memref<4x64x128xf32, #tpu.memory_space<vmem>> -> memref<1x64x128xf32, #tpu.memory_space<vmem>>
      %dma_start3A_67 = tpu.memref_squeeze %dma_start3A_66 : memref<1x64x128xf32, #tpu.memory_space<vmem>> -> memref<64x128xf32, #tpu.memory_space<vmem>>
      %dma_start3A_68 = arith.constant 0 : i32
      %dma_start3A_69 = tpu.memref_slice %arg6[%dma_start3A_61, %dma_start3A_68] : memref<40x64xi32, #tpu.memory_space<vmem>> -> memref<1x64xi32, #tpu.memory_space<vmem>>
      %dma_start3A_70 = tpu.memref_squeeze %dma_start3A_69 : memref<1x64xi32, #tpu.memory_space<vmem>> -> memref<64xi32, #tpu.memory_space<vmem>>
      %dma_start3A_71 = arith.constant 0 : i32
      %dma_start3A_72 = arith.constant 0 : i32
      %dma_start3A_73 = tpu.memref_slice %arg2[%dma_start3A_71, %dma_start3A_72] : memref<10240x128xf32, #tpu.memory_space<hbm>> -> memref<10240x128xf32, #tpu.memory_space<hbm>>
      %dma_start3A_74 = tpu.memref_slice %arg10[%dma_start3A_63] : memref<4x!tpu.dma_semaphore, #tpu.memory_space<semaphore_mem>> -> memref<1x!tpu.dma_semaphore, #tpu.memory_space<semaphore_mem>>
      %dma_start3A_75 = tpu.memref_squeeze %dma_start3A_74 : memref<1x!tpu.dma_semaphore, #tpu.memory_space<semaphore_mem>> -> memref<!tpu.dma_semaphore, #tpu.memory_space<semaphore_mem>>
      tpu.enqueue_indirect_dma source(%dma_start3A_73 : memref<10240x128xf32, #tpu.memory_space<hbm>>) target(%dma_start3A_67 : memref<64x128xf32, #tpu.memory_space<vmem>>) offsets(%dma_start3A_70 : memref<64xi32, #tpu.memory_space<vmem>>) semaphore(%dma_start3A_75 : memref<!tpu.dma_semaphore, #tpu.memory_space<semaphore_mem>>)
      %dma_start3A_76 = arith.constant 3 : i32
      %dma_start3A_77 = arith.constant 3 : i32
      %dma_start3A_78 = arith.constant 3 : i32
      %dma_start3A_79 = arith.constant 0 : i32
      %dma_start3A_80 = arith.constant 0 : i32
      %dma_start3A_81 = tpu.memref_slice %arg8[%dma_start3A_77, %dma_start3A_79, %dma_start3A_80] : memref<4x64x128xf32, #tpu.memory_space<vmem>> -> memref<1x64x128xf32, #tpu.memory_space<vmem>>
      %dma_start3A_82 = tpu.memref_squeeze %dma_start3A_81 : memref<1x64x128xf32, #tpu.memory_space<vmem>> -> memref<64x128xf32, #tpu.memory_space<vmem>>
      %dma_start3A_83 = arith.constant 0 : i32
      %dma_start3A_84 = tpu.memref_slice %arg6[%dma_start3A_76, %dma_start3A_83] : memref<40x64xi32, #tpu.memory_space<vmem>> -> memref<1x64xi32, #tpu.memory_space<vmem>>
      %dma_start3A_85 = tpu.memref_squeeze %dma_start3A_84 : memref<1x64xi32, #tpu.memory_space<vmem>> -> memref<64xi32, #tpu.memory_space<vmem>>
      %dma_start3A_86 = arith.constant 0 : i32
      %dma_start3A_87 = arith.constant 0 : i32
      %dma_start3A_88 = tpu.memref_slice %arg2[%dma_start3A_86, %dma_start3A_87] : memref<10240x128xf32, #tpu.memory_space<hbm>> -> memref<10240x128xf32, #tpu.memory_space<hbm>>
      %dma_start3A_89 = tpu.memref_slice %arg10[%dma_start3A_78] : memref<4x!tpu.dma_semaphore, #tpu.memory_space<semaphore_mem>> -> memref<1x!tpu.dma_semaphore, #tpu.memory_space<semaphore_mem>>
      %dma_start3A_90 = tpu.memref_squeeze %dma_start3A_89 : memref<1x!tpu.dma_semaphore, #tpu.memory_space<semaphore_mem>> -> memref<!tpu.dma_semaphore, #tpu.memory_space<semaphore_mem>>
      tpu.enqueue_indirect_dma source(%dma_start3A_88 : memref<10240x128xf32, #tpu.memory_space<hbm>>) target(%dma_start3A_82 : memref<64x128xf32, #tpu.memory_space<vmem>>) offsets(%dma_start3A_85 : memref<64xi32, #tpu.memory_space<vmem>>) semaphore(%dma_start3A_90 : memref<!tpu.dma_semaphore, #tpu.memory_space<semaphore_mem>>)
      %scan3A_91 = arith.constant 0 : i32
      %scan3A_92 = arith.constant 9 : i32
      %scan3A_93 = arith.addi %scan3A_91, %scan3A_92 : i32
      %scan3A_94 = arith.constant 1 : i32
      scf.for %scan3A_275 = %scan3A_91 to %scan3A_93 step %scan3A_94  : i32 {
        %mul3A_276 = arith.constant 4 : i32
        %mul3A_277 = arith.muli %scan3A_275, %mul3A_276 : i32
        %add3A_278 = arith.constant 0 : i32
        %add3A_279 = arith.addi %add3A_278, %mul3A_277 : i32
        %add3A_280 = arith.constant 0 : i32
        %add3A_281 = arith.addi %add3A_279, %add3A_280 : i32
        %dma_wait3A_282 = arith.constant 0 : i32
        %dma_wait3A_283 = arith.constant 0 : i32
        %dma_wait3A_284 = arith.constant 0 : i32
        %dma_wait3A_285 = arith.constant 0 : i32
        %dma_wait3A_286 = tpu.memref_slice %arg8[%dma_wait3A_282, %dma_wait3A_284, %dma_wait3A_285] : memref<4x64x128xf32, #tpu.memory_space<vmem>> -> memref<1x64x128xf32, #tpu.memory_space<vmem>>
        %dma_wait3A_287 = tpu.memref_squeeze %dma_wait3A_286 : memref<1x64x128xf32, #tpu.memory_space<vmem>> -> memref<64x128xf32, #tpu.memory_space<vmem>>
        %dma_wait3A_288 = arith.constant 0 : i32
        %dma_wait3A_289 = tpu.memref_slice %arg6[%add3A_281, %dma_wait3A_288] : memref<40x64xi32, #tpu.memory_space<vmem>> -> memref<1x64xi32, #tpu.memory_space<vmem>>
        %dma_wait3A_290 = tpu.memref_squeeze %dma_wait3A_289 : memref<1x64xi32, #tpu.memory_space<vmem>> -> memref<64xi32, #tpu.memory_space<vmem>>
        %dma_wait3A_291 = arith.constant 0 : i32
        %dma_wait3A_292 = arith.constant 0 : i32
        %dma_wait3A_293 = tpu.memref_slice %arg2[%dma_wait3A_291, %dma_wait3A_292] : memref<10240x128xf32, #tpu.memory_space<hbm>> -> memref<10240x128xf32, #tpu.memory_space<hbm>>
        %dma_wait3A_294 = tpu.memref_slice %arg10[%dma_wait3A_283] : memref<4x!tpu.dma_semaphore, #tpu.memory_space<semaphore_mem>> -> memref<1x!tpu.dma_semaphore, #tpu.memory_space<semaphore_mem>>
        %dma_wait3A_295 = tpu.memref_squeeze %dma_wait3A_294 : memref<1x!tpu.dma_semaphore, #tpu.memory_space<semaphore_mem>> -> memref<!tpu.dma_semaphore, #tpu.memory_space<semaphore_mem>>
        tpu.wait_indirect_dma semaphore(%dma_wait3A_295 : memref<!tpu.dma_semaphore, #tpu.memory_space<semaphore_mem>>) src(%dma_wait3A_293 : memref<10240x128xf32, #tpu.memory_space<hbm>>) dst(%dma_wait3A_287 : memref<64x128xf32, #tpu.memory_space<vmem>>)
        %add3A_296 = arith.constant 0 : i32
        %add3A_297 = arith.addi %add3A_279, %add3A_296 : i32
        %dma_start3A_298 = arith.constant 0 : i32
        %dma_start3A_299 = arith.constant 0 : i32
        %dma_start3A_300 = arith.constant 0 : i32
        %dma_start3A_301 = arith.constant 0 : i32
        %dma_start3A_302 = tpu.memref_slice %arg8[%dma_start3A_298, %dma_start3A_300, %dma_start3A_301] : memref<4x64x128xf32, #tpu.memory_space<vmem>> -> memref<1x64x128xf32, #tpu.memory_space<vmem>>
        %dma_start3A_303 = tpu.memref_squeeze %dma_start3A_302 : memref<1x64x128xf32, #tpu.memory_space<vmem>> -> memref<64x128xf32, #tpu.memory_space<vmem>>
        %dma_start3A_304 = arith.constant 0 : i32
        %dma_start3A_305 = tpu.memref_slice %arg7[%add3A_297, %dma_start3A_304] : memref<40x64xi32, #tpu.memory_space<vmem>> -> memref<1x64xi32, #tpu.memory_space<vmem>>
        %dma_start3A_306 = tpu.memref_squeeze %dma_start3A_305 : memref<1x64xi32, #tpu.memory_space<vmem>> -> memref<64xi32, #tpu.memory_space<vmem>>
        %dma_start3A_307 = arith.constant 0 : i32
        %dma_start3A_308 = arith.constant 0 : i32
        %dma_start3A_309 = tpu.memref_slice %arg9[%dma_start3A_307, %dma_start3A_308] : memref<10240x128xf32, #tpu.memory_space<vmem_shared>> -> memref<10240x128xf32, #tpu.memory_space<vmem_shared>>
        %dma_start3A_310 = tpu.memref_slice %arg11[%dma_start3A_299] : memref<4x!tpu.dma_semaphore, #tpu.memory_space<semaphore_mem>> -> memref<1x!tpu.dma_semaphore, #tpu.memory_space<semaphore_mem>>
        %dma_start3A_311 = tpu.memref_squeeze %dma_start3A_310 : memref<1x!tpu.dma_semaphore, #tpu.memory_space<semaphore_mem>> -> memref<!tpu.dma_semaphore, #tpu.memory_space<semaphore_mem>>
        tpu.enqueue_indirect_dma source(%dma_start3A_303 : memref<64x128xf32, #tpu.memory_space<vmem>>) target(%dma_start3A_309 : memref<10240x128xf32, #tpu.memory_space<vmem_shared>>) offsets(%dma_start3A_306 : memref<64xi32, #tpu.memory_space<vmem>>) semaphore(%dma_start3A_311 : memref<!tpu.dma_semaphore, #tpu.memory_space<semaphore_mem>>) {add = true}
        %add3A_312 = arith.constant 1 : i32
        %add3A_313 = arith.addi %add3A_279, %add3A_312 : i32
        %dma_wait3A_314 = arith.constant 1 : i32
        %dma_wait3A_315 = arith.constant 1 : i32
        %dma_wait3A_316 = arith.constant 0 : i32
        %dma_wait3A_317 = arith.constant 0 : i32
        %dma_wait3A_318 = tpu.memref_slice %arg8[%dma_wait3A_314, %dma_wait3A_316, %dma_wait3A_317] : memref<4x64x128xf32, #tpu.memory_space<vmem>> -> memref<1x64x128xf32, #tpu.memory_space<vmem>>
        %dma_wait3A_319 = tpu.memref_squeeze %dma_wait3A_318 : memref<1x64x128xf32, #tpu.memory_space<vmem>> -> memref<64x128xf32, #tpu.memory_space<vmem>>
        %dma_wait3A_320 = arith.constant 0 : i32
        %dma_wait3A_321 = tpu.memref_slice %arg6[%add3A_313, %dma_wait3A_320] : memref<40x64xi32, #tpu.memory_space<vmem>> -> memref<1x64xi32, #tpu.memory_space<vmem>>
        %dma_wait3A_322 = tpu.memref_squeeze %dma_wait3A_321 : memref<1x64xi32, #tpu.memory_space<vmem>> -> memref<64xi32, #tpu.memory_space<vmem>>
        %dma_wait3A_323 = arith.constant 0 : i32
        %dma_wait3A_324 = arith.constant 0 : i32
        %dma_wait3A_325 = tpu.memref_slice %arg2[%dma_wait3A_323, %dma_wait3A_324] : memref<10240x128xf32, #tpu.memory_space<hbm>> -> memref<10240x128xf32, #tpu.memory_space<hbm>>
        %dma_wait3A_326 = tpu.memref_slice %arg10[%dma_wait3A_315] : memref<4x!tpu.dma_semaphore, #tpu.memory_space<semaphore_mem>> -> memref<1x!tpu.dma_semaphore, #tpu.memory_space<semaphore_mem>>
        %dma_wait3A_327 = tpu.memref_squeeze %dma_wait3A_326 : memref<1x!tpu.dma_semaphore, #tpu.memory_space<semaphore_mem>> -> memref<!tpu.dma_semaphore, #tpu.memory_space<semaphore_mem>>
        tpu.wait_indirect_dma semaphore(%dma_wait3A_327 : memref<!tpu.dma_semaphore, #tpu.memory_space<semaphore_mem>>) src(%dma_wait3A_325 : memref<10240x128xf32, #tpu.memory_space<hbm>>) dst(%dma_wait3A_319 : memref<64x128xf32, #tpu.memory_space<vmem>>)
        %add3A_328 = arith.constant 1 : i32
        %add3A_329 = arith.addi %add3A_279, %add3A_328 : i32
        %dma_start3A_330 = arith.constant 1 : i32
        %dma_start3A_331 = arith.constant 1 : i32
        %dma_start3A_332 = arith.constant 0 : i32
        %dma_start3A_333 = arith.constant 0 : i32
        %dma_start3A_334 = tpu.memref_slice %arg8[%dma_start3A_330, %dma_start3A_332, %dma_start3A_333] : memref<4x64x128xf32, #tpu.memory_space<vmem>> -> memref<1x64x128xf32, #tpu.memory_space<vmem>>
        %dma_start3A_335 = tpu.memref_squeeze %dma_start3A_334 : memref<1x64x128xf32, #tpu.memory_space<vmem>> -> memref<64x128xf32, #tpu.memory_space<vmem>>
        %dma_start3A_336 = arith.constant 0 : i32
        %dma_start3A_337 = tpu.memref_slice %arg7[%add3A_329, %dma_start3A_336] : memref<40x64xi32, #tpu.memory_space<vmem>> -> memref<1x64xi32, #tpu.memory_space<vmem>>
        %dma_start3A_338 = tpu.memref_squeeze %dma_start3A_337 : memref<1x64xi32, #tpu.memory_space<vmem>> -> memref<64xi32, #tpu.memory_space<vmem>>
        %dma_start3A_339 = arith.constant 0 : i32
        %dma_start3A_340 = arith.constant 0 : i32
        %dma_start3A_341 = tpu.memref_slice %arg9[%dma_start3A_339, %dma_start3A_340] : memref<10240x128xf32, #tpu.memory_space<vmem_shared>> -> memref<10240x128xf32, #tpu.memory_space<vmem_shared>>
        %dma_start3A_342 = tpu.memref_slice %arg11[%dma_start3A_331] : memref<4x!tpu.dma_semaphore, #tpu.memory_space<semaphore_mem>> -> memref<1x!tpu.dma_semaphore, #tpu.memory_space<semaphore_mem>>
        %dma_start3A_343 = tpu.memref_squeeze %dma_start3A_342 : memref<1x!tpu.dma_semaphore, #tpu.memory_space<semaphore_mem>> -> memref<!tpu.dma_semaphore, #tpu.memory_space<semaphore_mem>>
        tpu.enqueue_indirect_dma source(%dma_start3A_335 : memref<64x128xf32, #tpu.memory_space<vmem>>) target(%dma_start3A_341 : memref<10240x128xf32, #tpu.memory_space<vmem_shared>>) offsets(%dma_start3A_338 : memref<64xi32, #tpu.memory_space<vmem>>) semaphore(%dma_start3A_343 : memref<!tpu.dma_semaphore, #tpu.memory_space<semaphore_mem>>) {add = true}
        %add3A_344 = arith.constant 2 : i32
        %add3A_345 = arith.addi %add3A_279, %add3A_344 : i32
        %dma_wait3A_346 = arith.constant 2 : i32
        %dma_wait3A_347 = arith.constant 2 : i32
        %dma_wait3A_348 = arith.constant 0 : i32
        %dma_wait3A_349 = arith.constant 0 : i32
        %dma_wait3A_350 = tpu.memref_slice %arg8[%dma_wait3A_346, %dma_wait3A_348, %dma_wait3A_349] : memref<4x64x128xf32, #tpu.memory_space<vmem>> -> memref<1x64x128xf32, #tpu.memory_space<vmem>>
        %dma_wait3A_351 = tpu.memref_squeeze %dma_wait3A_350 : memref<1x64x128xf32, #tpu.memory_space<vmem>> -> memref<64x128xf32, #tpu.memory_space<vmem>>
        %dma_wait3A_352 = arith.constant 0 : i32
        %dma_wait3A_353 = tpu.memref_slice %arg6[%add3A_345, %dma_wait3A_352] : memref<40x64xi32, #tpu.memory_space<vmem>> -> memref<1x64xi32, #tpu.memory_space<vmem>>
        %dma_wait3A_354 = tpu.memref_squeeze %dma_wait3A_353 : memref<1x64xi32, #tpu.memory_space<vmem>> -> memref<64xi32, #tpu.memory_space<vmem>>
        %dma_wait3A_355 = arith.constant 0 : i32
        %dma_wait3A_356 = arith.constant 0 : i32
        %dma_wait3A_357 = tpu.memref_slice %arg2[%dma_wait3A_355, %dma_wait3A_356] : memref<10240x128xf32, #tpu.memory_space<hbm>> -> memref<10240x128xf32, #tpu.memory_space<hbm>>
        %dma_wait3A_358 = tpu.memref_slice %arg10[%dma_wait3A_347] : memref<4x!tpu.dma_semaphore, #tpu.memory_space<semaphore_mem>> -> memref<1x!tpu.dma_semaphore, #tpu.memory_space<semaphore_mem>>
        %dma_wait3A_359 = tpu.memref_squeeze %dma_wait3A_358 : memref<1x!tpu.dma_semaphore, #tpu.memory_space<semaphore_mem>> -> memref<!tpu.dma_semaphore, #tpu.memory_space<semaphore_mem>>
        tpu.wait_indirect_dma semaphore(%dma_wait3A_359 : memref<!tpu.dma_semaphore, #tpu.memory_space<semaphore_mem>>) src(%dma_wait3A_357 : memref<10240x128xf32, #tpu.memory_space<hbm>>) dst(%dma_wait3A_351 : memref<64x128xf32, #tpu.memory_space<vmem>>)
        %add3A_360 = arith.constant 2 : i32
        %add3A_361 = arith.addi %add3A_279, %add3A_360 : i32
        %dma_start3A_362 = arith.constant 2 : i32
        %dma_start3A_363 = arith.constant 2 : i32
        %dma_start3A_364 = arith.constant 0 : i32
        %dma_start3A_365 = arith.constant 0 : i32
        %dma_start3A_366 = tpu.memref_slice %arg8[%dma_start3A_362, %dma_start3A_364, %dma_start3A_365] : memref<4x64x128xf32, #tpu.memory_space<vmem>> -> memref<1x64x128xf32, #tpu.memory_space<vmem>>
        %dma_start3A_367 = tpu.memref_squeeze %dma_start3A_366 : memref<1x64x128xf32, #tpu.memory_space<vmem>> -> memref<64x128xf32, #tpu.memory_space<vmem>>
        %dma_start3A_368 = arith.constant 0 : i32
        %dma_start3A_369 = tpu.memref_slice %arg7[%add3A_361, %dma_start3A_368] : memref<40x64xi32, #tpu.memory_space<vmem>> -> memref<1x64xi32, #tpu.memory_space<vmem>>
        %dma_start3A_370 = tpu.memref_squeeze %dma_start3A_369 : memref<1x64xi32, #tpu.memory_space<vmem>> -> memref<64xi32, #tpu.memory_space<vmem>>
        %dma_start3A_371 = arith.constant 0 : i32
        %dma_start3A_372 = arith.constant 0 : i32
        %dma_start3A_373 = tpu.memref_slice %arg9[%dma_start3A_371, %dma_start3A_372] : memref<10240x128xf32, #tpu.memory_space<vmem_shared>> -> memref<10240x128xf32, #tpu.memory_space<vmem_shared>>
        %dma_start3A_374 = tpu.memref_slice %arg11[%dma_start3A_363] : memref<4x!tpu.dma_semaphore, #tpu.memory_space<semaphore_mem>> -> memref<1x!tpu.dma_semaphore, #tpu.memory_space<semaphore_mem>>
        %dma_start3A_375 = tpu.memref_squeeze %dma_start3A_374 : memref<1x!tpu.dma_semaphore, #tpu.memory_space<semaphore_mem>> -> memref<!tpu.dma_semaphore, #tpu.memory_space<semaphore_mem>>
        tpu.enqueue_indirect_dma source(%dma_start3A_367 : memref<64x128xf32, #tpu.memory_space<vmem>>) target(%dma_start3A_373 : memref<10240x128xf32, #tpu.memory_space<vmem_shared>>) offsets(%dma_start3A_370 : memref<64xi32, #tpu.memory_space<vmem>>) semaphore(%dma_start3A_375 : memref<!tpu.dma_semaphore, #tpu.memory_space<semaphore_mem>>) {add = true}
        %add3A_376 = arith.constant 3 : i32
        %add3A_377 = arith.addi %add3A_279, %add3A_376 : i32
        %dma_wait3A_378 = arith.constant 3 : i32
        %dma_wait3A_379 = arith.constant 3 : i32
        %dma_wait3A_380 = arith.constant 0 : i32
        %dma_wait3A_381 = arith.constant 0 : i32
        %dma_wait3A_382 = tpu.memref_slice %arg8[%dma_wait3A_378, %dma_wait3A_380, %dma_wait3A_381] : memref<4x64x128xf32, #tpu.memory_space<vmem>> -> memref<1x64x128xf32, #tpu.memory_space<vmem>>
        %dma_wait3A_383 = tpu.memref_squeeze %dma_wait3A_382 : memref<1x64x128xf32, #tpu.memory_space<vmem>> -> memref<64x128xf32, #tpu.memory_space<vmem>>
        %dma_wait3A_384 = arith.constant 0 : i32
        %dma_wait3A_385 = tpu.memref_slice %arg6[%add3A_377, %dma_wait3A_384] : memref<40x64xi32, #tpu.memory_space<vmem>> -> memref<1x64xi32, #tpu.memory_space<vmem>>
        %dma_wait3A_386 = tpu.memref_squeeze %dma_wait3A_385 : memref<1x64xi32, #tpu.memory_space<vmem>> -> memref<64xi32, #tpu.memory_space<vmem>>
        %dma_wait3A_387 = arith.constant 0 : i32
        %dma_wait3A_388 = arith.constant 0 : i32
        %dma_wait3A_389 = tpu.memref_slice %arg2[%dma_wait3A_387, %dma_wait3A_388] : memref<10240x128xf32, #tpu.memory_space<hbm>> -> memref<10240x128xf32, #tpu.memory_space<hbm>>
        %dma_wait3A_390 = tpu.memref_slice %arg10[%dma_wait3A_379] : memref<4x!tpu.dma_semaphore, #tpu.memory_space<semaphore_mem>> -> memref<1x!tpu.dma_semaphore, #tpu.memory_space<semaphore_mem>>
        %dma_wait3A_391 = tpu.memref_squeeze %dma_wait3A_390 : memref<1x!tpu.dma_semaphore, #tpu.memory_space<semaphore_mem>> -> memref<!tpu.dma_semaphore, #tpu.memory_space<semaphore_mem>>
        tpu.wait_indirect_dma semaphore(%dma_wait3A_391 : memref<!tpu.dma_semaphore, #tpu.memory_space<semaphore_mem>>) src(%dma_wait3A_389 : memref<10240x128xf32, #tpu.memory_space<hbm>>) dst(%dma_wait3A_383 : memref<64x128xf32, #tpu.memory_space<vmem>>)
        %add3A_392 = arith.constant 3 : i32
        %add3A_393 = arith.addi %add3A_279, %add3A_392 : i32
        %dma_start3A_394 = arith.constant 3 : i32
        %dma_start3A_395 = arith.constant 3 : i32
        %dma_start3A_396 = arith.constant 0 : i32
        %dma_start3A_397 = arith.constant 0 : i32
        %dma_start3A_398 = tpu.memref_slice %arg8[%dma_start3A_394, %dma_start3A_396, %dma_start3A_397] : memref<4x64x128xf32, #tpu.memory_space<vmem>> -> memref<1x64x128xf32, #tpu.memory_space<vmem>>
        %dma_start3A_399 = tpu.memref_squeeze %dma_start3A_398 : memref<1x64x128xf32, #tpu.memory_space<vmem>> -> memref<64x128xf32, #tpu.memory_space<vmem>>
        %dma_start3A_400 = arith.constant 0 : i32
        %dma_start3A_401 = tpu.memref_slice %arg7[%add3A_393, %dma_start3A_400] : memref<40x64xi32, #tpu.memory_space<vmem>> -> memref<1x64xi32, #tpu.memory_space<vmem>>
        %dma_start3A_402 = tpu.memref_squeeze %dma_start3A_401 : memref<1x64xi32, #tpu.memory_space<vmem>> -> memref<64xi32, #tpu.memory_space<vmem>>
        %dma_start3A_403 = arith.constant 0 : i32
        %dma_start3A_404 = arith.constant 0 : i32
        %dma_start3A_405 = tpu.memref_slice %arg9[%dma_start3A_403, %dma_start3A_404] : memref<10240x128xf32, #tpu.memory_space<vmem_shared>> -> memref<10240x128xf32, #tpu.memory_space<vmem_shared>>
        %dma_start3A_406 = tpu.memref_slice %arg11[%dma_start3A_395] : memref<4x!tpu.dma_semaphore, #tpu.memory_space<semaphore_mem>> -> memref<1x!tpu.dma_semaphore, #tpu.memory_space<semaphore_mem>>
        %dma_start3A_407 = tpu.memref_squeeze %dma_start3A_406 : memref<1x!tpu.dma_semaphore, #tpu.memory_space<semaphore_mem>> -> memref<!tpu.dma_semaphore, #tpu.memory_space<semaphore_mem>>
        tpu.enqueue_indirect_dma source(%dma_start3A_399 : memref<64x128xf32, #tpu.memory_space<vmem>>) target(%dma_start3A_405 : memref<10240x128xf32, #tpu.memory_space<vmem_shared>>) offsets(%dma_start3A_402 : memref<64xi32, #tpu.memory_space<vmem>>) semaphore(%dma_start3A_407 : memref<!tpu.dma_semaphore, #tpu.memory_space<semaphore_mem>>) {add = true}
        %add3A_408 = arith.constant 0 : i32
        %add3A_409 = arith.addi %add3A_279, %add3A_408 : i32
        %dma_wait3A_410 = arith.constant 0 : i32
        %dma_wait3A_411 = arith.constant 0 : i32
        %dma_wait3A_412 = arith.constant 0 : i32
        %dma_wait3A_413 = arith.constant 0 : i32
        %dma_wait3A_414 = tpu.memref_slice %arg8[%dma_wait3A_410, %dma_wait3A_412, %dma_wait3A_413] : memref<4x64x128xf32, #tpu.memory_space<vmem>> -> memref<1x64x128xf32, #tpu.memory_space<vmem>>
        %dma_wait3A_415 = tpu.memref_squeeze %dma_wait3A_414 : memref<1x64x128xf32, #tpu.memory_space<vmem>> -> memref<64x128xf32, #tpu.memory_space<vmem>>
        %dma_wait3A_416 = arith.constant 0 : i32
        %dma_wait3A_417 = tpu.memref_slice %arg7[%add3A_409, %dma_wait3A_416] : memref<40x64xi32, #tpu.memory_space<vmem>> -> memref<1x64xi32, #tpu.memory_space<vmem>>
        %dma_wait3A_418 = tpu.memref_squeeze %dma_wait3A_417 : memref<1x64xi32, #tpu.memory_space<vmem>> -> memref<64xi32, #tpu.memory_space<vmem>>
        %dma_wait3A_419 = arith.constant 0 : i32
        %dma_wait3A_420 = arith.constant 0 : i32
        %dma_wait3A_421 = tpu.memref_slice %arg9[%dma_wait3A_419, %dma_wait3A_420] : memref<10240x128xf32, #tpu.memory_space<vmem_shared>> -> memref<10240x128xf32, #tpu.memory_space<vmem_shared>>
        %dma_wait3A_422 = tpu.memref_slice %arg11[%dma_wait3A_411] : memref<4x!tpu.dma_semaphore, #tpu.memory_space<semaphore_mem>> -> memref<1x!tpu.dma_semaphore, #tpu.memory_space<semaphore_mem>>
        %dma_wait3A_423 = tpu.memref_squeeze %dma_wait3A_422 : memref<1x!tpu.dma_semaphore, #tpu.memory_space<semaphore_mem>> -> memref<!tpu.dma_semaphore, #tpu.memory_space<semaphore_mem>>
        tpu.wait_indirect_dma semaphore(%dma_wait3A_423 : memref<!tpu.dma_semaphore, #tpu.memory_space<semaphore_mem>>) src(%dma_wait3A_415 : memref<64x128xf32, #tpu.memory_space<vmem>>) dst(%dma_wait3A_421 : memref<10240x128xf32, #tpu.memory_space<vmem_shared>>)
        %add3A_424 = arith.constant 4 : i32
        %add3A_425 = arith.addi %add3A_279, %add3A_424 : i32
        %add3A_426 = arith.constant 0 : i32
        %add3A_427 = arith.addi %add3A_425, %add3A_426 : i32
        %dma_start3A_428 = arith.constant 0 : i32
        %dma_start3A_429 = arith.constant 0 : i32
        %dma_start3A_430 = arith.constant 0 : i32
        %dma_start3A_431 = arith.constant 0 : i32
        %dma_start3A_432 = tpu.memref_slice %arg8[%dma_start3A_428, %dma_start3A_430, %dma_start3A_431] : memref<4x64x128xf32, #tpu.memory_space<vmem>> -> memref<1x64x128xf32, #tpu.memory_space<vmem>>
        %dma_start3A_433 = tpu.memref_squeeze %dma_start3A_432 : memref<1x64x128xf32, #tpu.memory_space<vmem>> -> memref<64x128xf32, #tpu.memory_space<vmem>>
        %dma_start3A_434 = arith.constant 0 : i32
        %dma_start3A_435 = tpu.memref_slice %arg6[%add3A_427, %dma_start3A_434] : memref<40x64xi32, #tpu.memory_space<vmem>> -> memref<1x64xi32, #tpu.memory_space<vmem>>
        %dma_start3A_436 = tpu.memref_squeeze %dma_start3A_435 : memref<1x64xi32, #tpu.memory_space<vmem>> -> memref<64xi32, #tpu.memory_space<vmem>>
        %dma_start3A_437 = arith.constant 0 : i32
        %dma_start3A_438 = arith.constant 0 : i32
        %dma_start3A_439 = tpu.memref_slice %arg2[%dma_start3A_437, %dma_start3A_438] : memref<10240x128xf32, #tpu.memory_space<hbm>> -> memref<10240x128xf32, #tpu.memory_space<hbm>>
        %dma_start3A_440 = tpu.memref_slice %arg10[%dma_start3A_429] : memref<4x!tpu.dma_semaphore, #tpu.memory_space<semaphore_mem>> -> memref<1x!tpu.dma_semaphore, #tpu.memory_space<semaphore_mem>>
        %dma_start3A_441 = tpu.memref_squeeze %dma_start3A_440 : memref<1x!tpu.dma_semaphore, #tpu.memory_space<semaphore_mem>> -> memref<!tpu.dma_semaphore, #tpu.memory_space<semaphore_mem>>
        tpu.enqueue_indirect_dma source(%dma_start3A_439 : memref<10240x128xf32, #tpu.memory_space<hbm>>) target(%dma_start3A_433 : memref<64x128xf32, #tpu.memory_space<vmem>>) offsets(%dma_start3A_436 : memref<64xi32, #tpu.memory_space<vmem>>) semaphore(%dma_start3A_441 : memref<!tpu.dma_semaphore, #tpu.memory_space<semaphore_mem>>)
        %add3A_442 = arith.constant 1 : i32
        %add3A_443 = arith.addi %add3A_279, %add3A_442 : i32
        %dma_wait3A_444 = arith.constant 1 : i32
        %dma_wait3A_445 = arith.constant 1 : i32
        %dma_wait3A_446 = arith.constant 0 : i32
        %dma_wait3A_447 = arith.constant 0 : i32
        %dma_wait3A_448 = tpu.memref_slice %arg8[%dma_wait3A_444, %dma_wait3A_446, %dma_wait3A_447] : memref<4x64x128xf32, #tpu.memory_space<vmem>> -> memref<1x64x128xf32, #tpu.memory_space<vmem>>
        %dma_wait3A_449 = tpu.memref_squeeze %dma_wait3A_448 : memref<1x64x128xf32, #tpu.memory_space<vmem>> -> memref<64x128xf32, #tpu.memory_space<vmem>>
        %dma_wait3A_450 = arith.constant 0 : i32
        %dma_wait3A_451 = tpu.memref_slice %arg7[%add3A_443, %dma_wait3A_450] : memref<40x64xi32, #tpu.memory_space<vmem>> -> memref<1x64xi32, #tpu.memory_space<vmem>>
        %dma_wait3A_452 = tpu.memref_squeeze %dma_wait3A_451 : memref<1x64xi32, #tpu.memory_space<vmem>> -> memref<64xi32, #tpu.memory_space<vmem>>
        %dma_wait3A_453 = arith.constant 0 : i32
        %dma_wait3A_454 = arith.constant 0 : i32
        %dma_wait3A_455 = tpu.memref_slice %arg9[%dma_wait3A_453, %dma_wait3A_454] : memref<10240x128xf32, #tpu.memory_space<vmem_shared>> -> memref<10240x128xf32, #tpu.memory_space<vmem_shared>>
        %dma_wait3A_456 = tpu.memref_slice %arg11[%dma_wait3A_445] : memref<4x!tpu.dma_semaphore, #tpu.memory_space<semaphore_mem>> -> memref<1x!tpu.dma_semaphore, #tpu.memory_space<semaphore_mem>>
        %dma_wait3A_457 = tpu.memref_squeeze %dma_wait3A_456 : memref<1x!tpu.dma_semaphore, #tpu.memory_space<semaphore_mem>> -> memref<!tpu.dma_semaphore, #tpu.memory_space<semaphore_mem>>
        tpu.wait_indirect_dma semaphore(%dma_wait3A_457 : memref<!tpu.dma_semaphore, #tpu.memory_space<semaphore_mem>>) src(%dma_wait3A_449 : memref<64x128xf32, #tpu.memory_space<vmem>>) dst(%dma_wait3A_455 : memref<10240x128xf32, #tpu.memory_space<vmem_shared>>)
        %add3A_458 = arith.constant 4 : i32
        %add3A_459 = arith.addi %add3A_279, %add3A_458 : i32
        %add3A_460 = arith.constant 1 : i32
        %add3A_461 = arith.addi %add3A_459, %add3A_460 : i32
        %dma_start3A_462 = arith.constant 1 : i32
        %dma_start3A_463 = arith.constant 1 : i32
        %dma_start3A_464 = arith.constant 0 : i32
        %dma_start3A_465 = arith.constant 0 : i32
        %dma_start3A_466 = tpu.memref_slice %arg8[%dma_start3A_462, %dma_start3A_464, %dma_start3A_465] : memref<4x64x128xf32, #tpu.memory_space<vmem>> -> memref<1x64x128xf32, #tpu.memory_space<vmem>>
        %dma_start3A_467 = tpu.memref_squeeze %dma_start3A_466 : memref<1x64x128xf32, #tpu.memory_space<vmem>> -> memref<64x128xf32, #tpu.memory_space<vmem>>
        %dma_start3A_468 = arith.constant 0 : i32
        %dma_start3A_469 = tpu.memref_slice %arg6[%add3A_461, %dma_start3A_468] : memref<40x64xi32, #tpu.memory_space<vmem>> -> memref<1x64xi32, #tpu.memory_space<vmem>>
        %dma_start3A_470 = tpu.memref_squeeze %dma_start3A_469 : memref<1x64xi32, #tpu.memory_space<vmem>> -> memref<64xi32, #tpu.memory_space<vmem>>
        %dma_start3A_471 = arith.constant 0 : i32
        %dma_start3A_472 = arith.constant 0 : i32
        %dma_start3A_473 = tpu.memref_slice %arg2[%dma_start3A_471, %dma_start3A_472] : memref<10240x128xf32, #tpu.memory_space<hbm>> -> memref<10240x128xf32, #tpu.memory_space<hbm>>
        %dma_start3A_474 = tpu.memref_slice %arg10[%dma_start3A_463] : memref<4x!tpu.dma_semaphore, #tpu.memory_space<semaphore_mem>> -> memref<1x!tpu.dma_semaphore, #tpu.memory_space<semaphore_mem>>
        %dma_start3A_475 = tpu.memref_squeeze %dma_start3A_474 : memref<1x!tpu.dma_semaphore, #tpu.memory_space<semaphore_mem>> -> memref<!tpu.dma_semaphore, #tpu.memory_space<semaphore_mem>>
        tpu.enqueue_indirect_dma source(%dma_start3A_473 : memref<10240x128xf32, #tpu.memory_space<hbm>>) target(%dma_start3A_467 : memref<64x128xf32, #tpu.memory_space<vmem>>) offsets(%dma_start3A_470 : memref<64xi32, #tpu.memory_space<vmem>>) semaphore(%dma_start3A_475 : memref<!tpu.dma_semaphore, #tpu.memory_space<semaphore_mem>>)
        %add3A_476 = arith.constant 2 : i32
        %add3A_477 = arith.addi %add3A_279, %add3A_476 : i32
        %dma_wait3A_478 = arith.constant 2 : i32
        %dma_wait3A_479 = arith.constant 2 : i32
        %dma_wait3A_480 = arith.constant 0 : i32
        %dma_wait3A_481 = arith.constant 0 : i32
        %dma_wait3A_482 = tpu.memref_slice %arg8[%dma_wait3A_478, %dma_wait3A_480, %dma_wait3A_481] : memref<4x64x128xf32, #tpu.memory_space<vmem>> -> memref<1x64x128xf32, #tpu.memory_space<vmem>>
        %dma_wait3A_483 = tpu.memref_squeeze %dma_wait3A_482 : memref<1x64x128xf32, #tpu.memory_space<vmem>> -> memref<64x128xf32, #tpu.memory_space<vmem>>
        %dma_wait3A_484 = arith.constant 0 : i32
        %dma_wait3A_485 = tpu.memref_slice %arg7[%add3A_477, %dma_wait3A_484] : memref<40x64xi32, #tpu.memory_space<vmem>> -> memref<1x64xi32, #tpu.memory_space<vmem>>
        %dma_wait3A_486 = tpu.memref_squeeze %dma_wait3A_485 : memref<1x64xi32, #tpu.memory_space<vmem>> -> memref<64xi32, #tpu.memory_space<vmem>>
        %dma_wait3A_487 = arith.constant 0 : i32
        %dma_wait3A_488 = arith.constant 0 : i32
        %dma_wait3A_489 = tpu.memref_slice %arg9[%dma_wait3A_487, %dma_wait3A_488] : memref<10240x128xf32, #tpu.memory_space<vmem_shared>> -> memref<10240x128xf32, #tpu.memory_space<vmem_shared>>
        %dma_wait3A_490 = tpu.memref_slice %arg11[%dma_wait3A_479] : memref<4x!tpu.dma_semaphore, #tpu.memory_space<semaphore_mem>> -> memref<1x!tpu.dma_semaphore, #tpu.memory_space<semaphore_mem>>
        %dma_wait3A_491 = tpu.memref_squeeze %dma_wait3A_490 : memref<1x!tpu.dma_semaphore, #tpu.memory_space<semaphore_mem>> -> memref<!tpu.dma_semaphore, #tpu.memory_space<semaphore_mem>>
        tpu.wait_indirect_dma semaphore(%dma_wait3A_491 : memref<!tpu.dma_semaphore, #tpu.memory_space<semaphore_mem>>) src(%dma_wait3A_483 : memref<64x128xf32, #tpu.memory_space<vmem>>) dst(%dma_wait3A_489 : memref<10240x128xf32, #tpu.memory_space<vmem_shared>>)
        %add3A_492 = arith.constant 4 : i32
        %add3A_493 = arith.addi %add3A_279, %add3A_492 : i32
        %add3A_494 = arith.constant 2 : i32
        %add3A_495 = arith.addi %add3A_493, %add3A_494 : i32
        %dma_start3A_496 = arith.constant 2 : i32
        %dma_start3A_497 = arith.constant 2 : i32
        %dma_start3A_498 = arith.constant 0 : i32
        %dma_start3A_499 = arith.constant 0 : i32
        %dma_start3A_500 = tpu.memref_slice %arg8[%dma_start3A_496, %dma_start3A_498, %dma_start3A_499] : memref<4x64x128xf32, #tpu.memory_space<vmem>> -> memref<1x64x128xf32, #tpu.memory_space<vmem>>
        %dma_start3A_501 = tpu.memref_squeeze %dma_start3A_500 : memref<1x64x128xf32, #tpu.memory_space<vmem>> -> memref<64x128xf32, #tpu.memory_space<vmem>>
        %dma_start3A_502 = arith.constant 0 : i32
        %dma_start3A_503 = tpu.memref_slice %arg6[%add3A_495, %dma_start3A_502] : memref<40x64xi32, #tpu.memory_space<vmem>> -> memref<1x64xi32, #tpu.memory_space<vmem>>
        %dma_start3A_504 = tpu.memref_squeeze %dma_start3A_503 : memref<1x64xi32, #tpu.memory_space<vmem>> -> memref<64xi32, #tpu.memory_space<vmem>>
        %dma_start3A_505 = arith.constant 0 : i32
        %dma_start3A_506 = arith.constant 0 : i32
        %dma_start3A_507 = tpu.memref_slice %arg2[%dma_start3A_505, %dma_start3A_506] : memref<10240x128xf32, #tpu.memory_space<hbm>> -> memref<10240x128xf32, #tpu.memory_space<hbm>>
        %dma_start3A_508 = tpu.memref_slice %arg10[%dma_start3A_497] : memref<4x!tpu.dma_semaphore, #tpu.memory_space<semaphore_mem>> -> memref<1x!tpu.dma_semaphore, #tpu.memory_space<semaphore_mem>>
        %dma_start3A_509 = tpu.memref_squeeze %dma_start3A_508 : memref<1x!tpu.dma_semaphore, #tpu.memory_space<semaphore_mem>> -> memref<!tpu.dma_semaphore, #tpu.memory_space<semaphore_mem>>
        tpu.enqueue_indirect_dma source(%dma_start3A_507 : memref<10240x128xf32, #tpu.memory_space<hbm>>) target(%dma_start3A_501 : memref<64x128xf32, #tpu.memory_space<vmem>>) offsets(%dma_start3A_504 : memref<64xi32, #tpu.memory_space<vmem>>) semaphore(%dma_start3A_509 : memref<!tpu.dma_semaphore, #tpu.memory_space<semaphore_mem>>)
        %add3A_510 = arith.constant 3 : i32
        %add3A_511 = arith.addi %add3A_279, %add3A_510 : i32
        %dma_wait3A_512 = arith.constant 3 : i32
        %dma_wait3A_513 = arith.constant 3 : i32
        %dma_wait3A_514 = arith.constant 0 : i32
        %dma_wait3A_515 = arith.constant 0 : i32
        %dma_wait3A_516 = tpu.memref_slice %arg8[%dma_wait3A_512, %dma_wait3A_514, %dma_wait3A_515] : memref<4x64x128xf32, #tpu.memory_space<vmem>> -> memref<1x64x128xf32, #tpu.memory_space<vmem>>
        %dma_wait3A_517 = tpu.memref_squeeze %dma_wait3A_516 : memref<1x64x128xf32, #tpu.memory_space<vmem>> -> memref<64x128xf32, #tpu.memory_space<vmem>>
        %dma_wait3A_518 = arith.constant 0 : i32
        %dma_wait3A_519 = tpu.memref_slice %arg7[%add3A_511, %dma_wait3A_518] : memref<40x64xi32, #tpu.memory_space<vmem>> -> memref<1x64xi32, #tpu.memory_space<vmem>>
        %dma_wait3A_520 = tpu.memref_squeeze %dma_wait3A_519 : memref<1x64xi32, #tpu.memory_space<vmem>> -> memref<64xi32, #tpu.memory_space<vmem>>
        %dma_wait3A_521 = arith.constant 0 : i32
        %dma_wait3A_522 = arith.constant 0 : i32
        %dma_wait3A_523 = tpu.memref_slice %arg9[%dma_wait3A_521, %dma_wait3A_522] : memref<10240x128xf32, #tpu.memory_space<vmem_shared>> -> memref<10240x128xf32, #tpu.memory_space<vmem_shared>>
        %dma_wait3A_524 = tpu.memref_slice %arg11[%dma_wait3A_513] : memref<4x!tpu.dma_semaphore, #tpu.memory_space<semaphore_mem>> -> memref<1x!tpu.dma_semaphore, #tpu.memory_space<semaphore_mem>>
        %dma_wait3A_525 = tpu.memref_squeeze %dma_wait3A_524 : memref<1x!tpu.dma_semaphore, #tpu.memory_space<semaphore_mem>> -> memref<!tpu.dma_semaphore, #tpu.memory_space<semaphore_mem>>
        tpu.wait_indirect_dma semaphore(%dma_wait3A_525 : memref<!tpu.dma_semaphore, #tpu.memory_space<semaphore_mem>>) src(%dma_wait3A_517 : memref<64x128xf32, #tpu.memory_space<vmem>>) dst(%dma_wait3A_523 : memref<10240x128xf32, #tpu.memory_space<vmem_shared>>)
        %add3A_526 = arith.constant 4 : i32
        %add3A_527 = arith.addi %add3A_279, %add3A_526 : i32
        %add3A_528 = arith.constant 3 : i32
        %add3A_529 = arith.addi %add3A_527, %add3A_528 : i32
        %dma_start3A_530 = arith.constant 3 : i32
        %dma_start3A_531 = arith.constant 3 : i32
        %dma_start3A_532 = arith.constant 0 : i32
        %dma_start3A_533 = arith.constant 0 : i32
        %dma_start3A_534 = tpu.memref_slice %arg8[%dma_start3A_530, %dma_start3A_532, %dma_start3A_533] : memref<4x64x128xf32, #tpu.memory_space<vmem>> -> memref<1x64x128xf32, #tpu.memory_space<vmem>>
        %dma_start3A_535 = tpu.memref_squeeze %dma_start3A_534 : memref<1x64x128xf32, #tpu.memory_space<vmem>> -> memref<64x128xf32, #tpu.memory_space<vmem>>
        %dma_start3A_536 = arith.constant 0 : i32
        %dma_start3A_537 = tpu.memref_slice %arg6[%add3A_529, %dma_start3A_536] : memref<40x64xi32, #tpu.memory_space<vmem>> -> memref<1x64xi32, #tpu.memory_space<vmem>>
        %dma_start3A_538 = tpu.memref_squeeze %dma_start3A_537 : memref<1x64xi32, #tpu.memory_space<vmem>> -> memref<64xi32, #tpu.memory_space<vmem>>
        %dma_start3A_539 = arith.constant 0 : i32
        %dma_start3A_540 = arith.constant 0 : i32
        %dma_start3A_541 = tpu.memref_slice %arg2[%dma_start3A_539, %dma_start3A_540] : memref<10240x128xf32, #tpu.memory_space<hbm>> -> memref<10240x128xf32, #tpu.memory_space<hbm>>
        %dma_start3A_542 = tpu.memref_slice %arg10[%dma_start3A_531] : memref<4x!tpu.dma_semaphore, #tpu.memory_space<semaphore_mem>> -> memref<1x!tpu.dma_semaphore, #tpu.memory_space<semaphore_mem>>
        %dma_start3A_543 = tpu.memref_squeeze %dma_start3A_542 : memref<1x!tpu.dma_semaphore, #tpu.memory_space<semaphore_mem>> -> memref<!tpu.dma_semaphore, #tpu.memory_space<semaphore_mem>>
        tpu.enqueue_indirect_dma source(%dma_start3A_541 : memref<10240x128xf32, #tpu.memory_space<hbm>>) target(%dma_start3A_535 : memref<64x128xf32, #tpu.memory_space<vmem>>) offsets(%dma_start3A_538 : memref<64xi32, #tpu.memory_space<vmem>>) semaphore(%dma_start3A_543 : memref<!tpu.dma_semaphore, #tpu.memory_space<semaphore_mem>>)
      }
      %scan3A_95 = arith.constant 9 : i32
      %dma_wait3A = arith.constant 36 : i32
      %dma_wait3A_96 = arith.constant 0 : i32
      %dma_wait3A_97 = arith.constant 0 : i32
      %dma_wait3A_98 = arith.constant 0 : i32
      %dma_wait3A_99 = arith.constant 0 : i32
      %dma_wait3A_100 = tpu.memref_slice %arg8[%dma_wait3A_96, %dma_wait3A_98, %dma_wait3A_99] : memref<4x64x128xf32, #tpu.memory_space<vmem>> -> memref<1x64x128xf32, #tpu.memory_space<vmem>>
      %dma_wait3A_101 = tpu.memref_squeeze %dma_wait3A_100 : memref<1x64x128xf32, #tpu.memory_space<vmem>> -> memref<64x128xf32, #tpu.memory_space<vmem>>
      %dma_wait3A_102 = arith.constant 0 : i32
      %dma_wait3A_103 = tpu.memref_slice %arg6[%dma_wait3A, %dma_wait3A_102] : memref<40x64xi32, #tpu.memory_space<vmem>> -> memref<1x64xi32, #tpu.memory_space<vmem>>
      %dma_wait3A_104 = tpu.memref_squeeze %dma_wait3A_103 : memref<1x64xi32, #tpu.memory_space<vmem>> -> memref<64xi32, #tpu.memory_space<vmem>>
      %dma_wait3A_105 = arith.constant 0 : i32
      %dma_wait3A_106 = arith.constant 0 : i32
      %dma_wait3A_107 = tpu.memref_slice %arg2[%dma_wait3A_105, %dma_wait3A_106] : memref<10240x128xf32, #tpu.memory_space<hbm>> -> memref<10240x128xf32, #tpu.memory_space<hbm>>
      %dma_wait3A_108 = tpu.memref_slice %arg10[%dma_wait3A_97] : memref<4x!tpu.dma_semaphore, #tpu.memory_space<semaphore_mem>> -> memref<1x!tpu.dma_semaphore, #tpu.memory_space<semaphore_mem>>
      %dma_wait3A_109 = tpu.memref_squeeze %dma_wait3A_108 : memref<1x!tpu.dma_semaphore, #tpu.memory_space<semaphore_mem>> -> memref<!tpu.dma_semaphore, #tpu.memory_space<semaphore_mem>>
      tpu.wait_indirect_dma semaphore(%dma_wait3A_109 : memref<!tpu.dma_semaphore, #tpu.memory_space<semaphore_mem>>) src(%dma_wait3A_107 : memref<10240x128xf32, #tpu.memory_space<hbm>>) dst(%dma_wait3A_101 : memref<64x128xf32, #tpu.memory_space<vmem>>)
      %dma_start3A_110 = arith.constant 0 : i32
      %dma_start3A_111 = arith.constant 36 : i32
      %dma_start3A_112 = arith.constant 0 : i32
      %dma_start3A_113 = arith.constant 0 : i32
      %dma_start3A_114 = arith.constant 0 : i32
      %dma_start3A_115 = tpu.memref_slice %arg8[%dma_start3A_110, %dma_start3A_113, %dma_start3A_114] : memref<4x64x128xf32, #tpu.memory_space<vmem>> -> memref<1x64x128xf32, #tpu.memory_space<vmem>>
      %dma_start3A_116 = tpu.memref_squeeze %dma_start3A_115 : memref<1x64x128xf32, #tpu.memory_space<vmem>> -> memref<64x128xf32, #tpu.memory_space<vmem>>
      %dma_start3A_117 = arith.constant 0 : i32
      %dma_start3A_118 = tpu.memref_slice %arg7[%dma_start3A_111, %dma_start3A_117] : memref<40x64xi32, #tpu.memory_space<vmem>> -> memref<1x64xi32, #tpu.memory_space<vmem>>
      %dma_start3A_119 = tpu.memref_squeeze %dma_start3A_118 : memref<1x64xi32, #tpu.memory_space<vmem>> -> memref<64xi32, #tpu.memory_space<vmem>>
      %dma_start3A_120 = arith.constant 0 : i32
      %dma_start3A_121 = arith.constant 0 : i32
      %dma_start3A_122 = tpu.memref_slice %arg9[%dma_start3A_120, %dma_start3A_121] : memref<10240x128xf32, #tpu.memory_space<vmem_shared>> -> memref<10240x128xf32, #tpu.memory_space<vmem_shared>>
      %dma_start3A_123 = tpu.memref_slice %arg11[%dma_start3A_112] : memref<4x!tpu.dma_semaphore, #tpu.memory_space<semaphore_mem>> -> memref<1x!tpu.dma_semaphore, #tpu.memory_space<semaphore_mem>>
      %dma_start3A_124 = tpu.memref_squeeze %dma_start3A_123 : memref<1x!tpu.dma_semaphore, #tpu.memory_space<semaphore_mem>> -> memref<!tpu.dma_semaphore, #tpu.memory_space<semaphore_mem>>
      tpu.enqueue_indirect_dma source(%dma_start3A_116 : memref<64x128xf32, #tpu.memory_space<vmem>>) target(%dma_start3A_122 : memref<10240x128xf32, #tpu.memory_space<vmem_shared>>) offsets(%dma_start3A_119 : memref<64xi32, #tpu.memory_space<vmem>>) semaphore(%dma_start3A_124 : memref<!tpu.dma_semaphore, #tpu.memory_space<semaphore_mem>>) {add = true}
      %dma_wait3A_125 = arith.constant 37 : i32
      %dma_wait3A_126 = arith.constant 1 : i32
      %dma_wait3A_127 = arith.constant 1 : i32
      %dma_wait3A_128 = arith.constant 0 : i32
      %dma_wait3A_129 = arith.constant 0 : i32
      %dma_wait3A_130 = tpu.memref_slice %arg8[%dma_wait3A_126, %dma_wait3A_128, %dma_wait3A_129] : memref<4x64x128xf32, #tpu.memory_space<vmem>> -> memref<1x64x128xf32, #tpu.memory_space<vmem>>
      %dma_wait3A_131 = tpu.memref_squeeze %dma_wait3A_130 : memref<1x64x128xf32, #tpu.memory_space<vmem>> -> memref<64x128xf32, #tpu.memory_space<vmem>>
      %dma_wait3A_132 = arith.constant 0 : i32
      %dma_wait3A_133 = tpu.memref_slice %arg6[%dma_wait3A_125, %dma_wait3A_132] : memref<40x64xi32, #tpu.memory_space<vmem>> -> memref<1x64xi32, #tpu.memory_space<vmem>>
      %dma_wait3A_134 = tpu.memref_squeeze %dma_wait3A_133 : memref<1x64xi32, #tpu.memory_space<vmem>> -> memref<64xi32, #tpu.memory_space<vmem>>
      %dma_wait3A_135 = arith.constant 0 : i32
      %dma_wait3A_136 = arith.constant 0 : i32
      %dma_wait3A_137 = tpu.memref_slice %arg2[%dma_wait3A_135, %dma_wait3A_136] : memref<10240x128xf32, #tpu.memory_space<hbm>> -> memref<10240x128xf32, #tpu.memory_space<hbm>>
      %dma_wait3A_138 = tpu.memref_slice %arg10[%dma_wait3A_127] : memref<4x!tpu.dma_semaphore, #tpu.memory_space<semaphore_mem>> -> memref<1x!tpu.dma_semaphore, #tpu.memory_space<semaphore_mem>>
      %dma_wait3A_139 = tpu.memref_squeeze %dma_wait3A_138 : memref<1x!tpu.dma_semaphore, #tpu.memory_space<semaphore_mem>> -> memref<!tpu.dma_semaphore, #tpu.memory_space<semaphore_mem>>
      tpu.wait_indirect_dma semaphore(%dma_wait3A_139 : memref<!tpu.dma_semaphore, #tpu.memory_space<semaphore_mem>>) src(%dma_wait3A_137 : memref<10240x128xf32, #tpu.memory_space<hbm>>) dst(%dma_wait3A_131 : memref<64x128xf32, #tpu.memory_space<vmem>>)
      %dma_start3A_140 = arith.constant 1 : i32
      %dma_start3A_141 = arith.constant 37 : i32
      %dma_start3A_142 = arith.constant 1 : i32
      %dma_start3A_143 = arith.constant 0 : i32
      %dma_start3A_144 = arith.constant 0 : i32
      %dma_start3A_145 = tpu.memref_slice %arg8[%dma_start3A_140, %dma_start3A_143, %dma_start3A_144] : memref<4x64x128xf32, #tpu.memory_space<vmem>> -> memref<1x64x128xf32, #tpu.memory_space<vmem>>
      %dma_start3A_146 = tpu.memref_squeeze %dma_start3A_145 : memref<1x64x128xf32, #tpu.memory_space<vmem>> -> memref<64x128xf32, #tpu.memory_space<vmem>>
      %dma_start3A_147 = arith.constant 0 : i32
      %dma_start3A_148 = tpu.memref_slice %arg7[%dma_start3A_141, %dma_start3A_147] : memref<40x64xi32, #tpu.memory_space<vmem>> -> memref<1x64xi32, #tpu.memory_space<vmem>>
      %dma_start3A_149 = tpu.memref_squeeze %dma_start3A_148 : memref<1x64xi32, #tpu.memory_space<vmem>> -> memref<64xi32, #tpu.memory_space<vmem>>
      %dma_start3A_150 = arith.constant 0 : i32
      %dma_start3A_151 = arith.constant 0 : i32
      %dma_start3A_152 = tpu.memref_slice %arg9[%dma_start3A_150, %dma_start3A_151] : memref<10240x128xf32, #tpu.memory_space<vmem_shared>> -> memref<10240x128xf32, #tpu.memory_space<vmem_shared>>
      %dma_start3A_153 = tpu.memref_slice %arg11[%dma_start3A_142] : memref<4x!tpu.dma_semaphore, #tpu.memory_space<semaphore_mem>> -> memref<1x!tpu.dma_semaphore, #tpu.memory_space<semaphore_mem>>
      %dma_start3A_154 = tpu.memref_squeeze %dma_start3A_153 : memref<1x!tpu.dma_semaphore, #tpu.memory_space<semaphore_mem>> -> memref<!tpu.dma_semaphore, #tpu.memory_space<semaphore_mem>>
      tpu.enqueue_indirect_dma source(%dma_start3A_146 : memref<64x128xf32, #tpu.memory_space<vmem>>) target(%dma_start3A_152 : memref<10240x128xf32, #tpu.memory_space<vmem_shared>>) offsets(%dma_start3A_149 : memref<64xi32, #tpu.memory_space<vmem>>) semaphore(%dma_start3A_154 : memref<!tpu.dma_semaphore, #tpu.memory_space<semaphore_mem>>) {add = true}
      %dma_wait3A_155 = arith.constant 38 : i32
      %dma_wait3A_156 = arith.constant 2 : i32
      %dma_wait3A_157 = arith.constant 2 : i32
      %dma_wait3A_158 = arith.constant 0 : i32
      %dma_wait3A_159 = arith.constant 0 : i32
      %dma_wait3A_160 = tpu.memref_slice %arg8[%dma_wait3A_156, %dma_wait3A_158, %dma_wait3A_159] : memref<4x64x128xf32, #tpu.memory_space<vmem>> -> memref<1x64x128xf32, #tpu.memory_space<vmem>>
      %dma_wait3A_161 = tpu.memref_squeeze %dma_wait3A_160 : memref<1x64x128xf32, #tpu.memory_space<vmem>> -> memref<64x128xf32, #tpu.memory_space<vmem>>
      %dma_wait3A_162 = arith.constant 0 : i32
      %dma_wait3A_163 = tpu.memref_slice %arg6[%dma_wait3A_155, %dma_wait3A_162] : memref<40x64xi32, #tpu.memory_space<vmem>> -> memref<1x64xi32, #tpu.memory_space<vmem>>
      %dma_wait3A_164 = tpu.memref_squeeze %dma_wait3A_163 : memref<1x64xi32, #tpu.memory_space<vmem>> -> memref<64xi32, #tpu.memory_space<vmem>>
      %dma_wait3A_165 = arith.constant 0 : i32
      %dma_wait3A_166 = arith.constant 0 : i32
      %dma_wait3A_167 = tpu.memref_slice %arg2[%dma_wait3A_165, %dma_wait3A_166] : memref<10240x128xf32, #tpu.memory_space<hbm>> -> memref<10240x128xf32, #tpu.memory_space<hbm>>
      %dma_wait3A_168 = tpu.memref_slice %arg10[%dma_wait3A_157] : memref<4x!tpu.dma_semaphore, #tpu.memory_space<semaphore_mem>> -> memref<1x!tpu.dma_semaphore, #tpu.memory_space<semaphore_mem>>
      %dma_wait3A_169 = tpu.memref_squeeze %dma_wait3A_168 : memref<1x!tpu.dma_semaphore, #tpu.memory_space<semaphore_mem>> -> memref<!tpu.dma_semaphore, #tpu.memory_space<semaphore_mem>>
      tpu.wait_indirect_dma semaphore(%dma_wait3A_169 : memref<!tpu.dma_semaphore, #tpu.memory_space<semaphore_mem>>) src(%dma_wait3A_167 : memref<10240x128xf32, #tpu.memory_space<hbm>>) dst(%dma_wait3A_161 : memref<64x128xf32, #tpu.memory_space<vmem>>)
      %dma_start3A_170 = arith.constant 2 : i32
      %dma_start3A_171 = arith.constant 38 : i32
      %dma_start3A_172 = arith.constant 2 : i32
      %dma_start3A_173 = arith.constant 0 : i32
      %dma_start3A_174 = arith.constant 0 : i32
      %dma_start3A_175 = tpu.memref_slice %arg8[%dma_start3A_170, %dma_start3A_173, %dma_start3A_174] : memref<4x64x128xf32, #tpu.memory_space<vmem>> -> memref<1x64x128xf32, #tpu.memory_space<vmem>>
      %dma_start3A_176 = tpu.memref_squeeze %dma_start3A_175 : memref<1x64x128xf32, #tpu.memory_space<vmem>> -> memref<64x128xf32, #tpu.memory_space<vmem>>
      %dma_start3A_177 = arith.constant 0 : i32
      %dma_start3A_178 = tpu.memref_slice %arg7[%dma_start3A_171, %dma_start3A_177] : memref<40x64xi32, #tpu.memory_space<vmem>> -> memref<1x64xi32, #tpu.memory_space<vmem>>
      %dma_start3A_179 = tpu.memref_squeeze %dma_start3A_178 : memref<1x64xi32, #tpu.memory_space<vmem>> -> memref<64xi32, #tpu.memory_space<vmem>>
      %dma_start3A_180 = arith.constant 0 : i32
      %dma_start3A_181 = arith.constant 0 : i32
      %dma_start3A_182 = tpu.memref_slice %arg9[%dma_start3A_180, %dma_start3A_181] : memref<10240x128xf32, #tpu.memory_space<vmem_shared>> -> memref<10240x128xf32, #tpu.memory_space<vmem_shared>>
      %dma_start3A_183 = tpu.memref_slice %arg11[%dma_start3A_172] : memref<4x!tpu.dma_semaphore, #tpu.memory_space<semaphore_mem>> -> memref<1x!tpu.dma_semaphore, #tpu.memory_space<semaphore_mem>>
      %dma_start3A_184 = tpu.memref_squeeze %dma_start3A_183 : memref<1x!tpu.dma_semaphore, #tpu.memory_space<semaphore_mem>> -> memref<!tpu.dma_semaphore, #tpu.memory_space<semaphore_mem>>
      tpu.enqueue_indirect_dma source(%dma_start3A_176 : memref<64x128xf32, #tpu.memory_space<vmem>>) target(%dma_start3A_182 : memref<10240x128xf32, #tpu.memory_space<vmem_shared>>) offsets(%dma_start3A_179 : memref<64xi32, #tpu.memory_space<vmem>>) semaphore(%dma_start3A_184 : memref<!tpu.dma_semaphore, #tpu.memory_space<semaphore_mem>>) {add = true}
      %dma_wait3A_185 = arith.constant 39 : i32
      %dma_wait3A_186 = arith.constant 3 : i32
      %dma_wait3A_187 = arith.constant 3 : i32
      %dma_wait3A_188 = arith.constant 0 : i32
      %dma_wait3A_189 = arith.constant 0 : i32
      %dma_wait3A_190 = tpu.memref_slice %arg8[%dma_wait3A_186, %dma_wait3A_188, %dma_wait3A_189] : memref<4x64x128xf32, #tpu.memory_space<vmem>> -> memref<1x64x128xf32, #tpu.memory_space<vmem>>
      %dma_wait3A_191 = tpu.memref_squeeze %dma_wait3A_190 : memref<1x64x128xf32, #tpu.memory_space<vmem>> -> memref<64x128xf32, #tpu.memory_space<vmem>>
      %dma_wait3A_192 = arith.constant 0 : i32
      %dma_wait3A_193 = tpu.memref_slice %arg6[%dma_wait3A_185, %dma_wait3A_192] : memref<40x64xi32, #tpu.memory_space<vmem>> -> memref<1x64xi32, #tpu.memory_space<vmem>>
      %dma_wait3A_194 = tpu.memref_squeeze %dma_wait3A_193 : memref<1x64xi32, #tpu.memory_space<vmem>> -> memref<64xi32, #tpu.memory_space<vmem>>
      %dma_wait3A_195 = arith.constant 0 : i32
      %dma_wait3A_196 = arith.constant 0 : i32
      %dma_wait3A_197 = tpu.memref_slice %arg2[%dma_wait3A_195, %dma_wait3A_196] : memref<10240x128xf32, #tpu.memory_space<hbm>> -> memref<10240x128xf32, #tpu.memory_space<hbm>>
      %dma_wait3A_198 = tpu.memref_slice %arg10[%dma_wait3A_187] : memref<4x!tpu.dma_semaphore, #tpu.memory_space<semaphore_mem>> -> memref<1x!tpu.dma_semaphore, #tpu.memory_space<semaphore_mem>>
      %dma_wait3A_199 = tpu.memref_squeeze %dma_wait3A_198 : memref<1x!tpu.dma_semaphore, #tpu.memory_space<semaphore_mem>> -> memref<!tpu.dma_semaphore, #tpu.memory_space<semaphore_mem>>
      tpu.wait_indirect_dma semaphore(%dma_wait3A_199 : memref<!tpu.dma_semaphore, #tpu.memory_space<semaphore_mem>>) src(%dma_wait3A_197 : memref<10240x128xf32, #tpu.memory_space<hbm>>) dst(%dma_wait3A_191 : memref<64x128xf32, #tpu.memory_space<vmem>>)
      %dma_start3A_200 = arith.constant 3 : i32
      %dma_start3A_201 = arith.constant 39 : i32
      %dma_start3A_202 = arith.constant 3 : i32
      %dma_start3A_203 = arith.constant 0 : i32
      %dma_start3A_204 = arith.constant 0 : i32
      %dma_start3A_205 = tpu.memref_slice %arg8[%dma_start3A_200, %dma_start3A_203, %dma_start3A_204] : memref<4x64x128xf32, #tpu.memory_space<vmem>> -> memref<1x64x128xf32, #tpu.memory_space<vmem>>
      %dma_start3A_206 = tpu.memref_squeeze %dma_start3A_205 : memref<1x64x128xf32, #tpu.memory_space<vmem>> -> memref<64x128xf32, #tpu.memory_space<vmem>>
      %dma_start3A_207 = arith.constant 0 : i32
      %dma_start3A_208 = tpu.memref_slice %arg7[%dma_start3A_201, %dma_start3A_207] : memref<40x64xi32, #tpu.memory_space<vmem>> -> memref<1x64xi32, #tpu.memory_space<vmem>>
      %dma_start3A_209 = tpu.memref_squeeze %dma_start3A_208 : memref<1x64xi32, #tpu.memory_space<vmem>> -> memref<64xi32, #tpu.memory_space<vmem>>
      %dma_start3A_210 = arith.constant 0 : i32
      %dma_start3A_211 = arith.constant 0 : i32
      %dma_start3A_212 = tpu.memref_slice %arg9[%dma_start3A_210, %dma_start3A_211] : memref<10240x128xf32, #tpu.memory_space<vmem_shared>> -> memref<10240x128xf32, #tpu.memory_space<vmem_shared>>
      %dma_start3A_213 = tpu.memref_slice %arg11[%dma_start3A_202] : memref<4x!tpu.dma_semaphore, #tpu.memory_space<semaphore_mem>> -> memref<1x!tpu.dma_semaphore, #tpu.memory_space<semaphore_mem>>
      %dma_start3A_214 = tpu.memref_squeeze %dma_start3A_213 : memref<1x!tpu.dma_semaphore, #tpu.memory_space<semaphore_mem>> -> memref<!tpu.dma_semaphore, #tpu.memory_space<semaphore_mem>>
      tpu.enqueue_indirect_dma source(%dma_start3A_206 : memref<64x128xf32, #tpu.memory_space<vmem>>) target(%dma_start3A_212 : memref<10240x128xf32, #tpu.memory_space<vmem_shared>>) offsets(%dma_start3A_209 : memref<64xi32, #tpu.memory_space<vmem>>) semaphore(%dma_start3A_214 : memref<!tpu.dma_semaphore, #tpu.memory_space<semaphore_mem>>) {add = true}
      %dma_wait3A_215 = arith.constant 0 : i32
      %dma_wait3A_216 = arith.constant 36 : i32
      %dma_wait3A_217 = arith.constant 0 : i32
      %dma_wait3A_218 = arith.constant 0 : i32
      %dma_wait3A_219 = arith.constant 0 : i32
      %dma_wait3A_220 = tpu.memref_slice %arg8[%dma_wait3A_215, %dma_wait3A_218, %dma_wait3A_219] : memref<4x64x128xf32, #tpu.memory_space<vmem>> -> memref<1x64x128xf32, #tpu.memory_space<vmem>>
      %dma_wait3A_221 = tpu.memref_squeeze %dma_wait3A_220 : memref<1x64x128xf32, #tpu.memory_space<vmem>> -> memref<64x128xf32, #tpu.memory_space<vmem>>
      %dma_wait3A_222 = arith.constant 0 : i32
      %dma_wait3A_223 = tpu.memref_slice %arg7[%dma_wait3A_216, %dma_wait3A_222] : memref<40x64xi32, #tpu.memory_space<vmem>> -> memref<1x64xi32, #tpu.memory_space<vmem>>
      %dma_wait3A_224 = tpu.memref_squeeze %dma_wait3A_223 : memref<1x64xi32, #tpu.memory_space<vmem>> -> memref<64xi32, #tpu.memory_space<vmem>>
      %dma_wait3A_225 = arith.constant 0 : i32
      %dma_wait3A_226 = arith.constant 0 : i32
      %dma_wait3A_227 = tpu.memref_slice %arg9[%dma_wait3A_225, %dma_wait3A_226] : memref<10240x128xf32, #tpu.memory_space<vmem_shared>> -> memref<10240x128xf32, #tpu.memory_space<vmem_shared>>
      %dma_wait3A_228 = tpu.memref_slice %arg11[%dma_wait3A_217] : memref<4x!tpu.dma_semaphore, #tpu.memory_space<semaphore_mem>> -> memref<1x!tpu.dma_semaphore, #tpu.memory_space<semaphore_mem>>
      %dma_wait3A_229 = tpu.memref_squeeze %dma_wait3A_228 : memref<1x!tpu.dma_semaphore, #tpu.memory_space<semaphore_mem>> -> memref<!tpu.dma_semaphore, #tpu.memory_space<semaphore_mem>>
      tpu.wait_indirect_dma semaphore(%dma_wait3A_229 : memref<!tpu.dma_semaphore, #tpu.memory_space<semaphore_mem>>) src(%dma_wait3A_221 : memref<64x128xf32, #tpu.memory_space<vmem>>) dst(%dma_wait3A_227 : memref<10240x128xf32, #tpu.memory_space<vmem_shared>>)
      %dma_wait3A_230 = arith.constant 1 : i32
      %dma_wait3A_231 = arith.constant 37 : i32
      %dma_wait3A_232 = arith.constant 1 : i32
      %dma_wait3A_233 = arith.constant 0 : i32
      %dma_wait3A_234 = arith.constant 0 : i32
      %dma_wait3A_235 = tpu.memref_slice %arg8[%dma_wait3A_230, %dma_wait3A_233, %dma_wait3A_234] : memref<4x64x128xf32, #tpu.memory_space<vmem>> -> memref<1x64x128xf32, #tpu.memory_space<vmem>>
      %dma_wait3A_236 = tpu.memref_squeeze %dma_wait3A_235 : memref<1x64x128xf32, #tpu.memory_space<vmem>> -> memref<64x128xf32, #tpu.memory_space<vmem>>
      %dma_wait3A_237 = arith.constant 0 : i32
      %dma_wait3A_238 = tpu.memref_slice %arg7[%dma_wait3A_231, %dma_wait3A_237] : memref<40x64xi32, #tpu.memory_space<vmem>> -> memref<1x64xi32, #tpu.memory_space<vmem>>
      %dma_wait3A_239 = tpu.memref_squeeze %dma_wait3A_238 : memref<1x64xi32, #tpu.memory_space<vmem>> -> memref<64xi32, #tpu.memory_space<vmem>>
      %dma_wait3A_240 = arith.constant 0 : i32
      %dma_wait3A_241 = arith.constant 0 : i32
      %dma_wait3A_242 = tpu.memref_slice %arg9[%dma_wait3A_240, %dma_wait3A_241] : memref<10240x128xf32, #tpu.memory_space<vmem_shared>> -> memref<10240x128xf32, #tpu.memory_space<vmem_shared>>
      %dma_wait3A_243 = tpu.memref_slice %arg11[%dma_wait3A_232] : memref<4x!tpu.dma_semaphore, #tpu.memory_space<semaphore_mem>> -> memref<1x!tpu.dma_semaphore, #tpu.memory_space<semaphore_mem>>
      %dma_wait3A_244 = tpu.memref_squeeze %dma_wait3A_243 : memref<1x!tpu.dma_semaphore, #tpu.memory_space<semaphore_mem>> -> memref<!tpu.dma_semaphore, #tpu.memory_space<semaphore_mem>>
      tpu.wait_indirect_dma semaphore(%dma_wait3A_244 : memref<!tpu.dma_semaphore, #tpu.memory_space<semaphore_mem>>) src(%dma_wait3A_236 : memref<64x128xf32, #tpu.memory_space<vmem>>) dst(%dma_wait3A_242 : memref<10240x128xf32, #tpu.memory_space<vmem_shared>>)
      %dma_wait3A_245 = arith.constant 2 : i32
      %dma_wait3A_246 = arith.constant 38 : i32
      %dma_wait3A_247 = arith.constant 2 : i32
      %dma_wait3A_248 = arith.constant 0 : i32
      %dma_wait3A_249 = arith.constant 0 : i32
      %dma_wait3A_250 = tpu.memref_slice %arg8[%dma_wait3A_245, %dma_wait3A_248, %dma_wait3A_249] : memref<4x64x128xf32, #tpu.memory_space<vmem>> -> memref<1x64x128xf32, #tpu.memory_space<vmem>>
      %dma_wait3A_251 = tpu.memref_squeeze %dma_wait3A_250 : memref<1x64x128xf32, #tpu.memory_space<vmem>> -> memref<64x128xf32, #tpu.memory_space<vmem>>
      %dma_wait3A_252 = arith.constant 0 : i32
      %dma_wait3A_253 = tpu.memref_slice %arg7[%dma_wait3A_246, %dma_wait3A_252] : memref<40x64xi32, #tpu.memory_space<vmem>> -> memref<1x64xi32, #tpu.memory_space<vmem>>
      %dma_wait3A_254 = tpu.memref_squeeze %dma_wait3A_253 : memref<1x64xi32, #tpu.memory_space<vmem>> -> memref<64xi32, #tpu.memory_space<vmem>>
      %dma_wait3A_255 = arith.constant 0 : i32
      %dma_wait3A_256 = arith.constant 0 : i32
      %dma_wait3A_257 = tpu.memref_slice %arg9[%dma_wait3A_255, %dma_wait3A_256] : memref<10240x128xf32, #tpu.memory_space<vmem_shared>> -> memref<10240x128xf32, #tpu.memory_space<vmem_shared>>
      %dma_wait3A_258 = tpu.memref_slice %arg11[%dma_wait3A_247] : memref<4x!tpu.dma_semaphore, #tpu.memory_space<semaphore_mem>> -> memref<1x!tpu.dma_semaphore, #tpu.memory_space<semaphore_mem>>
      %dma_wait3A_259 = tpu.memref_squeeze %dma_wait3A_258 : memref<1x!tpu.dma_semaphore, #tpu.memory_space<semaphore_mem>> -> memref<!tpu.dma_semaphore, #tpu.memory_space<semaphore_mem>>
      tpu.wait_indirect_dma semaphore(%dma_wait3A_259 : memref<!tpu.dma_semaphore, #tpu.memory_space<semaphore_mem>>) src(%dma_wait3A_251 : memref<64x128xf32, #tpu.memory_space<vmem>>) dst(%dma_wait3A_257 : memref<10240x128xf32, #tpu.memory_space<vmem_shared>>)
      %dma_wait3A_260 = arith.constant 3 : i32
      %dma_wait3A_261 = arith.constant 39 : i32
      %dma_wait3A_262 = arith.constant 3 : i32
      %dma_wait3A_263 = arith.constant 0 : i32
      %dma_wait3A_264 = arith.constant 0 : i32
      %dma_wait3A_265 = tpu.memref_slice %arg8[%dma_wait3A_260, %dma_wait3A_263, %dma_wait3A_264] : memref<4x64x128xf32, #tpu.memory_space<vmem>> -> memref<1x64x128xf32, #tpu.memory_space<vmem>>
      %dma_wait3A_266 = tpu.memref_squeeze %dma_wait3A_265 : memref<1x64x128xf32, #tpu.memory_space<vmem>> -> memref<64x128xf32, #tpu.memory_space<vmem>>
      %dma_wait3A_267 = arith.constant 0 : i32
      %dma_wait3A_268 = tpu.memref_slice %arg7[%dma_wait3A_261, %dma_wait3A_267] : memref<40x64xi32, #tpu.memory_space<vmem>> -> memref<1x64xi32, #tpu.memory_space<vmem>>
      %dma_wait3A_269 = tpu.memref_squeeze %dma_wait3A_268 : memref<1x64xi32, #tpu.memory_space<vmem>> -> memref<64xi32, #tpu.memory_space<vmem>>
      %dma_wait3A_270 = arith.constant 0 : i32
      %dma_wait3A_271 = arith.constant 0 : i32
      %dma_wait3A_272 = tpu.memref_slice %arg9[%dma_wait3A_270, %dma_wait3A_271] : memref<10240x128xf32, #tpu.memory_space<vmem_shared>> -> memref<10240x128xf32, #tpu.memory_space<vmem_shared>>
      %dma_wait3A_273 = tpu.memref_slice %arg11[%dma_wait3A_262] : memref<4x!tpu.dma_semaphore, #tpu.memory_space<semaphore_mem>> -> memref<1x!tpu.dma_semaphore, #tpu.memory_space<semaphore_mem>>
      %dma_wait3A_274 = tpu.memref_squeeze %dma_wait3A_273 : memref<1x!tpu.dma_semaphore, #tpu.memory_space<semaphore_mem>> -> memref<!tpu.dma_semaphore, #tpu.memory_space<semaphore_mem>>
      tpu.wait_indirect_dma semaphore(%dma_wait3A_274 : memref<!tpu.dma_semaphore, #tpu.memory_space<semaphore_mem>>) src(%dma_wait3A_266 : memref<64x128xf32, #tpu.memory_space<vmem>>) dst(%dma_wait3A_272 : memref<10240x128xf32, #tpu.memory_space<vmem_shared>>)
    }
    %scan3A_16 = arith.constant 4 : i32
    %barrier3A_17 = arith.constant 0 : index
    tpu.barrier barrier_id(%barrier3A_17)
    %mul3A_18 = arith.constant 640 : i32
    %mul3A_19 = arith.muli %arg1, %mul3A_18 : i32
    %mul3A_20 = arith.constant 640 : i32
    %mul3A_21 = arith.muli %arg1, %mul3A_20 : i32
    "tpu.region"() ({
      %run_scoped3A = tpu.sem_alloc : memref<!tpu.dma_semaphore, #tpu.memory_space<semaphore_mem>>
      %dma_start3A = arith.constant 0 : i32
      %dma_start3A_22 = tpu.memref_slice %arg5[%arg0, %mul3A_21, %dma_start3A] : memref<2x10240x128xf32, #tpu.memory_space<hbm>> -> memref<1x640x128xf32, #tpu.memory_space<hbm>>
      %dma_start3A_23 = tpu.memref_squeeze %dma_start3A_22 : memref<1x640x128xf32, #tpu.memory_space<hbm>> -> memref<640x128xf32, #tpu.memory_space<hbm>>
      %dma_start3A_24 = arith.constant 0 : i32
      %dma_start3A_25 = tpu.memref_slice %arg9[%mul3A_19, %dma_start3A_24] : memref<10240x128xf32, #tpu.memory_space<vmem_shared>> -> memref<640x128xf32, #tpu.memory_space<vmem_shared>>
      tpu.enqueue_dma source(%dma_start3A_25 : memref<640x128xf32, #tpu.memory_space<vmem_shared>>) target(%dma_start3A_23 : memref<640x128xf32, #tpu.memory_space<hbm>>) target_semaphore(%run_scoped3A : memref<!tpu.dma_semaphore, #tpu.memory_space<semaphore_mem>>)
      %dma_wait3A = arith.constant 0 : i32
      %dma_wait3A_26 = tpu.memref_slice %arg5[%arg0, %mul3A_21, %dma_wait3A] : memref<2x10240x128xf32, #tpu.memory_space<hbm>> -> memref<1x640x128xf32, #tpu.memory_space<hbm>>
      %dma_wait3A_27 = tpu.memref_squeeze %dma_wait3A_26 : memref<1x640x128xf32, #tpu.memory_space<hbm>> -> memref<640x128xf32, #tpu.memory_space<hbm>>
      %dma_wait3A_28 = arith.constant 0 : i32
      %dma_wait3A_29 = tpu.memref_slice %arg9[%mul3A_19, %dma_wait3A_28] : memref<10240x128xf32, #tpu.memory_space<vmem_shared>> -> memref<640x128xf32, #tpu.memory_space<vmem_shared>>
      tpu.wait_dma2 semaphore(%run_scoped3A : memref<!tpu.dma_semaphore, #tpu.memory_space<semaphore_mem>>) src(%dma_wait3A_29 : memref<640x128xf32, #tpu.memory_space<vmem_shared>>) dst(%dma_wait3A_27 : memref<640x128xf32, #tpu.memory_space<hbm>>)
      tpu.yield
    }) : () -> ()
    return
  }
}

#map = affine_map<(d0, d1) -> (0, 0)>
#map1 = affine_map<(d0, d1) -> (0, 0, 0)>
module attributes {stable_mosaic.version = 14 : i64} {
  func.func @agg_kernel(%arg0: i32, %arg1: i32, %arg2: memref<10240x128xf32, #tpu.memory_space<hbm>>, %arg3: memref<5120x64xi32, #tpu.memory_space<hbm>>, %arg4: memref<5120x64xi32, #tpu.memory_space<hbm>>, %arg5: memref<2x10240x128xf32, #tpu.memory_space<hbm>>, %arg6: memref<40x64xi32, #tpu.memory_space<vmem>>, %arg7: memref<40x64xi32, #tpu.memory_space<vmem>>, %arg8: memref<4x64x128xf32, #tpu.memory_space<vmem>>, %arg9: memref<10240x128xf32, #tpu.memory_space<vmem_shared>>, %arg10: memref<4x!tpu.dma_semaphore, #tpu.memory_space<semaphore_mem>>, %arg11: memref<4x!tpu.dma_semaphore, #tpu.memory_space<semaphore_mem>>) attributes {dimension_semantics = [#tpu.dimension_semantics<core_parallel>, #tpu.dimension_semantics<subcore_parallel>], iteration_bounds = array<i64: 2, 16>, scalar_prefetch = 0 : i64, scratch_operands = 6 : i64, tpu.core_type = #tpu.core_type<sc_vector_subcore>, window_params = [{transform_indices = #map}, {transform_indices = #map}, {transform_indices = #map}, {transform_indices = #map1}]} {
    %mul3A = arith.constant 16 : i32
    %mul3A_0 = arith.muli %arg0, %mul3A : i32
    %add3A = arith.addi %mul3A_0, %arg1 : i32
    %broadcast_in_dim3A = arith.constant 0.000000e+00 : f32
    %broadcast_in_dim3A_1 = vector.broadcast %broadcast_in_dim3A : f32 to vector<16xf32>
    %scan3A = arith.constant 0 : i32
    %scan3A_2 = arith.constant 0 : i32
    %scan3A_3 = arith.constant 64 : i32
    %scan3A_4 = arith.addi %scan3A_2, %scan3A_3 : i32
    %scan3A_5 = arith.constant 1 : i32
    scf.for %scan3A_22 = %scan3A_2 to %scan3A_4 step %scan3A_5  : i32 {
      %mul3A_23 = arith.constant 1 : i32
      %mul3A_24 = arith.muli %scan3A_22, %mul3A_23 : i32
      %add3A_25 = arith.constant 0 : i32
      %add3A_26 = arith.addi %add3A_25, %mul3A_24 : i32
      %swap3A = arith.constant 0 : i32
      %swap3A_27 = arith.constant 0 : i32
      %swap3A_28 = tpu.memref_slice %arg8[%scan3A, %swap3A, %swap3A_27] : memref<4x64x128xf32, #tpu.memory_space<vmem>> -> memref<1x64x128xf32, #tpu.memory_space<vmem>>
      %swap3A_29 = tpu.memref_squeeze %swap3A_28 : memref<1x64x128xf32, #tpu.memory_space<vmem>> -> memref<64x128xf32, #tpu.memory_space<vmem>>
      %swap3A_30 = arith.constant 0 : i32
      %swap3A_31 = tpu.memref_slice %swap3A_29[%add3A_26, %swap3A_30] : memref<64x128xf32, #tpu.memory_space<vmem>> -> memref<1x128xf32, #tpu.memory_space<vmem>>
      %swap3A_32 = tpu.memref_squeeze %swap3A_31 : memref<1x128xf32, #tpu.memory_space<vmem>> -> memref<128xf32, #tpu.memory_space<vmem>>
      %swap3A_33 = arith.constant 0 : index
      %swap3A_34 = tpu.vector_load %swap3A_32[%swap3A_33] {strides = array<i32>} : memref<128xf32, #tpu.memory_space<vmem>>, vector<16xf32>,
      %swap3A_35 = vector.shape_cast %swap3A_34 : vector<16xf32> to vector<16xf32>
      %swap3A_36 = vector.shape_cast %broadcast_in_dim3A_1 : vector<16xf32> to vector<16xf32>
      tpu.vector_store %swap3A_32[%swap3A_33], %swap3A_36 {strides = array<i32>} : memref<128xf32, #tpu.memory_space<vmem>>, vector<16xf32>,
      %swap3A_37 = arith.constant 0 : i32
      %swap3A_38 = arith.constant 0 : i32
      %swap3A_39 = tpu.memref_slice %arg8[%scan3A, %swap3A_37, %swap3A_38] : memref<4x64x128xf32, #tpu.memory_space<vmem>> -> memref<1x64x128xf32, #tpu.memory_space<vmem>>
      %swap3A_40 = tpu.memref_squeeze %swap3A_39 : memref<1x64x128xf32, #tpu.memory_space<vmem>> -> memref<64x128xf32, #tpu.memory_space<vmem>>
      %swap3A_41 = arith.constant 0 : i32
      %swap3A_42 = tpu.memref_slice %swap3A_40[%add3A_26, %swap3A_41] : memref<64x128xf32, #tpu.memory_space<vmem>> -> memref<1x128xf32, #tpu.memory_space<vmem>>
      %swap3A_43 = tpu.memref_squeeze %swap3A_42 : memref<1x128xf32, #tpu.memory_space<vmem>> -> memref<128xf32, #tpu.memory_space<vmem>>
      %swap3A_44 = arith.constant 16 : index
      %swap3A_45 = tpu.vector_load %swap3A_43[%swap3A_44] {strides = array<i32>} : memref<128xf32, #tpu.memory_space<vmem>>, vector<16xf32>,
      %swap3A_46 = vector.shape_cast %swap3A_45 : vector<16xf32> to vector<16xf32>
      %swap3A_47 = vector.shape_cast %broadcast_in_dim3A_1 : vector<16xf32> to vector<16xf32>
      tpu.vector_store %swap3A_43[%swap3A_44], %swap3A_47 {strides = array<i32>} : memref<128xf32, #tpu.memory_space<vmem>>, vector<16xf32>,
      %swap3A_48 = arith.constant 0 : i32
      %swap3A_49 = arith.constant 0 : i32
      %swap3A_50 = tpu.memref_slice %arg8[%scan3A, %swap3A_48, %swap3A_49] : memref<4x64x128xf32, #tpu.memory_space<vmem>> -> memref<1x64x128xf32, #tpu.memory_space<vmem>>
      %swap3A_51 = tpu.memref_squeeze %swap3A_50 : memref<1x64x128xf32, #tpu.memory_space<vmem>> -> memref<64x128xf32, #tpu.memory_space<vmem>>
      %swap3A_52 = arith.constant 0 : i32
      %swap3A_53 = tpu.memref_slice %swap3A_51[%add3A_26, %swap3A_52] : memref<64x128xf32, #tpu.memory_space<vmem>> -> memref<1x128xf32, #tpu.memory_space<vmem>>
      %swap3A_54 = tpu.memref_squeeze %swap3A_53 : memref<1x128xf32, #tpu.memory_space<vmem>> -> memref<128xf32, #tpu.memory_space<vmem>>
      %swap3A_55 = arith.constant 32 : index
      %swap3A_56 = tpu.vector_load %swap3A_54[%swap3A_55] {strides = array<i32>} : memref<128xf32, #tpu.memory_space<vmem>>, vector<16xf32>,
      %swap3A_57 = vector.shape_cast %swap3A_56 : vector<16xf32> to vector<16xf32>
      %swap3A_58 = vector.shape_cast %broadcast_in_dim3A_1 : vector<16xf32> to vector<16xf32>
      tpu.vector_store %swap3A_54[%swap3A_55], %swap3A_58 {strides = array<i32>} : memref<128xf32, #tpu.memory_space<vmem>>, vector<16xf32>,
      %swap3A_59 = arith.constant 0 : i32
      %swap3A_60 = arith.constant 0 : i32
      %swap3A_61 = tpu.memref_slice %arg8[%scan3A, %swap3A_59, %swap3A_60] : memref<4x64x128xf32, #tpu.memory_space<vmem>> -> memref<1x64x128xf32, #tpu.memory_space<vmem>>
      %swap3A_62 = tpu.memref_squeeze %swap3A_61 : memref<1x64x128xf32, #tpu.memory_space<vmem>> -> memref<64x128xf32, #tpu.memory_space<vmem>>
      %swap3A_63 = arith.constant 0 : i32
      %swap3A_64 = tpu.memref_slice %swap3A_62[%add3A_26, %swap3A_63] : memref<64x128xf32, #tpu.memory_space<vmem>> -> memref<1x128xf32, #tpu.memory_space<vmem>>
      %swap3A_65 = tpu.memref_squeeze %swap3A_64 : memref<1x128xf32, #tpu.memory_space<vmem>> -> memref<128xf32, #tpu.memory_space<vmem>>
      %swap3A_66 = arith.constant 48 : index
      %swap3A_67 = tpu.vector_load %swap3A_65[%swap3A_66] {strides = array<i32>} : memref<128xf32, #tpu.memory_space<vmem>>, vector<16xf32>,
      %swap3A_68 = vector.shape_cast %swap3A_67 : vector<16xf32> to vector<16xf32>
      %swap3A_69 = vector.shape_cast %broadcast_in_dim3A_1 : vector<16xf32> to vector<16xf32>
      tpu.vector_store %swap3A_65[%swap3A_66], %swap3A_69 {strides = array<i32>} : memref<128xf32, #tpu.memory_space<vmem>>, vector<16xf32>,
      %swap3A_70 = arith.constant 0 : i32
      %swap3A_71 = arith.constant 0 : i32
      %swap3A_72 = tpu.memref_slice %arg8[%scan3A, %swap3A_70, %swap3A_71] : memref<4x64x128xf32, #tpu.memory_space<vmem>> -> memref<1x64x128xf32, #tpu.memory_space<vmem>>
      %swap3A_73 = tpu.memref_squeeze %swap3A_72 : memref<1x64x128xf32, #tpu.memory_space<vmem>> -> memref<64x128xf32, #tpu.memory_space<vmem>>
      %swap3A_74 = arith.constant 0 : i32
      %swap3A_75 = tpu.memref_slice %swap3A_73[%add3A_26, %swap3A_74] : memref<64x128xf32, #tpu.memory_space<vmem>> -> memref<1x128xf32, #tpu.memory_space<vmem>>
      %swap3A_76 = tpu.memref_squeeze %swap3A_75 : memref<1x128xf32, #tpu.memory_space<vmem>> -> memref<128xf32, #tpu.memory_space<vmem>>
      %swap3A_77 = arith.constant 64 : index
      %swap3A_78 = tpu.vector_load %swap3A_76[%swap3A_77] {strides = array<i32>} : memref<128xf32, #tpu.memory_space<vmem>>, vector<16xf32>,
      %swap3A_79 = vector.shape_cast %swap3A_78 : vector<16xf32> to vector<16xf32>
      %swap3A_80 = vector.shape_cast %broadcast_in_dim3A_1 : vector<16xf32> to vector<16xf32>
      tpu.vector_store %swap3A_76[%swap3A_77], %swap3A_80 {strides = array<i32>} : memref<128xf32, #tpu.memory_space<vmem>>, vector<16xf32>,
      %swap3A_81 = arith.constant 0 : i32
      %swap3A_82 = arith.constant 0 : i32
      %swap3A_83 = tpu.memref_slice %arg8[%scan3A, %swap3A_81, %swap3A_82] : memref<4x64x128xf32, #tpu.memory_space<vmem>> -> memref<1x64x128xf32, #tpu.memory_space<vmem>>
      %swap3A_84 = tpu.memref_squeeze %swap3A_83 : memref<1x64x128xf32, #tpu.memory_space<vmem>> -> memref<64x128xf32, #tpu.memory_space<vmem>>
      %swap3A_85 = arith.constant 0 : i32
      %swap3A_86 = tpu.memref_slice %swap3A_84[%add3A_26, %swap3A_85] : memref<64x128xf32, #tpu.memory_space<vmem>> -> memref<1x128xf32, #tpu.memory_space<vmem>>
      %swap3A_87 = tpu.memref_squeeze %swap3A_86 : memref<1x128xf32, #tpu.memory_space<vmem>> -> memref<128xf32, #tpu.memory_space<vmem>>
      %swap3A_88 = arith.constant 80 : index
      %swap3A_89 = tpu.vector_load %swap3A_87[%swap3A_88] {strides = array<i32>} : memref<128xf32, #tpu.memory_space<vmem>>, vector<16xf32>,
      %swap3A_90 = vector.shape_cast %swap3A_89 : vector<16xf32> to vector<16xf32>
      %swap3A_91 = vector.shape_cast %broadcast_in_dim3A_1 : vector<16xf32> to vector<16xf32>
      tpu.vector_store %swap3A_87[%swap3A_88], %swap3A_91 {strides = array<i32>} : memref<128xf32, #tpu.memory_space<vmem>>, vector<16xf32>,
      %swap3A_92 = arith.constant 0 : i32
      %swap3A_93 = arith.constant 0 : i32
      %swap3A_94 = tpu.memref_slice %arg8[%scan3A, %swap3A_92, %swap3A_93] : memref<4x64x128xf32, #tpu.memory_space<vmem>> -> memref<1x64x128xf32, #tpu.memory_space<vmem>>
      %swap3A_95 = tpu.memref_squeeze %swap3A_94 : memref<1x64x128xf32, #tpu.memory_space<vmem>> -> memref<64x128xf32, #tpu.memory_space<vmem>>
      %swap3A_96 = arith.constant 0 : i32
      %swap3A_97 = tpu.memref_slice %swap3A_95[%add3A_26, %swap3A_96] : memref<64x128xf32, #tpu.memory_space<vmem>> -> memref<1x128xf32, #tpu.memory_space<vmem>>
      %swap3A_98 = tpu.memref_squeeze %swap3A_97 : memref<1x128xf32, #tpu.memory_space<vmem>> -> memref<128xf32, #tpu.memory_space<vmem>>
      %swap3A_99 = arith.constant 96 : index
      %swap3A_100 = tpu.vector_load %swap3A_98[%swap3A_99] {strides = array<i32>} : memref<128xf32, #tpu.memory_space<vmem>>, vector<16xf32>,
      %swap3A_101 = vector.shape_cast %swap3A_100 : vector<16xf32> to vector<16xf32>
      %swap3A_102 = vector.shape_cast %broadcast_in_dim3A_1 : vector<16xf32> to vector<16xf32>
      tpu.vector_store %swap3A_98[%swap3A_99], %swap3A_102 {strides = array<i32>} : memref<128xf32, #tpu.memory_space<vmem>>, vector<16xf32>,
      %swap3A_103 = arith.constant 0 : i32
      %swap3A_104 = arith.constant 0 : i32
      %swap3A_105 = tpu.memref_slice %arg8[%scan3A, %swap3A_103, %swap3A_104] : memref<4x64x128xf32, #tpu.memory_space<vmem>> -> memref<1x64x128xf32, #tpu.memory_space<vmem>>
      %swap3A_106 = tpu.memref_squeeze %swap3A_105 : memref<1x64x128xf32, #tpu.memory_space<vmem>> -> memref<64x128xf32, #tpu.memory_space<vmem>>
      %swap3A_107 = arith.constant 0 : i32
      %swap3A_108 = tpu.memref_slice %swap3A_106[%add3A_26, %swap3A_107] : memref<64x128xf32, #tpu.memory_space<vmem>> -> memref<1x128xf32, #tpu.memory_space<vmem>>
      %swap3A_109 = tpu.memref_squeeze %swap3A_108 : memref<1x128xf32, #tpu.memory_space<vmem>> -> memref<128xf32, #tpu.memory_space<vmem>>
      %swap3A_110 = arith.constant 112 : index
      %swap3A_111 = tpu.vector_load %swap3A_109[%swap3A_110] {strides = array<i32>} : memref<128xf32, #tpu.memory_space<vmem>>, vector<16xf32>,
      %swap3A_112 = vector.shape_cast %swap3A_111 : vector<16xf32> to vector<16xf32>
      %swap3A_113 = vector.shape_cast %broadcast_in_dim3A_1 : vector<16xf32> to vector<16xf32>
      tpu.vector_store %swap3A_109[%swap3A_110], %swap3A_113 {strides = array<i32>} : memref<128xf32, #tpu.memory_space<vmem>>, vector<16xf32>,
    }
    %scan3A_6 = arith.constant 64 : i32
    %scan3A_7 = arith.constant 0 : i32
    %scan3A_8 = arith.constant 10 : i32
    %scan3A_9 = arith.addi %scan3A_7, %scan3A_8 : i32
    %scan3A_10 = arith.constant 1 : i32
    scf.for %scan3A_22 = %scan3A_7 to %scan3A_9 step %scan3A_10  : i32 {
      %mul3A_23 = arith.constant 1 : i32
      %mul3A_24 = arith.muli %scan3A_22, %mul3A_23 : i32
      %add3A_25 = arith.constant 0 : i32
      %add3A_26 = arith.addi %add3A_25, %mul3A_24 : i32
      %mul3A_27 = arith.constant 640 : i32
      %mul3A_28 = arith.muli %arg1, %mul3A_27 : i32
      %mul3A_29 = arith.constant 64 : i32
      %mul3A_30 = arith.muli %add3A_26, %mul3A_29 : i32
      %add3A_31 = arith.addi %mul3A_28, %mul3A_30 : i32
      %run_scoped3A = arith.constant 0 : i32
      "tpu.region"() ({
        %run_scoped3A_32 = tpu.sem_alloc : memref<!tpu.dma_semaphore, #tpu.memory_space<semaphore_mem>>
        %dma_start3A = arith.constant 0 : i32
        %dma_start3A_33 = arith.constant 0 : i32
        %dma_start3A_34 = tpu.memref_slice %arg8[%run_scoped3A, %dma_start3A, %dma_start3A_33] : memref<4x64x128xf32, #tpu.memory_space<vmem>> -> memref<1x64x128xf32, #tpu.memory_space<vmem>>
        %dma_start3A_35 = tpu.memref_squeeze %dma_start3A_34 : memref<1x64x128xf32, #tpu.memory_space<vmem>> -> memref<64x128xf32, #tpu.memory_space<vmem>>
        %dma_start3A_36 = arith.constant 0 : i32
        %dma_start3A_37 = tpu.memref_slice %arg9[%add3A_31, %dma_start3A_36] : memref<10240x128xf32, #tpu.memory_space<vmem_shared>> -> memref<64x128xf32, #tpu.memory_space<vmem_shared>>
        %dma_start3A_38 = arith.constant 0 : i32
        %dma_start3A_39 = tpu.memref_slice %arg9[%add3A_31, %dma_start3A_38] : memref<10240x128xf32, #tpu.memory_space<vmem_shared>> -> memref<64x128xf32, #tpu.memory_space<vmem_shared>>
        %dma_start3A_40 = arith.constant 0 : i32
        %dma_start3A_41 = arith.constant 0 : i32
        %dma_start3A_42 = tpu.memref_slice %arg8[%run_scoped3A, %dma_start3A_40, %dma_start3A_41] : memref<4x64x128xf32, #tpu.memory_space<vmem>> -> memref<1x64x128xf32, #tpu.memory_space<vmem>>
        %dma_start3A_43 = tpu.memref_squeeze %dma_start3A_42 : memref<1x64x128xf32, #tpu.memory_space<vmem>> -> memref<64x128xf32, #tpu.memory_space<vmem>>
        tpu.enqueue_dma source(%dma_start3A_43 : memref<64x128xf32, #tpu.memory_space<vmem>>) target(%dma_start3A_39 : memref<64x128xf32, #tpu.memory_space<vmem_shared>>) target_semaphore(%run_scoped3A_32 : memref<!tpu.dma_semaphore, #tpu.memory_space<semaphore_mem>>)
        %dma_wait3A = arith.constant 0 : i32
        %dma_wait3A_44 = arith.constant 0 : i32
        %dma_wait3A_45 = tpu.memref_slice %arg8[%run_scoped3A, %dma_wait3A, %dma_wait3A_44] : memref<4x64x128xf32, #tpu.memory_space<vmem>> -> memref<1x64x128xf32, #tpu.memory_space<vmem>>
        %dma_wait3A_46 = tpu.memref_squeeze %dma_wait3A_45 : memref<1x64x128xf32, #tpu.memory_space<vmem>> -> memref<64x128xf32, #tpu.memory_space<vmem>>
        %dma_wait3A_47 = arith.constant 0 : i32
        %dma_wait3A_48 = tpu.memref_slice %arg9[%add3A_31, %dma_wait3A_47] : memref<10240x128xf32, #tpu.memory_space<vmem_shared>> -> memref<64x128xf32, #tpu.memory_space<vmem_shared>>
        %dma_wait3A_49 = arith.constant 0 : i32
        %dma_wait3A_50 = tpu.memref_slice %arg9[%add3A_31, %dma_wait3A_49] : memref<10240x128xf32, #tpu.memory_space<vmem_shared>> -> memref<64x128xf32, #tpu.memory_space<vmem_shared>>
        %dma_wait3A_51 = arith.constant 0 : i32
        %dma_wait3A_52 = arith.constant 0 : i32
        %dma_wait3A_53 = tpu.memref_slice %arg8[%run_scoped3A, %dma_wait3A_51, %dma_wait3A_52] : memref<4x64x128xf32, #tpu.memory_space<vmem>> -> memref<1x64x128xf32, #tpu.memory_space<vmem>>
        %dma_wait3A_54 = tpu.memref_squeeze %dma_wait3A_53 : memref<1x64x128xf32, #tpu.memory_space<vmem>> -> memref<64x128xf32, #tpu.memory_space<vmem>>
        tpu.wait_dma2 semaphore(%run_scoped3A_32 : memref<!tpu.dma_semaphore, #tpu.memory_space<semaphore_mem>>) src(%dma_wait3A_54 : memref<64x128xf32, #tpu.memory_space<vmem>>) dst(%dma_wait3A_50 : memref<64x128xf32, #tpu.memory_space<vmem_shared>>)
        tpu.yield
      }) : () -> ()
    }
    %scan3A_11 = arith.constant 10 : i32
    %barrier3A = arith.constant 0 : index
    tpu.barrier barrier_id(%barrier3A)
    %scan3A_12 = arith.constant 0 : i32
    %scan3A_13 = arith.constant 4 : i32
    %scan3A_14 = arith.addi %scan3A_12, %scan3A_13 : i32
    %scan3A_15 = arith.constant 1 : i32
    scf.for %scan3A_22 = %scan3A_12 to %scan3A_14 step %scan3A_15  : i32 {
      %mul3A_23 = arith.constant 1 : i32
      %mul3A_24 = arith.muli %scan3A_22, %mul3A_23 : i32
      %add3A_25 = arith.constant 0 : i32
      %add3A_26 = arith.addi %add3A_25, %mul3A_24 : i32
      %mul3A_27 = arith.constant 160 : i32
      %mul3A_28 = arith.muli %add3A, %mul3A_27 : i32
      %mul3A_29 = arith.constant 40 : i32
      %mul3A_30 = arith.muli %add3A_26, %mul3A_29 : i32
      %add3A_31 = arith.addi %mul3A_28, %mul3A_30 : i32
      "tpu.region"() ({
        %run_scoped3A = tpu.sem_alloc : memref<!tpu.dma_semaphore, #tpu.memory_space<semaphore_mem>>
        %dma_start3A_275 = arith.constant 0 : i32
        %dma_start3A_276 = tpu.memref_slice %arg3[%add3A_31, %dma_start3A_275] : memref<5120x64xi32, #tpu.memory_space<hbm>> -> memref<40x64xi32, #tpu.memory_space<hbm>>
        %dma_start3A_277 = arith.constant 0 : i32
        %dma_start3A_278 = tpu.memref_slice %arg3[%add3A_31, %dma_start3A_277] : memref<5120x64xi32, #tpu.memory_space<hbm>> -> memref<40x64xi32, #tpu.memory_space<hbm>>
        tpu.enqueue_dma source(%dma_start3A_278 : memref<40x64xi32, #tpu.memory_space<hbm>>) target(%arg6 : memref<40x64xi32, #tpu.memory_space<vmem>>) target_semaphore(%run_scoped3A : memref<!tpu.dma_semaphore, #tpu.memory_space<semaphore_mem>>)
        %dma_wait3A_279 = arith.constant 0 : i32
        %dma_wait3A_280 = tpu.memref_slice %arg3[%add3A_31, %dma_wait3A_279] : memref<5120x64xi32, #tpu.memory_space<hbm>> -> memref<40x64xi32, #tpu.memory_space<hbm>>
        %dma_wait3A_281 = arith.constant 0 : i32
        %dma_wait3A_282 = tpu.memref_slice %arg3[%add3A_31, %dma_wait3A_281] : memref<5120x64xi32, #tpu.memory_space<hbm>> -> memref<40x64xi32, #tpu.memory_space<hbm>>
        tpu.wait_dma2 semaphore(%run_scoped3A : memref<!tpu.dma_semaphore, #tpu.memory_space<semaphore_mem>>) src(%dma_wait3A_282 : memref<40x64xi32, #tpu.memory_space<hbm>>) dst(%arg6 : memref<40x64xi32, #tpu.memory_space<vmem>>)
        tpu.yield
      }) : () -> ()
      "tpu.region"() ({
        %run_scoped3A = tpu.sem_alloc : memref<!tpu.dma_semaphore, #tpu.memory_space<semaphore_mem>>
        %dma_start3A_275 = arith.constant 0 : i32
        %dma_start3A_276 = tpu.memref_slice %arg4[%add3A_31, %dma_start3A_275] : memref<5120x64xi32, #tpu.memory_space<hbm>> -> memref<40x64xi32, #tpu.memory_space<hbm>>
        %dma_start3A_277 = arith.constant 0 : i32
        %dma_start3A_278 = tpu.memref_slice %arg4[%add3A_31, %dma_start3A_277] : memref<5120x64xi32, #tpu.memory_space<hbm>> -> memref<40x64xi32, #tpu.memory_space<hbm>>
        tpu.enqueue_dma source(%dma_start3A_278 : memref<40x64xi32, #tpu.memory_space<hbm>>) target(%arg7 : memref<40x64xi32, #tpu.memory_space<vmem>>) target_semaphore(%run_scoped3A : memref<!tpu.dma_semaphore, #tpu.memory_space<semaphore_mem>>)
        %dma_wait3A_279 = arith.constant 0 : i32
        %dma_wait3A_280 = tpu.memref_slice %arg4[%add3A_31, %dma_wait3A_279] : memref<5120x64xi32, #tpu.memory_space<hbm>> -> memref<40x64xi32, #tpu.memory_space<hbm>>
        %dma_wait3A_281 = arith.constant 0 : i32
        %dma_wait3A_282 = tpu.memref_slice %arg4[%add3A_31, %dma_wait3A_281] : memref<5120x64xi32, #tpu.memory_space<hbm>> -> memref<40x64xi32, #tpu.memory_space<hbm>>
        tpu.wait_dma2 semaphore(%run_scoped3A : memref<!tpu.dma_semaphore, #tpu.memory_space<semaphore_mem>>) src(%dma_wait3A_282 : memref<40x64xi32, #tpu.memory_space<hbm>>) dst(%arg7 : memref<40x64xi32, #tpu.memory_space<vmem>>)
        tpu.yield
      }) : () -> ()
      %dma_start3A = arith.constant 0 : i32
      %dma_start3A_32 = arith.constant 0 : i32
      %dma_start3A_33 = arith.constant 0 : i32
      %dma_start3A_34 = arith.constant 0 : i32
      %dma_start3A_35 = arith.constant 0 : i32
      %dma_start3A_36 = tpu.memref_slice %arg8[%dma_start3A_32, %dma_start3A_34, %dma_start3A_35] : memref<4x64x128xf32, #tpu.memory_space<vmem>> -> memref<1x64x128xf32, #tpu.memory_space<vmem>>
      %dma_start3A_37 = tpu.memref_squeeze %dma_start3A_36 : memref<1x64x128xf32, #tpu.memory_space<vmem>> -> memref<64x128xf32, #tpu.memory_space<vmem>>
      %dma_start3A_38 = arith.constant 0 : i32
      %dma_start3A_39 = tpu.memref_slice %arg6[%dma_start3A, %dma_start3A_38] : memref<40x64xi32, #tpu.memory_space<vmem>> -> memref<1x64xi32, #tpu.memory_space<vmem>>
      %dma_start3A_40 = tpu.memref_squeeze %dma_start3A_39 : memref<1x64xi32, #tpu.memory_space<vmem>> -> memref<64xi32, #tpu.memory_space<vmem>>
      %dma_start3A_41 = arith.constant 0 : i32
      %dma_start3A_42 = arith.constant 0 : i32
      %dma_start3A_43 = tpu.memref_slice %arg2[%dma_start3A_41, %dma_start3A_42] : memref<10240x128xf32, #tpu.memory_space<hbm>> -> memref<10240x128xf32, #tpu.memory_space<hbm>>
      %dma_start3A_44 = tpu.memref_slice %arg10[%dma_start3A_33] : memref<4x!tpu.dma_semaphore, #tpu.memory_space<semaphore_mem>> -> memref<1x!tpu.dma_semaphore, #tpu.memory_space<semaphore_mem>>
      %dma_start3A_45 = tpu.memref_squeeze %dma_start3A_44 : memref<1x!tpu.dma_semaphore, #tpu.memory_space<semaphore_mem>> -> memref<!tpu.dma_semaphore, #tpu.memory_space<semaphore_mem>>
      tpu.enqueue_indirect_dma source(%dma_start3A_43 : memref<10240x128xf32, #tpu.memory_space<hbm>>) target(%dma_start3A_37 : memref<64x128xf32, #tpu.memory_space<vmem>>) offsets(%dma_start3A_40 : memref<64xi32, #tpu.memory_space<vmem>>) semaphore(%dma_start3A_45 : memref<!tpu.dma_semaphore, #tpu.memory_space<semaphore_mem>>)
      %dma_start3A_46 = arith.constant 1 : i32
      %dma_start3A_47 = arith.constant 1 : i32
      %dma_start3A_48 = arith.constant 1 : i32
      %dma_start3A_49 = arith.constant 0 : i32
      %dma_start3A_50 = arith.constant 0 : i32
      %dma_start3A_51 = tpu.memref_slice %arg8[%dma_start3A_47, %dma_start3A_49, %dma_start3A_50] : memref<4x64x128xf32, #tpu.memory_space<vmem>> -> memref<1x64x128xf32, #tpu.memory_space<vmem>>
      %dma_start3A_52 = tpu.memref_squeeze %dma_start3A_51 : memref<1x64x128xf32, #tpu.memory_space<vmem>> -> memref<64x128xf32, #tpu.memory_space<vmem>>
      %dma_start3A_53 = arith.constant 0 : i32
      %dma_start3A_54 = tpu.memref_slice %arg6[%dma_start3A_46, %dma_start3A_53] : memref<40x64xi32, #tpu.memory_space<vmem>> -> memref<1x64xi32, #tpu.memory_space<vmem>>
      %dma_start3A_55 = tpu.memref_squeeze %dma_start3A_54 : memref<1x64xi32, #tpu.memory_space<vmem>> -> memref<64xi32, #tpu.memory_space<vmem>>
      %dma_start3A_56 = arith.constant 0 : i32
      %dma_start3A_57 = arith.constant 0 : i32
      %dma_start3A_58 = tpu.memref_slice %arg2[%dma_start3A_56, %dma_start3A_57] : memref<10240x128xf32, #tpu.memory_space<hbm>> -> memref<10240x128xf32, #tpu.memory_space<hbm>>
      %dma_start3A_59 = tpu.memref_slice %arg10[%dma_start3A_48] : memref<4x!tpu.dma_semaphore, #tpu.memory_space<semaphore_mem>> -> memref<1x!tpu.dma_semaphore, #tpu.memory_space<semaphore_mem>>
      %dma_start3A_60 = tpu.memref_squeeze %dma_start3A_59 : memref<1x!tpu.dma_semaphore, #tpu.memory_space<semaphore_mem>> -> memref<!tpu.dma_semaphore, #tpu.memory_space<semaphore_mem>>
      tpu.enqueue_indirect_dma source(%dma_start3A_58 : memref<10240x128xf32, #tpu.memory_space<hbm>>) target(%dma_start3A_52 : memref<64x128xf32, #tpu.memory_space<vmem>>) offsets(%dma_start3A_55 : memref<64xi32, #tpu.memory_space<vmem>>) semaphore(%dma_start3A_60 : memref<!tpu.dma_semaphore, #tpu.memory_space<semaphore_mem>>)
      %dma_start3A_61 = arith.constant 2 : i32
      %dma_start3A_62 = arith.constant 2 : i32
      %dma_start3A_63 = arith.constant 2 : i32
      %dma_start3A_64 = arith.constant 0 : i32
      %dma_start3A_65 = arith.constant 0 : i32
      %dma_start3A_66 = tpu.memref_slice %arg8[%dma_start3A_62, %dma_start3A_64, %dma_start3A_65] : memref<4x64x128xf32, #tpu.memory_space<vmem>> -> memref<1x64x128xf32, #tpu.memory_space<vmem>>
      %dma_start3A_67 = tpu.memref_squeeze %dma_start3A_66 : memref<1x64x128xf32, #tpu.memory_space<vmem>> -> memref<64x128xf32, #tpu.memory_space<vmem>>
      %dma_start3A_68 = arith.constant 0 : i32
      %dma_start3A_69 = tpu.memref_slice %arg6[%dma_start3A_61, %dma_start3A_68] : memref<40x64xi32, #tpu.memory_space<vmem>> -> memref<1x64xi32, #tpu.memory_space<vmem>>
      %dma_start3A_70 = tpu.memref_squeeze %dma_start3A_69 : memref<1x64xi32, #tpu.memory_space<vmem>> -> memref<64xi32, #tpu.memory_space<vmem>>
      %dma_start3A_71 = arith.constant 0 : i32
      %dma_start3A_72 = arith.constant 0 : i32
      %dma_start3A_73 = tpu.memref_slice %arg2[%dma_start3A_71, %dma_start3A_72] : memref<10240x128xf32, #tpu.memory_space<hbm>> -> memref<10240x128xf32, #tpu.memory_space<hbm>>
      %dma_start3A_74 = tpu.memref_slice %arg10[%dma_start3A_63] : memref<4x!tpu.dma_semaphore, #tpu.memory_space<semaphore_mem>> -> memref<1x!tpu.dma_semaphore, #tpu.memory_space<semaphore_mem>>
      %dma_start3A_75 = tpu.memref_squeeze %dma_start3A_74 : memref<1x!tpu.dma_semaphore, #tpu.memory_space<semaphore_mem>> -> memref<!tpu.dma_semaphore, #tpu.memory_space<semaphore_mem>>
      tpu.enqueue_indirect_dma source(%dma_start3A_73 : memref<10240x128xf32, #tpu.memory_space<hbm>>) target(%dma_start3A_67 : memref<64x128xf32, #tpu.memory_space<vmem>>) offsets(%dma_start3A_70 : memref<64xi32, #tpu.memory_space<vmem>>) semaphore(%dma_start3A_75 : memref<!tpu.dma_semaphore, #tpu.memory_space<semaphore_mem>>)
      %dma_start3A_76 = arith.constant 3 : i32
      %dma_start3A_77 = arith.constant 3 : i32
      %dma_start3A_78 = arith.constant 3 : i32
      %dma_start3A_79 = arith.constant 0 : i32
      %dma_start3A_80 = arith.constant 0 : i32
      %dma_start3A_81 = tpu.memref_slice %arg8[%dma_start3A_77, %dma_start3A_79, %dma_start3A_80] : memref<4x64x128xf32, #tpu.memory_space<vmem>> -> memref<1x64x128xf32, #tpu.memory_space<vmem>>
      %dma_start3A_82 = tpu.memref_squeeze %dma_start3A_81 : memref<1x64x128xf32, #tpu.memory_space<vmem>> -> memref<64x128xf32, #tpu.memory_space<vmem>>
      %dma_start3A_83 = arith.constant 0 : i32
      %dma_start3A_84 = tpu.memref_slice %arg6[%dma_start3A_76, %dma_start3A_83] : memref<40x64xi32, #tpu.memory_space<vmem>> -> memref<1x64xi32, #tpu.memory_space<vmem>>
      %dma_start3A_85 = tpu.memref_squeeze %dma_start3A_84 : memref<1x64xi32, #tpu.memory_space<vmem>> -> memref<64xi32, #tpu.memory_space<vmem>>
      %dma_start3A_86 = arith.constant 0 : i32
      %dma_start3A_87 = arith.constant 0 : i32
      %dma_start3A_88 = tpu.memref_slice %arg2[%dma_start3A_86, %dma_start3A_87] : memref<10240x128xf32, #tpu.memory_space<hbm>> -> memref<10240x128xf32, #tpu.memory_space<hbm>>
      %dma_start3A_89 = tpu.memref_slice %arg10[%dma_start3A_78] : memref<4x!tpu.dma_semaphore, #tpu.memory_space<semaphore_mem>> -> memref<1x!tpu.dma_semaphore, #tpu.memory_space<semaphore_mem>>
      %dma_start3A_90 = tpu.memref_squeeze %dma_start3A_89 : memref<1x!tpu.dma_semaphore, #tpu.memory_space<semaphore_mem>> -> memref<!tpu.dma_semaphore, #tpu.memory_space<semaphore_mem>>
      tpu.enqueue_indirect_dma source(%dma_start3A_88 : memref<10240x128xf32, #tpu.memory_space<hbm>>) target(%dma_start3A_82 : memref<64x128xf32, #tpu.memory_space<vmem>>) offsets(%dma_start3A_85 : memref<64xi32, #tpu.memory_space<vmem>>) semaphore(%dma_start3A_90 : memref<!tpu.dma_semaphore, #tpu.memory_space<semaphore_mem>>)
      %scan3A_91 = arith.constant 0 : i32
      %scan3A_92 = arith.constant 9 : i32
      %scan3A_93 = arith.addi %scan3A_91, %scan3A_92 : i32
      %scan3A_94 = arith.constant 1 : i32
      scf.for %scan3A_275 = %scan3A_91 to %scan3A_93 step %scan3A_94  : i32 {
        %mul3A_276 = arith.constant 4 : i32
        %mul3A_277 = arith.muli %scan3A_275, %mul3A_276 : i32
        %add3A_278 = arith.constant 0 : i32
        %add3A_279 = arith.addi %add3A_278, %mul3A_277 : i32
        %add3A_280 = arith.constant 0 : i32
        %add3A_281 = arith.addi %add3A_279, %add3A_280 : i32
        %dma_wait3A_282 = arith.constant 0 : i32
        %dma_wait3A_283 = arith.constant 0 : i32
        %dma_wait3A_284 = arith.constant 0 : i32
        %dma_wait3A_285 = arith.constant 0 : i32
        %dma_wait3A_286 = tpu.memref_slice %arg8[%dma_wait3A_282, %dma_wait3A_284, %dma_wait3A_285] : memref<4x64x128xf32, #tpu.memory_space<vmem>> -> memref<1x64x128xf32, #tpu.memory_space<vmem>>
        %dma_wait3A_287 = tpu.memref_squeeze %dma_wait3A_286 : memref<1x64x128xf32, #tpu.memory_space<vmem>> -> memref<64x128xf32, #tpu.memory_space<vmem>>
        %dma_wait3A_288 = arith.constant 0 : i32
        %dma_wait3A_289 = tpu.memref_slice %arg6[%add3A_281, %dma_wait3A_288] : memref<40x64xi32, #tpu.memory_space<vmem>> -> memref<1x64xi32, #tpu.memory_space<vmem>>
        %dma_wait3A_290 = tpu.memref_squeeze %dma_wait3A_289 : memref<1x64xi32, #tpu.memory_space<vmem>> -> memref<64xi32, #tpu.memory_space<vmem>>
        %dma_wait3A_291 = arith.constant 0 : i32
        %dma_wait3A_292 = arith.constant 0 : i32
        %dma_wait3A_293 = tpu.memref_slice %arg2[%dma_wait3A_291, %dma_wait3A_292] : memref<10240x128xf32, #tpu.memory_space<hbm>> -> memref<10240x128xf32, #tpu.memory_space<hbm>>
        %dma_wait3A_294 = tpu.memref_slice %arg10[%dma_wait3A_283] : memref<4x!tpu.dma_semaphore, #tpu.memory_space<semaphore_mem>> -> memref<1x!tpu.dma_semaphore, #tpu.memory_space<semaphore_mem>>
        %dma_wait3A_295 = tpu.memref_squeeze %dma_wait3A_294 : memref<1x!tpu.dma_semaphore, #tpu.memory_space<semaphore_mem>> -> memref<!tpu.dma_semaphore, #tpu.memory_space<semaphore_mem>>
        tpu.wait_indirect_dma semaphore(%dma_wait3A_295 : memref<!tpu.dma_semaphore, #tpu.memory_space<semaphore_mem>>) src(%dma_wait3A_293 : memref<10240x128xf32, #tpu.memory_space<hbm>>) dst(%dma_wait3A_287 : memref<64x128xf32, #tpu.memory_space<vmem>>)
        %add3A_296 = arith.constant 0 : i32
        %add3A_297 = arith.addi %add3A_279, %add3A_296 : i32
        %dma_start3A_298 = arith.constant 0 : i32
        %dma_start3A_299 = arith.constant 0 : i32
        %dma_start3A_300 = arith.constant 0 : i32
        %dma_start3A_301 = arith.constant 0 : i32
        %dma_start3A_302 = tpu.memref_slice %arg8[%dma_start3A_298, %dma_start3A_300, %dma_start3A_301] : memref<4x64x128xf32, #tpu.memory_space<vmem>> -> memref<1x64x128xf32, #tpu.memory_space<vmem>>
        %dma_start3A_303 = tpu.memref_squeeze %dma_start3A_302 : memref<1x64x128xf32, #tpu.memory_space<vmem>> -> memref<64x128xf32, #tpu.memory_space<vmem>>
        %dma_start3A_304 = arith.constant 0 : i32
        %dma_start3A_305 = tpu.memref_slice %arg7[%add3A_297, %dma_start3A_304] : memref<40x64xi32, #tpu.memory_space<vmem>> -> memref<1x64xi32, #tpu.memory_space<vmem>>
        %dma_start3A_306 = tpu.memref_squeeze %dma_start3A_305 : memref<1x64xi32, #tpu.memory_space<vmem>> -> memref<64xi32, #tpu.memory_space<vmem>>
        %dma_start3A_307 = arith.constant 0 : i32
        %dma_start3A_308 = arith.constant 0 : i32
        %dma_start3A_309 = tpu.memref_slice %arg9[%dma_start3A_307, %dma_start3A_308] : memref<10240x128xf32, #tpu.memory_space<vmem_shared>> -> memref<10240x128xf32, #tpu.memory_space<vmem_shared>>
        %dma_start3A_310 = tpu.memref_slice %arg11[%dma_start3A_299] : memref<4x!tpu.dma_semaphore, #tpu.memory_space<semaphore_mem>> -> memref<1x!tpu.dma_semaphore, #tpu.memory_space<semaphore_mem>>
        %dma_start3A_311 = tpu.memref_squeeze %dma_start3A_310 : memref<1x!tpu.dma_semaphore, #tpu.memory_space<semaphore_mem>> -> memref<!tpu.dma_semaphore, #tpu.memory_space<semaphore_mem>>
        tpu.enqueue_indirect_dma source(%dma_start3A_303 : memref<64x128xf32, #tpu.memory_space<vmem>>) target(%dma_start3A_309 : memref<10240x128xf32, #tpu.memory_space<vmem_shared>>) offsets(%dma_start3A_306 : memref<64xi32, #tpu.memory_space<vmem>>) semaphore(%dma_start3A_311 : memref<!tpu.dma_semaphore, #tpu.memory_space<semaphore_mem>>) {add = true}
        %add3A_312 = arith.constant 1 : i32
        %add3A_313 = arith.addi %add3A_279, %add3A_312 : i32
        %dma_wait3A_314 = arith.constant 1 : i32
        %dma_wait3A_315 = arith.constant 1 : i32
        %dma_wait3A_316 = arith.constant 0 : i32
        %dma_wait3A_317 = arith.constant 0 : i32
        %dma_wait3A_318 = tpu.memref_slice %arg8[%dma_wait3A_314, %dma_wait3A_316, %dma_wait3A_317] : memref<4x64x128xf32, #tpu.memory_space<vmem>> -> memref<1x64x128xf32, #tpu.memory_space<vmem>>
        %dma_wait3A_319 = tpu.memref_squeeze %dma_wait3A_318 : memref<1x64x128xf32, #tpu.memory_space<vmem>> -> memref<64x128xf32, #tpu.memory_space<vmem>>
        %dma_wait3A_320 = arith.constant 0 : i32
        %dma_wait3A_321 = tpu.memref_slice %arg6[%add3A_313, %dma_wait3A_320] : memref<40x64xi32, #tpu.memory_space<vmem>> -> memref<1x64xi32, #tpu.memory_space<vmem>>
        %dma_wait3A_322 = tpu.memref_squeeze %dma_wait3A_321 : memref<1x64xi32, #tpu.memory_space<vmem>> -> memref<64xi32, #tpu.memory_space<vmem>>
        %dma_wait3A_323 = arith.constant 0 : i32
        %dma_wait3A_324 = arith.constant 0 : i32
        %dma_wait3A_325 = tpu.memref_slice %arg2[%dma_wait3A_323, %dma_wait3A_324] : memref<10240x128xf32, #tpu.memory_space<hbm>> -> memref<10240x128xf32, #tpu.memory_space<hbm>>
        %dma_wait3A_326 = tpu.memref_slice %arg10[%dma_wait3A_315] : memref<4x!tpu.dma_semaphore, #tpu.memory_space<semaphore_mem>> -> memref<1x!tpu.dma_semaphore, #tpu.memory_space<semaphore_mem>>
        %dma_wait3A_327 = tpu.memref_squeeze %dma_wait3A_326 : memref<1x!tpu.dma_semaphore, #tpu.memory_space<semaphore_mem>> -> memref<!tpu.dma_semaphore, #tpu.memory_space<semaphore_mem>>
        tpu.wait_indirect_dma semaphore(%dma_wait3A_327 : memref<!tpu.dma_semaphore, #tpu.memory_space<semaphore_mem>>) src(%dma_wait3A_325 : memref<10240x128xf32, #tpu.memory_space<hbm>>) dst(%dma_wait3A_319 : memref<64x128xf32, #tpu.memory_space<vmem>>)
        %add3A_328 = arith.constant 1 : i32
        %add3A_329 = arith.addi %add3A_279, %add3A_328 : i32
        %dma_start3A_330 = arith.constant 1 : i32
        %dma_start3A_331 = arith.constant 1 : i32
        %dma_start3A_332 = arith.constant 0 : i32
        %dma_start3A_333 = arith.constant 0 : i32
        %dma_start3A_334 = tpu.memref_slice %arg8[%dma_start3A_330, %dma_start3A_332, %dma_start3A_333] : memref<4x64x128xf32, #tpu.memory_space<vmem>> -> memref<1x64x128xf32, #tpu.memory_space<vmem>>
        %dma_start3A_335 = tpu.memref_squeeze %dma_start3A_334 : memref<1x64x128xf32, #tpu.memory_space<vmem>> -> memref<64x128xf32, #tpu.memory_space<vmem>>
        %dma_start3A_336 = arith.constant 0 : i32
        %dma_start3A_337 = tpu.memref_slice %arg7[%add3A_329, %dma_start3A_336] : memref<40x64xi32, #tpu.memory_space<vmem>> -> memref<1x64xi32, #tpu.memory_space<vmem>>
        %dma_start3A_338 = tpu.memref_squeeze %dma_start3A_337 : memref<1x64xi32, #tpu.memory_space<vmem>> -> memref<64xi32, #tpu.memory_space<vmem>>
        %dma_start3A_339 = arith.constant 0 : i32
        %dma_start3A_340 = arith.constant 0 : i32
        %dma_start3A_341 = tpu.memref_slice %arg9[%dma_start3A_339, %dma_start3A_340] : memref<10240x128xf32, #tpu.memory_space<vmem_shared>> -> memref<10240x128xf32, #tpu.memory_space<vmem_shared>>
        %dma_start3A_342 = tpu.memref_slice %arg11[%dma_start3A_331] : memref<4x!tpu.dma_semaphore, #tpu.memory_space<semaphore_mem>> -> memref<1x!tpu.dma_semaphore, #tpu.memory_space<semaphore_mem>>
        %dma_start3A_343 = tpu.memref_squeeze %dma_start3A_342 : memref<1x!tpu.dma_semaphore, #tpu.memory_space<semaphore_mem>> -> memref<!tpu.dma_semaphore, #tpu.memory_space<semaphore_mem>>
        tpu.enqueue_indirect_dma source(%dma_start3A_335 : memref<64x128xf32, #tpu.memory_space<vmem>>) target(%dma_start3A_341 : memref<10240x128xf32, #tpu.memory_space<vmem_shared>>) offsets(%dma_start3A_338 : memref<64xi32, #tpu.memory_space<vmem>>) semaphore(%dma_start3A_343 : memref<!tpu.dma_semaphore, #tpu.memory_space<semaphore_mem>>) {add = true}
        %add3A_344 = arith.constant 2 : i32
        %add3A_345 = arith.addi %add3A_279, %add3A_344 : i32
        %dma_wait3A_346 = arith.constant 2 : i32
        %dma_wait3A_347 = arith.constant 2 : i32
        %dma_wait3A_348 = arith.constant 0 : i32
        %dma_wait3A_349 = arith.constant 0 : i32
        %dma_wait3A_350 = tpu.memref_slice %arg8[%dma_wait3A_346, %dma_wait3A_348, %dma_wait3A_349] : memref<4x64x128xf32, #tpu.memory_space<vmem>> -> memref<1x64x128xf32, #tpu.memory_space<vmem>>
        %dma_wait3A_351 = tpu.memref_squeeze %dma_wait3A_350 : memref<1x64x128xf32, #tpu.memory_space<vmem>> -> memref<64x128xf32, #tpu.memory_space<vmem>>
        %dma_wait3A_352 = arith.constant 0 : i32
        %dma_wait3A_353 = tpu.memref_slice %arg6[%add3A_345, %dma_wait3A_352] : memref<40x64xi32, #tpu.memory_space<vmem>> -> memref<1x64xi32, #tpu.memory_space<vmem>>
        %dma_wait3A_354 = tpu.memref_squeeze %dma_wait3A_353 : memref<1x64xi32, #tpu.memory_space<vmem>> -> memref<64xi32, #tpu.memory_space<vmem>>
        %dma_wait3A_355 = arith.constant 0 : i32
        %dma_wait3A_356 = arith.constant 0 : i32
        %dma_wait3A_357 = tpu.memref_slice %arg2[%dma_wait3A_355, %dma_wait3A_356] : memref<10240x128xf32, #tpu.memory_space<hbm>> -> memref<10240x128xf32, #tpu.memory_space<hbm>>
        %dma_wait3A_358 = tpu.memref_slice %arg10[%dma_wait3A_347] : memref<4x!tpu.dma_semaphore, #tpu.memory_space<semaphore_mem>> -> memref<1x!tpu.dma_semaphore, #tpu.memory_space<semaphore_mem>>
        %dma_wait3A_359 = tpu.memref_squeeze %dma_wait3A_358 : memref<1x!tpu.dma_semaphore, #tpu.memory_space<semaphore_mem>> -> memref<!tpu.dma_semaphore, #tpu.memory_space<semaphore_mem>>
        tpu.wait_indirect_dma semaphore(%dma_wait3A_359 : memref<!tpu.dma_semaphore, #tpu.memory_space<semaphore_mem>>) src(%dma_wait3A_357 : memref<10240x128xf32, #tpu.memory_space<hbm>>) dst(%dma_wait3A_351 : memref<64x128xf32, #tpu.memory_space<vmem>>)
        %add3A_360 = arith.constant 2 : i32
        %add3A_361 = arith.addi %add3A_279, %add3A_360 : i32
        %dma_start3A_362 = arith.constant 2 : i32
        %dma_start3A_363 = arith.constant 2 : i32
        %dma_start3A_364 = arith.constant 0 : i32
        %dma_start3A_365 = arith.constant 0 : i32
        %dma_start3A_366 = tpu.memref_slice %arg8[%dma_start3A_362, %dma_start3A_364, %dma_start3A_365] : memref<4x64x128xf32, #tpu.memory_space<vmem>> -> memref<1x64x128xf32, #tpu.memory_space<vmem>>
        %dma_start3A_367 = tpu.memref_squeeze %dma_start3A_366 : memref<1x64x128xf32, #tpu.memory_space<vmem>> -> memref<64x128xf32, #tpu.memory_space<vmem>>
        %dma_start3A_368 = arith.constant 0 : i32
        %dma_start3A_369 = tpu.memref_slice %arg7[%add3A_361, %dma_start3A_368] : memref<40x64xi32, #tpu.memory_space<vmem>> -> memref<1x64xi32, #tpu.memory_space<vmem>>
        %dma_start3A_370 = tpu.memref_squeeze %dma_start3A_369 : memref<1x64xi32, #tpu.memory_space<vmem>> -> memref<64xi32, #tpu.memory_space<vmem>>
        %dma_start3A_371 = arith.constant 0 : i32
        %dma_start3A_372 = arith.constant 0 : i32
        %dma_start3A_373 = tpu.memref_slice %arg9[%dma_start3A_371, %dma_start3A_372] : memref<10240x128xf32, #tpu.memory_space<vmem_shared>> -> memref<10240x128xf32, #tpu.memory_space<vmem_shared>>
        %dma_start3A_374 = tpu.memref_slice %arg11[%dma_start3A_363] : memref<4x!tpu.dma_semaphore, #tpu.memory_space<semaphore_mem>> -> memref<1x!tpu.dma_semaphore, #tpu.memory_space<semaphore_mem>>
        %dma_start3A_375 = tpu.memref_squeeze %dma_start3A_374 : memref<1x!tpu.dma_semaphore, #tpu.memory_space<semaphore_mem>> -> memref<!tpu.dma_semaphore, #tpu.memory_space<semaphore_mem>>
        tpu.enqueue_indirect_dma source(%dma_start3A_367 : memref<64x128xf32, #tpu.memory_space<vmem>>) target(%dma_start3A_373 : memref<10240x128xf32, #tpu.memory_space<vmem_shared>>) offsets(%dma_start3A_370 : memref<64xi32, #tpu.memory_space<vmem>>) semaphore(%dma_start3A_375 : memref<!tpu.dma_semaphore, #tpu.memory_space<semaphore_mem>>) {add = true}
        %add3A_376 = arith.constant 3 : i32
        %add3A_377 = arith.addi %add3A_279, %add3A_376 : i32
        %dma_wait3A_378 = arith.constant 3 : i32
        %dma_wait3A_379 = arith.constant 3 : i32
        %dma_wait3A_380 = arith.constant 0 : i32
        %dma_wait3A_381 = arith.constant 0 : i32
        %dma_wait3A_382 = tpu.memref_slice %arg8[%dma_wait3A_378, %dma_wait3A_380, %dma_wait3A_381] : memref<4x64x128xf32, #tpu.memory_space<vmem>> -> memref<1x64x128xf32, #tpu.memory_space<vmem>>
        %dma_wait3A_383 = tpu.memref_squeeze %dma_wait3A_382 : memref<1x64x128xf32, #tpu.memory_space<vmem>> -> memref<64x128xf32, #tpu.memory_space<vmem>>
        %dma_wait3A_384 = arith.constant 0 : i32
        %dma_wait3A_385 = tpu.memref_slice %arg6[%add3A_377, %dma_wait3A_384] : memref<40x64xi32, #tpu.memory_space<vmem>> -> memref<1x64xi32, #tpu.memory_space<vmem>>
        %dma_wait3A_386 = tpu.memref_squeeze %dma_wait3A_385 : memref<1x64xi32, #tpu.memory_space<vmem>> -> memref<64xi32, #tpu.memory_space<vmem>>
        %dma_wait3A_387 = arith.constant 0 : i32
        %dma_wait3A_388 = arith.constant 0 : i32
        %dma_wait3A_389 = tpu.memref_slice %arg2[%dma_wait3A_387, %dma_wait3A_388] : memref<10240x128xf32, #tpu.memory_space<hbm>> -> memref<10240x128xf32, #tpu.memory_space<hbm>>
        %dma_wait3A_390 = tpu.memref_slice %arg10[%dma_wait3A_379] : memref<4x!tpu.dma_semaphore, #tpu.memory_space<semaphore_mem>> -> memref<1x!tpu.dma_semaphore, #tpu.memory_space<semaphore_mem>>
        %dma_wait3A_391 = tpu.memref_squeeze %dma_wait3A_390 : memref<1x!tpu.dma_semaphore, #tpu.memory_space<semaphore_mem>> -> memref<!tpu.dma_semaphore, #tpu.memory_space<semaphore_mem>>
        tpu.wait_indirect_dma semaphore(%dma_wait3A_391 : memref<!tpu.dma_semaphore, #tpu.memory_space<semaphore_mem>>) src(%dma_wait3A_389 : memref<10240x128xf32, #tpu.memory_space<hbm>>) dst(%dma_wait3A_383 : memref<64x128xf32, #tpu.memory_space<vmem>>)
        %add3A_392 = arith.constant 3 : i32
        %add3A_393 = arith.addi %add3A_279, %add3A_392 : i32
        %dma_start3A_394 = arith.constant 3 : i32
        %dma_start3A_395 = arith.constant 3 : i32
        %dma_start3A_396 = arith.constant 0 : i32
        %dma_start3A_397 = arith.constant 0 : i32
        %dma_start3A_398 = tpu.memref_slice %arg8[%dma_start3A_394, %dma_start3A_396, %dma_start3A_397] : memref<4x64x128xf32, #tpu.memory_space<vmem>> -> memref<1x64x128xf32, #tpu.memory_space<vmem>>
        %dma_start3A_399 = tpu.memref_squeeze %dma_start3A_398 : memref<1x64x128xf32, #tpu.memory_space<vmem>> -> memref<64x128xf32, #tpu.memory_space<vmem>>
        %dma_start3A_400 = arith.constant 0 : i32
        %dma_start3A_401 = tpu.memref_slice %arg7[%add3A_393, %dma_start3A_400] : memref<40x64xi32, #tpu.memory_space<vmem>> -> memref<1x64xi32, #tpu.memory_space<vmem>>
        %dma_start3A_402 = tpu.memref_squeeze %dma_start3A_401 : memref<1x64xi32, #tpu.memory_space<vmem>> -> memref<64xi32, #tpu.memory_space<vmem>>
        %dma_start3A_403 = arith.constant 0 : i32
        %dma_start3A_404 = arith.constant 0 : i32
        %dma_start3A_405 = tpu.memref_slice %arg9[%dma_start3A_403, %dma_start3A_404] : memref<10240x128xf32, #tpu.memory_space<vmem_shared>> -> memref<10240x128xf32, #tpu.memory_space<vmem_shared>>
        %dma_start3A_406 = tpu.memref_slice %arg11[%dma_start3A_395] : memref<4x!tpu.dma_semaphore, #tpu.memory_space<semaphore_mem>> -> memref<1x!tpu.dma_semaphore, #tpu.memory_space<semaphore_mem>>
        %dma_start3A_407 = tpu.memref_squeeze %dma_start3A_406 : memref<1x!tpu.dma_semaphore, #tpu.memory_space<semaphore_mem>> -> memref<!tpu.dma_semaphore, #tpu.memory_space<semaphore_mem>>
        tpu.enqueue_indirect_dma source(%dma_start3A_399 : memref<64x128xf32, #tpu.memory_space<vmem>>) target(%dma_start3A_405 : memref<10240x128xf32, #tpu.memory_space<vmem_shared>>) offsets(%dma_start3A_402 : memref<64xi32, #tpu.memory_space<vmem>>) semaphore(%dma_start3A_407 : memref<!tpu.dma_semaphore, #tpu.memory_space<semaphore_mem>>) {add = true}
        %add3A_408 = arith.constant 0 : i32
        %add3A_409 = arith.addi %add3A_279, %add3A_408 : i32
        %dma_wait3A_410 = arith.constant 0 : i32
        %dma_wait3A_411 = arith.constant 0 : i32
        %dma_wait3A_412 = arith.constant 0 : i32
        %dma_wait3A_413 = arith.constant 0 : i32
        %dma_wait3A_414 = tpu.memref_slice %arg8[%dma_wait3A_410, %dma_wait3A_412, %dma_wait3A_413] : memref<4x64x128xf32, #tpu.memory_space<vmem>> -> memref<1x64x128xf32, #tpu.memory_space<vmem>>
        %dma_wait3A_415 = tpu.memref_squeeze %dma_wait3A_414 : memref<1x64x128xf32, #tpu.memory_space<vmem>> -> memref<64x128xf32, #tpu.memory_space<vmem>>
        %dma_wait3A_416 = arith.constant 0 : i32
        %dma_wait3A_417 = tpu.memref_slice %arg7[%add3A_409, %dma_wait3A_416] : memref<40x64xi32, #tpu.memory_space<vmem>> -> memref<1x64xi32, #tpu.memory_space<vmem>>
        %dma_wait3A_418 = tpu.memref_squeeze %dma_wait3A_417 : memref<1x64xi32, #tpu.memory_space<vmem>> -> memref<64xi32, #tpu.memory_space<vmem>>
        %dma_wait3A_419 = arith.constant 0 : i32
        %dma_wait3A_420 = arith.constant 0 : i32
        %dma_wait3A_421 = tpu.memref_slice %arg9[%dma_wait3A_419, %dma_wait3A_420] : memref<10240x128xf32, #tpu.memory_space<vmem_shared>> -> memref<10240x128xf32, #tpu.memory_space<vmem_shared>>
        %dma_wait3A_422 = tpu.memref_slice %arg11[%dma_wait3A_411] : memref<4x!tpu.dma_semaphore, #tpu.memory_space<semaphore_mem>> -> memref<1x!tpu.dma_semaphore, #tpu.memory_space<semaphore_mem>>
        %dma_wait3A_423 = tpu.memref_squeeze %dma_wait3A_422 : memref<1x!tpu.dma_semaphore, #tpu.memory_space<semaphore_mem>> -> memref<!tpu.dma_semaphore, #tpu.memory_space<semaphore_mem>>
        tpu.wait_indirect_dma semaphore(%dma_wait3A_423 : memref<!tpu.dma_semaphore, #tpu.memory_space<semaphore_mem>>) src(%dma_wait3A_415 : memref<64x128xf32, #tpu.memory_space<vmem>>) dst(%dma_wait3A_421 : memref<10240x128xf32, #tpu.memory_space<vmem_shared>>)
        %add3A_424 = arith.constant 4 : i32
        %add3A_425 = arith.addi %add3A_279, %add3A_424 : i32
        %add3A_426 = arith.constant 0 : i32
        %add3A_427 = arith.addi %add3A_425, %add3A_426 : i32
        %dma_start3A_428 = arith.constant 0 : i32
        %dma_start3A_429 = arith.constant 0 : i32
        %dma_start3A_430 = arith.constant 0 : i32
        %dma_start3A_431 = arith.constant 0 : i32
        %dma_start3A_432 = tpu.memref_slice %arg8[%dma_start3A_428, %dma_start3A_430, %dma_start3A_431] : memref<4x64x128xf32, #tpu.memory_space<vmem>> -> memref<1x64x128xf32, #tpu.memory_space<vmem>>
        %dma_start3A_433 = tpu.memref_squeeze %dma_start3A_432 : memref<1x64x128xf32, #tpu.memory_space<vmem>> -> memref<64x128xf32, #tpu.memory_space<vmem>>
        %dma_start3A_434 = arith.constant 0 : i32
        %dma_start3A_435 = tpu.memref_slice %arg6[%add3A_427, %dma_start3A_434] : memref<40x64xi32, #tpu.memory_space<vmem>> -> memref<1x64xi32, #tpu.memory_space<vmem>>
        %dma_start3A_436 = tpu.memref_squeeze %dma_start3A_435 : memref<1x64xi32, #tpu.memory_space<vmem>> -> memref<64xi32, #tpu.memory_space<vmem>>
        %dma_start3A_437 = arith.constant 0 : i32
        %dma_start3A_438 = arith.constant 0 : i32
        %dma_start3A_439 = tpu.memref_slice %arg2[%dma_start3A_437, %dma_start3A_438] : memref<10240x128xf32, #tpu.memory_space<hbm>> -> memref<10240x128xf32, #tpu.memory_space<hbm>>
        %dma_start3A_440 = tpu.memref_slice %arg10[%dma_start3A_429] : memref<4x!tpu.dma_semaphore, #tpu.memory_space<semaphore_mem>> -> memref<1x!tpu.dma_semaphore, #tpu.memory_space<semaphore_mem>>
        %dma_start3A_441 = tpu.memref_squeeze %dma_start3A_440 : memref<1x!tpu.dma_semaphore, #tpu.memory_space<semaphore_mem>> -> memref<!tpu.dma_semaphore, #tpu.memory_space<semaphore_mem>>
        tpu.enqueue_indirect_dma source(%dma_start3A_439 : memref<10240x128xf32, #tpu.memory_space<hbm>>) target(%dma_start3A_433 : memref<64x128xf32, #tpu.memory_space<vmem>>) offsets(%dma_start3A_436 : memref<64xi32, #tpu.memory_space<vmem>>) semaphore(%dma_start3A_441 : memref<!tpu.dma_semaphore, #tpu.memory_space<semaphore_mem>>)
        %add3A_442 = arith.constant 1 : i32
        %add3A_443 = arith.addi %add3A_279, %add3A_442 : i32
        %dma_wait3A_444 = arith.constant 1 : i32
        %dma_wait3A_445 = arith.constant 1 : i32
        %dma_wait3A_446 = arith.constant 0 : i32
        %dma_wait3A_447 = arith.constant 0 : i32
        %dma_wait3A_448 = tpu.memref_slice %arg8[%dma_wait3A_444, %dma_wait3A_446, %dma_wait3A_447] : memref<4x64x128xf32, #tpu.memory_space<vmem>> -> memref<1x64x128xf32, #tpu.memory_space<vmem>>
        %dma_wait3A_449 = tpu.memref_squeeze %dma_wait3A_448 : memref<1x64x128xf32, #tpu.memory_space<vmem>> -> memref<64x128xf32, #tpu.memory_space<vmem>>
        %dma_wait3A_450 = arith.constant 0 : i32
        %dma_wait3A_451 = tpu.memref_slice %arg7[%add3A_443, %dma_wait3A_450] : memref<40x64xi32, #tpu.memory_space<vmem>> -> memref<1x64xi32, #tpu.memory_space<vmem>>
        %dma_wait3A_452 = tpu.memref_squeeze %dma_wait3A_451 : memref<1x64xi32, #tpu.memory_space<vmem>> -> memref<64xi32, #tpu.memory_space<vmem>>
        %dma_wait3A_453 = arith.constant 0 : i32
        %dma_wait3A_454 = arith.constant 0 : i32
        %dma_wait3A_455 = tpu.memref_slice %arg9[%dma_wait3A_453, %dma_wait3A_454] : memref<10240x128xf32, #tpu.memory_space<vmem_shared>> -> memref<10240x128xf32, #tpu.memory_space<vmem_shared>>
        %dma_wait3A_456 = tpu.memref_slice %arg11[%dma_wait3A_445] : memref<4x!tpu.dma_semaphore, #tpu.memory_space<semaphore_mem>> -> memref<1x!tpu.dma_semaphore, #tpu.memory_space<semaphore_mem>>
        %dma_wait3A_457 = tpu.memref_squeeze %dma_wait3A_456 : memref<1x!tpu.dma_semaphore, #tpu.memory_space<semaphore_mem>> -> memref<!tpu.dma_semaphore, #tpu.memory_space<semaphore_mem>>
        tpu.wait_indirect_dma semaphore(%dma_wait3A_457 : memref<!tpu.dma_semaphore, #tpu.memory_space<semaphore_mem>>) src(%dma_wait3A_449 : memref<64x128xf32, #tpu.memory_space<vmem>>) dst(%dma_wait3A_455 : memref<10240x128xf32, #tpu.memory_space<vmem_shared>>)
        %add3A_458 = arith.constant 4 : i32
        %add3A_459 = arith.addi %add3A_279, %add3A_458 : i32
        %add3A_460 = arith.constant 1 : i32
        %add3A_461 = arith.addi %add3A_459, %add3A_460 : i32
        %dma_start3A_462 = arith.constant 1 : i32
        %dma_start3A_463 = arith.constant 1 : i32
        %dma_start3A_464 = arith.constant 0 : i32
        %dma_start3A_465 = arith.constant 0 : i32
        %dma_start3A_466 = tpu.memref_slice %arg8[%dma_start3A_462, %dma_start3A_464, %dma_start3A_465] : memref<4x64x128xf32, #tpu.memory_space<vmem>> -> memref<1x64x128xf32, #tpu.memory_space<vmem>>
        %dma_start3A_467 = tpu.memref_squeeze %dma_start3A_466 : memref<1x64x128xf32, #tpu.memory_space<vmem>> -> memref<64x128xf32, #tpu.memory_space<vmem>>
        %dma_start3A_468 = arith.constant 0 : i32
        %dma_start3A_469 = tpu.memref_slice %arg6[%add3A_461, %dma_start3A_468] : memref<40x64xi32, #tpu.memory_space<vmem>> -> memref<1x64xi32, #tpu.memory_space<vmem>>
        %dma_start3A_470 = tpu.memref_squeeze %dma_start3A_469 : memref<1x64xi32, #tpu.memory_space<vmem>> -> memref<64xi32, #tpu.memory_space<vmem>>
        %dma_start3A_471 = arith.constant 0 : i32
        %dma_start3A_472 = arith.constant 0 : i32
        %dma_start3A_473 = tpu.memref_slice %arg2[%dma_start3A_471, %dma_start3A_472] : memref<10240x128xf32, #tpu.memory_space<hbm>> -> memref<10240x128xf32, #tpu.memory_space<hbm>>
        %dma_start3A_474 = tpu.memref_slice %arg10[%dma_start3A_463] : memref<4x!tpu.dma_semaphore, #tpu.memory_space<semaphore_mem>> -> memref<1x!tpu.dma_semaphore, #tpu.memory_space<semaphore_mem>>
        %dma_start3A_475 = tpu.memref_squeeze %dma_start3A_474 : memref<1x!tpu.dma_semaphore, #tpu.memory_space<semaphore_mem>> -> memref<!tpu.dma_semaphore, #tpu.memory_space<semaphore_mem>>
        tpu.enqueue_indirect_dma source(%dma_start3A_473 : memref<10240x128xf32, #tpu.memory_space<hbm>>) target(%dma_start3A_467 : memref<64x128xf32, #tpu.memory_space<vmem>>) offsets(%dma_start3A_470 : memref<64xi32, #tpu.memory_space<vmem>>) semaphore(%dma_start3A_475 : memref<!tpu.dma_semaphore, #tpu.memory_space<semaphore_mem>>)
        %add3A_476 = arith.constant 2 : i32
        %add3A_477 = arith.addi %add3A_279, %add3A_476 : i32
        %dma_wait3A_478 = arith.constant 2 : i32
        %dma_wait3A_479 = arith.constant 2 : i32
        %dma_wait3A_480 = arith.constant 0 : i32
        %dma_wait3A_481 = arith.constant 0 : i32
        %dma_wait3A_482 = tpu.memref_slice %arg8[%dma_wait3A_478, %dma_wait3A_480, %dma_wait3A_481] : memref<4x64x128xf32, #tpu.memory_space<vmem>> -> memref<1x64x128xf32, #tpu.memory_space<vmem>>
        %dma_wait3A_483 = tpu.memref_squeeze %dma_wait3A_482 : memref<1x64x128xf32, #tpu.memory_space<vmem>> -> memref<64x128xf32, #tpu.memory_space<vmem>>
        %dma_wait3A_484 = arith.constant 0 : i32
        %dma_wait3A_485 = tpu.memref_slice %arg7[%add3A_477, %dma_wait3A_484] : memref<40x64xi32, #tpu.memory_space<vmem>> -> memref<1x64xi32, #tpu.memory_space<vmem>>
        %dma_wait3A_486 = tpu.memref_squeeze %dma_wait3A_485 : memref<1x64xi32, #tpu.memory_space<vmem>> -> memref<64xi32, #tpu.memory_space<vmem>>
        %dma_wait3A_487 = arith.constant 0 : i32
        %dma_wait3A_488 = arith.constant 0 : i32
        %dma_wait3A_489 = tpu.memref_slice %arg9[%dma_wait3A_487, %dma_wait3A_488] : memref<10240x128xf32, #tpu.memory_space<vmem_shared>> -> memref<10240x128xf32, #tpu.memory_space<vmem_shared>>
        %dma_wait3A_490 = tpu.memref_slice %arg11[%dma_wait3A_479] : memref<4x!tpu.dma_semaphore, #tpu.memory_space<semaphore_mem>> -> memref<1x!tpu.dma_semaphore, #tpu.memory_space<semaphore_mem>>
        %dma_wait3A_491 = tpu.memref_squeeze %dma_wait3A_490 : memref<1x!tpu.dma_semaphore, #tpu.memory_space<semaphore_mem>> -> memref<!tpu.dma_semaphore, #tpu.memory_space<semaphore_mem>>
        tpu.wait_indirect_dma semaphore(%dma_wait3A_491 : memref<!tpu.dma_semaphore, #tpu.memory_space<semaphore_mem>>) src(%dma_wait3A_483 : memref<64x128xf32, #tpu.memory_space<vmem>>) dst(%dma_wait3A_489 : memref<10240x128xf32, #tpu.memory_space<vmem_shared>>)
        %add3A_492 = arith.constant 4 : i32
        %add3A_493 = arith.addi %add3A_279, %add3A_492 : i32
        %add3A_494 = arith.constant 2 : i32
        %add3A_495 = arith.addi %add3A_493, %add3A_494 : i32
        %dma_start3A_496 = arith.constant 2 : i32
        %dma_start3A_497 = arith.constant 2 : i32
        %dma_start3A_498 = arith.constant 0 : i32
        %dma_start3A_499 = arith.constant 0 : i32
        %dma_start3A_500 = tpu.memref_slice %arg8[%dma_start3A_496, %dma_start3A_498, %dma_start3A_499] : memref<4x64x128xf32, #tpu.memory_space<vmem>> -> memref<1x64x128xf32, #tpu.memory_space<vmem>>
        %dma_start3A_501 = tpu.memref_squeeze %dma_start3A_500 : memref<1x64x128xf32, #tpu.memory_space<vmem>> -> memref<64x128xf32, #tpu.memory_space<vmem>>
        %dma_start3A_502 = arith.constant 0 : i32
        %dma_start3A_503 = tpu.memref_slice %arg6[%add3A_495, %dma_start3A_502] : memref<40x64xi32, #tpu.memory_space<vmem>> -> memref<1x64xi32, #tpu.memory_space<vmem>>
        %dma_start3A_504 = tpu.memref_squeeze %dma_start3A_503 : memref<1x64xi32, #tpu.memory_space<vmem>> -> memref<64xi32, #tpu.memory_space<vmem>>
        %dma_start3A_505 = arith.constant 0 : i32
        %dma_start3A_506 = arith.constant 0 : i32
        %dma_start3A_507 = tpu.memref_slice %arg2[%dma_start3A_505, %dma_start3A_506] : memref<10240x128xf32, #tpu.memory_space<hbm>> -> memref<10240x128xf32, #tpu.memory_space<hbm>>
        %dma_start3A_508 = tpu.memref_slice %arg10[%dma_start3A_497] : memref<4x!tpu.dma_semaphore, #tpu.memory_space<semaphore_mem>> -> memref<1x!tpu.dma_semaphore, #tpu.memory_space<semaphore_mem>>
        %dma_start3A_509 = tpu.memref_squeeze %dma_start3A_508 : memref<1x!tpu.dma_semaphore, #tpu.memory_space<semaphore_mem>> -> memref<!tpu.dma_semaphore, #tpu.memory_space<semaphore_mem>>
        tpu.enqueue_indirect_dma source(%dma_start3A_507 : memref<10240x128xf32, #tpu.memory_space<hbm>>) target(%dma_start3A_501 : memref<64x128xf32, #tpu.memory_space<vmem>>) offsets(%dma_start3A_504 : memref<64xi32, #tpu.memory_space<vmem>>) semaphore(%dma_start3A_509 : memref<!tpu.dma_semaphore, #tpu.memory_space<semaphore_mem>>)
        %add3A_510 = arith.constant 3 : i32
        %add3A_511 = arith.addi %add3A_279, %add3A_510 : i32
        %dma_wait3A_512 = arith.constant 3 : i32
        %dma_wait3A_513 = arith.constant 3 : i32
        %dma_wait3A_514 = arith.constant 0 : i32
        %dma_wait3A_515 = arith.constant 0 : i32
        %dma_wait3A_516 = tpu.memref_slice %arg8[%dma_wait3A_512, %dma_wait3A_514, %dma_wait3A_515] : memref<4x64x128xf32, #tpu.memory_space<vmem>> -> memref<1x64x128xf32, #tpu.memory_space<vmem>>
        %dma_wait3A_517 = tpu.memref_squeeze %dma_wait3A_516 : memref<1x64x128xf32, #tpu.memory_space<vmem>> -> memref<64x128xf32, #tpu.memory_space<vmem>>
        %dma_wait3A_518 = arith.constant 0 : i32
        %dma_wait3A_519 = tpu.memref_slice %arg7[%add3A_511, %dma_wait3A_518] : memref<40x64xi32, #tpu.memory_space<vmem>> -> memref<1x64xi32, #tpu.memory_space<vmem>>
        %dma_wait3A_520 = tpu.memref_squeeze %dma_wait3A_519 : memref<1x64xi32, #tpu.memory_space<vmem>> -> memref<64xi32, #tpu.memory_space<vmem>>
        %dma_wait3A_521 = arith.constant 0 : i32
        %dma_wait3A_522 = arith.constant 0 : i32
        %dma_wait3A_523 = tpu.memref_slice %arg9[%dma_wait3A_521, %dma_wait3A_522] : memref<10240x128xf32, #tpu.memory_space<vmem_shared>> -> memref<10240x128xf32, #tpu.memory_space<vmem_shared>>
        %dma_wait3A_524 = tpu.memref_slice %arg11[%dma_wait3A_513] : memref<4x!tpu.dma_semaphore, #tpu.memory_space<semaphore_mem>> -> memref<1x!tpu.dma_semaphore, #tpu.memory_space<semaphore_mem>>
        %dma_wait3A_525 = tpu.memref_squeeze %dma_wait3A_524 : memref<1x!tpu.dma_semaphore, #tpu.memory_space<semaphore_mem>> -> memref<!tpu.dma_semaphore, #tpu.memory_space<semaphore_mem>>
        tpu.wait_indirect_dma semaphore(%dma_wait3A_525 : memref<!tpu.dma_semaphore, #tpu.memory_space<semaphore_mem>>) src(%dma_wait3A_517 : memref<64x128xf32, #tpu.memory_space<vmem>>) dst(%dma_wait3A_523 : memref<10240x128xf32, #tpu.memory_space<vmem_shared>>)
        %add3A_526 = arith.constant 4 : i32
        %add3A_527 = arith.addi %add3A_279, %add3A_526 : i32
        %add3A_528 = arith.constant 3 : i32
        %add3A_529 = arith.addi %add3A_527, %add3A_528 : i32
        %dma_start3A_530 = arith.constant 3 : i32
        %dma_start3A_531 = arith.constant 3 : i32
        %dma_start3A_532 = arith.constant 0 : i32
        %dma_start3A_533 = arith.constant 0 : i32
        %dma_start3A_534 = tpu.memref_slice %arg8[%dma_start3A_530, %dma_start3A_532, %dma_start3A_533] : memref<4x64x128xf32, #tpu.memory_space<vmem>> -> memref<1x64x128xf32, #tpu.memory_space<vmem>>
        %dma_start3A_535 = tpu.memref_squeeze %dma_start3A_534 : memref<1x64x128xf32, #tpu.memory_space<vmem>> -> memref<64x128xf32, #tpu.memory_space<vmem>>
        %dma_start3A_536 = arith.constant 0 : i32
        %dma_start3A_537 = tpu.memref_slice %arg6[%add3A_529, %dma_start3A_536] : memref<40x64xi32, #tpu.memory_space<vmem>> -> memref<1x64xi32, #tpu.memory_space<vmem>>
        %dma_start3A_538 = tpu.memref_squeeze %dma_start3A_537 : memref<1x64xi32, #tpu.memory_space<vmem>> -> memref<64xi32, #tpu.memory_space<vmem>>
        %dma_start3A_539 = arith.constant 0 : i32
        %dma_start3A_540 = arith.constant 0 : i32
        %dma_start3A_541 = tpu.memref_slice %arg2[%dma_start3A_539, %dma_start3A_540] : memref<10240x128xf32, #tpu.memory_space<hbm>> -> memref<10240x128xf32, #tpu.memory_space<hbm>>
        %dma_start3A_542 = tpu.memref_slice %arg10[%dma_start3A_531] : memref<4x!tpu.dma_semaphore, #tpu.memory_space<semaphore_mem>> -> memref<1x!tpu.dma_semaphore, #tpu.memory_space<semaphore_mem>>
        %dma_start3A_543 = tpu.memref_squeeze %dma_start3A_542 : memref<1x!tpu.dma_semaphore, #tpu.memory_space<semaphore_mem>> -> memref<!tpu.dma_semaphore, #tpu.memory_space<semaphore_mem>>
        tpu.enqueue_indirect_dma source(%dma_start3A_541 : memref<10240x128xf32, #tpu.memory_space<hbm>>) target(%dma_start3A_535 : memref<64x128xf32, #tpu.memory_space<vmem>>) offsets(%dma_start3A_538 : memref<64xi32, #tpu.memory_space<vmem>>) semaphore(%dma_start3A_543 : memref<!tpu.dma_semaphore, #tpu.memory_space<semaphore_mem>>)
      }
      %scan3A_95 = arith.constant 9 : i32
      %dma_wait3A = arith.constant 36 : i32
      %dma_wait3A_96 = arith.constant 0 : i32
      %dma_wait3A_97 = arith.constant 0 : i32
      %dma_wait3A_98 = arith.constant 0 : i32
      %dma_wait3A_99 = arith.constant 0 : i32
      %dma_wait3A_100 = tpu.memref_slice %arg8[%dma_wait3A_96, %dma_wait3A_98, %dma_wait3A_99] : memref<4x64x128xf32, #tpu.memory_space<vmem>> -> memref<1x64x128xf32, #tpu.memory_space<vmem>>
      %dma_wait3A_101 = tpu.memref_squeeze %dma_wait3A_100 : memref<1x64x128xf32, #tpu.memory_space<vmem>> -> memref<64x128xf32, #tpu.memory_space<vmem>>
      %dma_wait3A_102 = arith.constant 0 : i32
      %dma_wait3A_103 = tpu.memref_slice %arg6[%dma_wait3A, %dma_wait3A_102] : memref<40x64xi32, #tpu.memory_space<vmem>> -> memref<1x64xi32, #tpu.memory_space<vmem>>
      %dma_wait3A_104 = tpu.memref_squeeze %dma_wait3A_103 : memref<1x64xi32, #tpu.memory_space<vmem>> -> memref<64xi32, #tpu.memory_space<vmem>>
      %dma_wait3A_105 = arith.constant 0 : i32
      %dma_wait3A_106 = arith.constant 0 : i32
      %dma_wait3A_107 = tpu.memref_slice %arg2[%dma_wait3A_105, %dma_wait3A_106] : memref<10240x128xf32, #tpu.memory_space<hbm>> -> memref<10240x128xf32, #tpu.memory_space<hbm>>
      %dma_wait3A_108 = tpu.memref_slice %arg10[%dma_wait3A_97] : memref<4x!tpu.dma_semaphore, #tpu.memory_space<semaphore_mem>> -> memref<1x!tpu.dma_semaphore, #tpu.memory_space<semaphore_mem>>
      %dma_wait3A_109 = tpu.memref_squeeze %dma_wait3A_108 : memref<1x!tpu.dma_semaphore, #tpu.memory_space<semaphore_mem>> -> memref<!tpu.dma_semaphore, #tpu.memory_space<semaphore_mem>>
      tpu.wait_indirect_dma semaphore(%dma_wait3A_109 : memref<!tpu.dma_semaphore, #tpu.memory_space<semaphore_mem>>) src(%dma_wait3A_107 : memref<10240x128xf32, #tpu.memory_space<hbm>>) dst(%dma_wait3A_101 : memref<64x128xf32, #tpu.memory_space<vmem>>)
      %dma_start3A_110 = arith.constant 0 : i32
      %dma_start3A_111 = arith.constant 36 : i32
      %dma_start3A_112 = arith.constant 0 : i32
      %dma_start3A_113 = arith.constant 0 : i32
      %dma_start3A_114 = arith.constant 0 : i32
      %dma_start3A_115 = tpu.memref_slice %arg8[%dma_start3A_110, %dma_start3A_113, %dma_start3A_114] : memref<4x64x128xf32, #tpu.memory_space<vmem>> -> memref<1x64x128xf32, #tpu.memory_space<vmem>>
      %dma_start3A_116 = tpu.memref_squeeze %dma_start3A_115 : memref<1x64x128xf32, #tpu.memory_space<vmem>> -> memref<64x128xf32, #tpu.memory_space<vmem>>
      %dma_start3A_117 = arith.constant 0 : i32
      %dma_start3A_118 = tpu.memref_slice %arg7[%dma_start3A_111, %dma_start3A_117] : memref<40x64xi32, #tpu.memory_space<vmem>> -> memref<1x64xi32, #tpu.memory_space<vmem>>
      %dma_start3A_119 = tpu.memref_squeeze %dma_start3A_118 : memref<1x64xi32, #tpu.memory_space<vmem>> -> memref<64xi32, #tpu.memory_space<vmem>>
      %dma_start3A_120 = arith.constant 0 : i32
      %dma_start3A_121 = arith.constant 0 : i32
      %dma_start3A_122 = tpu.memref_slice %arg9[%dma_start3A_120, %dma_start3A_121] : memref<10240x128xf32, #tpu.memory_space<vmem_shared>> -> memref<10240x128xf32, #tpu.memory_space<vmem_shared>>
      %dma_start3A_123 = tpu.memref_slice %arg11[%dma_start3A_112] : memref<4x!tpu.dma_semaphore, #tpu.memory_space<semaphore_mem>> -> memref<1x!tpu.dma_semaphore, #tpu.memory_space<semaphore_mem>>
      %dma_start3A_124 = tpu.memref_squeeze %dma_start3A_123 : memref<1x!tpu.dma_semaphore, #tpu.memory_space<semaphore_mem>> -> memref<!tpu.dma_semaphore, #tpu.memory_space<semaphore_mem>>
      tpu.enqueue_indirect_dma source(%dma_start3A_116 : memref<64x128xf32, #tpu.memory_space<vmem>>) target(%dma_start3A_122 : memref<10240x128xf32, #tpu.memory_space<vmem_shared>>) offsets(%dma_start3A_119 : memref<64xi32, #tpu.memory_space<vmem>>) semaphore(%dma_start3A_124 : memref<!tpu.dma_semaphore, #tpu.memory_space<semaphore_mem>>) {add = true}
      %dma_wait3A_125 = arith.constant 37 : i32
      %dma_wait3A_126 = arith.constant 1 : i32
      %dma_wait3A_127 = arith.constant 1 : i32
      %dma_wait3A_128 = arith.constant 0 : i32
      %dma_wait3A_129 = arith.constant 0 : i32
      %dma_wait3A_130 = tpu.memref_slice %arg8[%dma_wait3A_126, %dma_wait3A_128, %dma_wait3A_129] : memref<4x64x128xf32, #tpu.memory_space<vmem>> -> memref<1x64x128xf32, #tpu.memory_space<vmem>>
      %dma_wait3A_131 = tpu.memref_squeeze %dma_wait3A_130 : memref<1x64x128xf32, #tpu.memory_space<vmem>> -> memref<64x128xf32, #tpu.memory_space<vmem>>
      %dma_wait3A_132 = arith.constant 0 : i32
      %dma_wait3A_133 = tpu.memref_slice %arg6[%dma_wait3A_125, %dma_wait3A_132] : memref<40x64xi32, #tpu.memory_space<vmem>> -> memref<1x64xi32, #tpu.memory_space<vmem>>
      %dma_wait3A_134 = tpu.memref_squeeze %dma_wait3A_133 : memref<1x64xi32, #tpu.memory_space<vmem>> -> memref<64xi32, #tpu.memory_space<vmem>>
      %dma_wait3A_135 = arith.constant 0 : i32
      %dma_wait3A_136 = arith.constant 0 : i32
      %dma_wait3A_137 = tpu.memref_slice %arg2[%dma_wait3A_135, %dma_wait3A_136] : memref<10240x128xf32, #tpu.memory_space<hbm>> -> memref<10240x128xf32, #tpu.memory_space<hbm>>
      %dma_wait3A_138 = tpu.memref_slice %arg10[%dma_wait3A_127] : memref<4x!tpu.dma_semaphore, #tpu.memory_space<semaphore_mem>> -> memref<1x!tpu.dma_semaphore, #tpu.memory_space<semaphore_mem>>
      %dma_wait3A_139 = tpu.memref_squeeze %dma_wait3A_138 : memref<1x!tpu.dma_semaphore, #tpu.memory_space<semaphore_mem>> -> memref<!tpu.dma_semaphore, #tpu.memory_space<semaphore_mem>>
      tpu.wait_indirect_dma semaphore(%dma_wait3A_139 : memref<!tpu.dma_semaphore, #tpu.memory_space<semaphore_mem>>) src(%dma_wait3A_137 : memref<10240x128xf32, #tpu.memory_space<hbm>>) dst(%dma_wait3A_131 : memref<64x128xf32, #tpu.memory_space<vmem>>)
      %dma_start3A_140 = arith.constant 1 : i32
      %dma_start3A_141 = arith.constant 37 : i32
      %dma_start3A_142 = arith.constant 1 : i32
      %dma_start3A_143 = arith.constant 0 : i32
      %dma_start3A_144 = arith.constant 0 : i32
      %dma_start3A_145 = tpu.memref_slice %arg8[%dma_start3A_140, %dma_start3A_143, %dma_start3A_144] : memref<4x64x128xf32, #tpu.memory_space<vmem>> -> memref<1x64x128xf32, #tpu.memory_space<vmem>>
      %dma_start3A_146 = tpu.memref_squeeze %dma_start3A_145 : memref<1x64x128xf32, #tpu.memory_space<vmem>> -> memref<64x128xf32, #tpu.memory_space<vmem>>
      %dma_start3A_147 = arith.constant 0 : i32
      %dma_start3A_148 = tpu.memref_slice %arg7[%dma_start3A_141, %dma_start3A_147] : memref<40x64xi32, #tpu.memory_space<vmem>> -> memref<1x64xi32, #tpu.memory_space<vmem>>
      %dma_start3A_149 = tpu.memref_squeeze %dma_start3A_148 : memref<1x64xi32, #tpu.memory_space<vmem>> -> memref<64xi32, #tpu.memory_space<vmem>>
      %dma_start3A_150 = arith.constant 0 : i32
      %dma_start3A_151 = arith.constant 0 : i32
      %dma_start3A_152 = tpu.memref_slice %arg9[%dma_start3A_150, %dma_start3A_151] : memref<10240x128xf32, #tpu.memory_space<vmem_shared>> -> memref<10240x128xf32, #tpu.memory_space<vmem_shared>>
      %dma_start3A_153 = tpu.memref_slice %arg11[%dma_start3A_142] : memref<4x!tpu.dma_semaphore, #tpu.memory_space<semaphore_mem>> -> memref<1x!tpu.dma_semaphore, #tpu.memory_space<semaphore_mem>>
      %dma_start3A_154 = tpu.memref_squeeze %dma_start3A_153 : memref<1x!tpu.dma_semaphore, #tpu.memory_space<semaphore_mem>> -> memref<!tpu.dma_semaphore, #tpu.memory_space<semaphore_mem>>
      tpu.enqueue_indirect_dma source(%dma_start3A_146 : memref<64x128xf32, #tpu.memory_space<vmem>>) target(%dma_start3A_152 : memref<10240x128xf32, #tpu.memory_space<vmem_shared>>) offsets(%dma_start3A_149 : memref<64xi32, #tpu.memory_space<vmem>>) semaphore(%dma_start3A_154 : memref<!tpu.dma_semaphore, #tpu.memory_space<semaphore_mem>>) {add = true}
      %dma_wait3A_155 = arith.constant 38 : i32
      %dma_wait3A_156 = arith.constant 2 : i32
      %dma_wait3A_157 = arith.constant 2 : i32
      %dma_wait3A_158 = arith.constant 0 : i32
      %dma_wait3A_159 = arith.constant 0 : i32
      %dma_wait3A_160 = tpu.memref_slice %arg8[%dma_wait3A_156, %dma_wait3A_158, %dma_wait3A_159] : memref<4x64x128xf32, #tpu.memory_space<vmem>> -> memref<1x64x128xf32, #tpu.memory_space<vmem>>
      %dma_wait3A_161 = tpu.memref_squeeze %dma_wait3A_160 : memref<1x64x128xf32, #tpu.memory_space<vmem>> -> memref<64x128xf32, #tpu.memory_space<vmem>>
      %dma_wait3A_162 = arith.constant 0 : i32
      %dma_wait3A_163 = tpu.memref_slice %arg6[%dma_wait3A_155, %dma_wait3A_162] : memref<40x64xi32, #tpu.memory_space<vmem>> -> memref<1x64xi32, #tpu.memory_space<vmem>>
      %dma_wait3A_164 = tpu.memref_squeeze %dma_wait3A_163 : memref<1x64xi32, #tpu.memory_space<vmem>> -> memref<64xi32, #tpu.memory_space<vmem>>
      %dma_wait3A_165 = arith.constant 0 : i32
      %dma_wait3A_166 = arith.constant 0 : i32
      %dma_wait3A_167 = tpu.memref_slice %arg2[%dma_wait3A_165, %dma_wait3A_166] : memref<10240x128xf32, #tpu.memory_space<hbm>> -> memref<10240x128xf32, #tpu.memory_space<hbm>>
      %dma_wait3A_168 = tpu.memref_slice %arg10[%dma_wait3A_157] : memref<4x!tpu.dma_semaphore, #tpu.memory_space<semaphore_mem>> -> memref<1x!tpu.dma_semaphore, #tpu.memory_space<semaphore_mem>>
      %dma_wait3A_169 = tpu.memref_squeeze %dma_wait3A_168 : memref<1x!tpu.dma_semaphore, #tpu.memory_space<semaphore_mem>> -> memref<!tpu.dma_semaphore, #tpu.memory_space<semaphore_mem>>
      tpu.wait_indirect_dma semaphore(%dma_wait3A_169 : memref<!tpu.dma_semaphore, #tpu.memory_space<semaphore_mem>>) src(%dma_wait3A_167 : memref<10240x128xf32, #tpu.memory_space<hbm>>) dst(%dma_wait3A_161 : memref<64x128xf32, #tpu.memory_space<vmem>>)
      %dma_start3A_170 = arith.constant 2 : i32
      %dma_start3A_171 = arith.constant 38 : i32
      %dma_start3A_172 = arith.constant 2 : i32
      %dma_start3A_173 = arith.constant 0 : i32
      %dma_start3A_174 = arith.constant 0 : i32
      %dma_start3A_175 = tpu.memref_slice %arg8[%dma_start3A_170, %dma_start3A_173, %dma_start3A_174] : memref<4x64x128xf32, #tpu.memory_space<vmem>> -> memref<1x64x128xf32, #tpu.memory_space<vmem>>
      %dma_start3A_176 = tpu.memref_squeeze %dma_start3A_175 : memref<1x64x128xf32, #tpu.memory_space<vmem>> -> memref<64x128xf32, #tpu.memory_space<vmem>>
      %dma_start3A_177 = arith.constant 0 : i32
      %dma_start3A_178 = tpu.memref_slice %arg7[%dma_start3A_171, %dma_start3A_177] : memref<40x64xi32, #tpu.memory_space<vmem>> -> memref<1x64xi32, #tpu.memory_space<vmem>>
      %dma_start3A_179 = tpu.memref_squeeze %dma_start3A_178 : memref<1x64xi32, #tpu.memory_space<vmem>> -> memref<64xi32, #tpu.memory_space<vmem>>
      %dma_start3A_180 = arith.constant 0 : i32
      %dma_start3A_181 = arith.constant 0 : i32
      %dma_start3A_182 = tpu.memref_slice %arg9[%dma_start3A_180, %dma_start3A_181] : memref<10240x128xf32, #tpu.memory_space<vmem_shared>> -> memref<10240x128xf32, #tpu.memory_space<vmem_shared>>
      %dma_start3A_183 = tpu.memref_slice %arg11[%dma_start3A_172] : memref<4x!tpu.dma_semaphore, #tpu.memory_space<semaphore_mem>> -> memref<1x!tpu.dma_semaphore, #tpu.memory_space<semaphore_mem>>
      %dma_start3A_184 = tpu.memref_squeeze %dma_start3A_183 : memref<1x!tpu.dma_semaphore, #tpu.memory_space<semaphore_mem>> -> memref<!tpu.dma_semaphore, #tpu.memory_space<semaphore_mem>>
      tpu.enqueue_indirect_dma source(%dma_start3A_176 : memref<64x128xf32, #tpu.memory_space<vmem>>) target(%dma_start3A_182 : memref<10240x128xf32, #tpu.memory_space<vmem_shared>>) offsets(%dma_start3A_179 : memref<64xi32, #tpu.memory_space<vmem>>) semaphore(%dma_start3A_184 : memref<!tpu.dma_semaphore, #tpu.memory_space<semaphore_mem>>) {add = true}
      %dma_wait3A_185 = arith.constant 39 : i32
      %dma_wait3A_186 = arith.constant 3 : i32
      %dma_wait3A_187 = arith.constant 3 : i32
      %dma_wait3A_188 = arith.constant 0 : i32
      %dma_wait3A_189 = arith.constant 0 : i32
      %dma_wait3A_190 = tpu.memref_slice %arg8[%dma_wait3A_186, %dma_wait3A_188, %dma_wait3A_189] : memref<4x64x128xf32, #tpu.memory_space<vmem>> -> memref<1x64x128xf32, #tpu.memory_space<vmem>>
      %dma_wait3A_191 = tpu.memref_squeeze %dma_wait3A_190 : memref<1x64x128xf32, #tpu.memory_space<vmem>> -> memref<64x128xf32, #tpu.memory_space<vmem>>
      %dma_wait3A_192 = arith.constant 0 : i32
      %dma_wait3A_193 = tpu.memref_slice %arg6[%dma_wait3A_185, %dma_wait3A_192] : memref<40x64xi32, #tpu.memory_space<vmem>> -> memref<1x64xi32, #tpu.memory_space<vmem>>
      %dma_wait3A_194 = tpu.memref_squeeze %dma_wait3A_193 : memref<1x64xi32, #tpu.memory_space<vmem>> -> memref<64xi32, #tpu.memory_space<vmem>>
      %dma_wait3A_195 = arith.constant 0 : i32
      %dma_wait3A_196 = arith.constant 0 : i32
      %dma_wait3A_197 = tpu.memref_slice %arg2[%dma_wait3A_195, %dma_wait3A_196] : memref<10240x128xf32, #tpu.memory_space<hbm>> -> memref<10240x128xf32, #tpu.memory_space<hbm>>
      %dma_wait3A_198 = tpu.memref_slice %arg10[%dma_wait3A_187] : memref<4x!tpu.dma_semaphore, #tpu.memory_space<semaphore_mem>> -> memref<1x!tpu.dma_semaphore, #tpu.memory_space<semaphore_mem>>
      %dma_wait3A_199 = tpu.memref_squeeze %dma_wait3A_198 : memref<1x!tpu.dma_semaphore, #tpu.memory_space<semaphore_mem>> -> memref<!tpu.dma_semaphore, #tpu.memory_space<semaphore_mem>>
      tpu.wait_indirect_dma semaphore(%dma_wait3A_199 : memref<!tpu.dma_semaphore, #tpu.memory_space<semaphore_mem>>) src(%dma_wait3A_197 : memref<10240x128xf32, #tpu.memory_space<hbm>>) dst(%dma_wait3A_191 : memref<64x128xf32, #tpu.memory_space<vmem>>)
      %dma_start3A_200 = arith.constant 3 : i32
      %dma_start3A_201 = arith.constant 39 : i32
      %dma_start3A_202 = arith.constant 3 : i32
      %dma_start3A_203 = arith.constant 0 : i32
      %dma_start3A_204 = arith.constant 0 : i32
      %dma_start3A_205 = tpu.memref_slice %arg8[%dma_start3A_200, %dma_start3A_203, %dma_start3A_204] : memref<4x64x128xf32, #tpu.memory_space<vmem>> -> memref<1x64x128xf32, #tpu.memory_space<vmem>>
      %dma_start3A_206 = tpu.memref_squeeze %dma_start3A_205 : memref<1x64x128xf32, #tpu.memory_space<vmem>> -> memref<64x128xf32, #tpu.memory_space<vmem>>
      %dma_start3A_207 = arith.constant 0 : i32
      %dma_start3A_208 = tpu.memref_slice %arg7[%dma_start3A_201, %dma_start3A_207] : memref<40x64xi32, #tpu.memory_space<vmem>> -> memref<1x64xi32, #tpu.memory_space<vmem>>
      %dma_start3A_209 = tpu.memref_squeeze %dma_start3A_208 : memref<1x64xi32, #tpu.memory_space<vmem>> -> memref<64xi32, #tpu.memory_space<vmem>>
      %dma_start3A_210 = arith.constant 0 : i32
      %dma_start3A_211 = arith.constant 0 : i32
      %dma_start3A_212 = tpu.memref_slice %arg9[%dma_start3A_210, %dma_start3A_211] : memref<10240x128xf32, #tpu.memory_space<vmem_shared>> -> memref<10240x128xf32, #tpu.memory_space<vmem_shared>>
      %dma_start3A_213 = tpu.memref_slice %arg11[%dma_start3A_202] : memref<4x!tpu.dma_semaphore, #tpu.memory_space<semaphore_mem>> -> memref<1x!tpu.dma_semaphore, #tpu.memory_space<semaphore_mem>>
      %dma_start3A_214 = tpu.memref_squeeze %dma_start3A_213 : memref<1x!tpu.dma_semaphore, #tpu.memory_space<semaphore_mem>> -> memref<!tpu.dma_semaphore, #tpu.memory_space<semaphore_mem>>
      tpu.enqueue_indirect_dma source(%dma_start3A_206 : memref<64x128xf32, #tpu.memory_space<vmem>>) target(%dma_start3A_212 : memref<10240x128xf32, #tpu.memory_space<vmem_shared>>) offsets(%dma_start3A_209 : memref<64xi32, #tpu.memory_space<vmem>>) semaphore(%dma_start3A_214 : memref<!tpu.dma_semaphore, #tpu.memory_space<semaphore_mem>>) {add = true}
      %dma_wait3A_215 = arith.constant 0 : i32
      %dma_wait3A_216 = arith.constant 36 : i32
      %dma_wait3A_217 = arith.constant 0 : i32
      %dma_wait3A_218 = arith.constant 0 : i32
      %dma_wait3A_219 = arith.constant 0 : i32
      %dma_wait3A_220 = tpu.memref_slice %arg8[%dma_wait3A_215, %dma_wait3A_218, %dma_wait3A_219] : memref<4x64x128xf32, #tpu.memory_space<vmem>> -> memref<1x64x128xf32, #tpu.memory_space<vmem>>
      %dma_wait3A_221 = tpu.memref_squeeze %dma_wait3A_220 : memref<1x64x128xf32, #tpu.memory_space<vmem>> -> memref<64x128xf32, #tpu.memory_space<vmem>>
      %dma_wait3A_222 = arith.constant 0 : i32
      %dma_wait3A_223 = tpu.memref_slice %arg7[%dma_wait3A_216, %dma_wait3A_222] : memref<40x64xi32, #tpu.memory_space<vmem>> -> memref<1x64xi32, #tpu.memory_space<vmem>>
      %dma_wait3A_224 = tpu.memref_squeeze %dma_wait3A_223 : memref<1x64xi32, #tpu.memory_space<vmem>> -> memref<64xi32, #tpu.memory_space<vmem>>
      %dma_wait3A_225 = arith.constant 0 : i32
      %dma_wait3A_226 = arith.constant 0 : i32
      %dma_wait3A_227 = tpu.memref_slice %arg9[%dma_wait3A_225, %dma_wait3A_226] : memref<10240x128xf32, #tpu.memory_space<vmem_shared>> -> memref<10240x128xf32, #tpu.memory_space<vmem_shared>>
      %dma_wait3A_228 = tpu.memref_slice %arg11[%dma_wait3A_217] : memref<4x!tpu.dma_semaphore, #tpu.memory_space<semaphore_mem>> -> memref<1x!tpu.dma_semaphore, #tpu.memory_space<semaphore_mem>>
      %dma_wait3A_229 = tpu.memref_squeeze %dma_wait3A_228 : memref<1x!tpu.dma_semaphore, #tpu.memory_space<semaphore_mem>> -> memref<!tpu.dma_semaphore, #tpu.memory_space<semaphore_mem>>
      tpu.wait_indirect_dma semaphore(%dma_wait3A_229 : memref<!tpu.dma_semaphore, #tpu.memory_space<semaphore_mem>>) src(%dma_wait3A_221 : memref<64x128xf32, #tpu.memory_space<vmem>>) dst(%dma_wait3A_227 : memref<10240x128xf32, #tpu.memory_space<vmem_shared>>)
      %dma_wait3A_230 = arith.constant 1 : i32
      %dma_wait3A_231 = arith.constant 37 : i32
      %dma_wait3A_232 = arith.constant 1 : i32
      %dma_wait3A_233 = arith.constant 0 : i32
      %dma_wait3A_234 = arith.constant 0 : i32
      %dma_wait3A_235 = tpu.memref_slice %arg8[%dma_wait3A_230, %dma_wait3A_233, %dma_wait3A_234] : memref<4x64x128xf32, #tpu.memory_space<vmem>> -> memref<1x64x128xf32, #tpu.memory_space<vmem>>
      %dma_wait3A_236 = tpu.memref_squeeze %dma_wait3A_235 : memref<1x64x128xf32, #tpu.memory_space<vmem>> -> memref<64x128xf32, #tpu.memory_space<vmem>>
      %dma_wait3A_237 = arith.constant 0 : i32
      %dma_wait3A_238 = tpu.memref_slice %arg7[%dma_wait3A_231, %dma_wait3A_237] : memref<40x64xi32, #tpu.memory_space<vmem>> -> memref<1x64xi32, #tpu.memory_space<vmem>>
      %dma_wait3A_239 = tpu.memref_squeeze %dma_wait3A_238 : memref<1x64xi32, #tpu.memory_space<vmem>> -> memref<64xi32, #tpu.memory_space<vmem>>
      %dma_wait3A_240 = arith.constant 0 : i32
      %dma_wait3A_241 = arith.constant 0 : i32
      %dma_wait3A_242 = tpu.memref_slice %arg9[%dma_wait3A_240, %dma_wait3A_241] : memref<10240x128xf32, #tpu.memory_space<vmem_shared>> -> memref<10240x128xf32, #tpu.memory_space<vmem_shared>>
      %dma_wait3A_243 = tpu.memref_slice %arg11[%dma_wait3A_232] : memref<4x!tpu.dma_semaphore, #tpu.memory_space<semaphore_mem>> -> memref<1x!tpu.dma_semaphore, #tpu.memory_space<semaphore_mem>>
      %dma_wait3A_244 = tpu.memref_squeeze %dma_wait3A_243 : memref<1x!tpu.dma_semaphore, #tpu.memory_space<semaphore_mem>> -> memref<!tpu.dma_semaphore, #tpu.memory_space<semaphore_mem>>
      tpu.wait_indirect_dma semaphore(%dma_wait3A_244 : memref<!tpu.dma_semaphore, #tpu.memory_space<semaphore_mem>>) src(%dma_wait3A_236 : memref<64x128xf32, #tpu.memory_space<vmem>>) dst(%dma_wait3A_242 : memref<10240x128xf32, #tpu.memory_space<vmem_shared>>)
      %dma_wait3A_245 = arith.constant 2 : i32
      %dma_wait3A_246 = arith.constant 38 : i32
      %dma_wait3A_247 = arith.constant 2 : i32
      %dma_wait3A_248 = arith.constant 0 : i32
      %dma_wait3A_249 = arith.constant 0 : i32
      %dma_wait3A_250 = tpu.memref_slice %arg8[%dma_wait3A_245, %dma_wait3A_248, %dma_wait3A_249] : memref<4x64x128xf32, #tpu.memory_space<vmem>> -> memref<1x64x128xf32, #tpu.memory_space<vmem>>
      %dma_wait3A_251 = tpu.memref_squeeze %dma_wait3A_250 : memref<1x64x128xf32, #tpu.memory_space<vmem>> -> memref<64x128xf32, #tpu.memory_space<vmem>>
      %dma_wait3A_252 = arith.constant 0 : i32
      %dma_wait3A_253 = tpu.memref_slice %arg7[%dma_wait3A_246, %dma_wait3A_252] : memref<40x64xi32, #tpu.memory_space<vmem>> -> memref<1x64xi32, #tpu.memory_space<vmem>>
      %dma_wait3A_254 = tpu.memref_squeeze %dma_wait3A_253 : memref<1x64xi32, #tpu.memory_space<vmem>> -> memref<64xi32, #tpu.memory_space<vmem>>
      %dma_wait3A_255 = arith.constant 0 : i32
      %dma_wait3A_256 = arith.constant 0 : i32
      %dma_wait3A_257 = tpu.memref_slice %arg9[%dma_wait3A_255, %dma_wait3A_256] : memref<10240x128xf32, #tpu.memory_space<vmem_shared>> -> memref<10240x128xf32, #tpu.memory_space<vmem_shared>>
      %dma_wait3A_258 = tpu.memref_slice %arg11[%dma_wait3A_247] : memref<4x!tpu.dma_semaphore, #tpu.memory_space<semaphore_mem>> -> memref<1x!tpu.dma_semaphore, #tpu.memory_space<semaphore_mem>>
      %dma_wait3A_259 = tpu.memref_squeeze %dma_wait3A_258 : memref<1x!tpu.dma_semaphore, #tpu.memory_space<semaphore_mem>> -> memref<!tpu.dma_semaphore, #tpu.memory_space<semaphore_mem>>
      tpu.wait_indirect_dma semaphore(%dma_wait3A_259 : memref<!tpu.dma_semaphore, #tpu.memory_space<semaphore_mem>>) src(%dma_wait3A_251 : memref<64x128xf32, #tpu.memory_space<vmem>>) dst(%dma_wait3A_257 : memref<10240x128xf32, #tpu.memory_space<vmem_shared>>)
      %dma_wait3A_260 = arith.constant 3 : i32
      %dma_wait3A_261 = arith.constant 39 : i32
      %dma_wait3A_262 = arith.constant 3 : i32
      %dma_wait3A_263 = arith.constant 0 : i32
      %dma_wait3A_264 = arith.constant 0 : i32
      %dma_wait3A_265 = tpu.memref_slice %arg8[%dma_wait3A_260, %dma_wait3A_263, %dma_wait3A_264] : memref<4x64x128xf32, #tpu.memory_space<vmem>> -> memref<1x64x128xf32, #tpu.memory_space<vmem>>
      %dma_wait3A_266 = tpu.memref_squeeze %dma_wait3A_265 : memref<1x64x128xf32, #tpu.memory_space<vmem>> -> memref<64x128xf32, #tpu.memory_space<vmem>>
      %dma_wait3A_267 = arith.constant 0 : i32
      %dma_wait3A_268 = tpu.memref_slice %arg7[%dma_wait3A_261, %dma_wait3A_267] : memref<40x64xi32, #tpu.memory_space<vmem>> -> memref<1x64xi32, #tpu.memory_space<vmem>>
      %dma_wait3A_269 = tpu.memref_squeeze %dma_wait3A_268 : memref<1x64xi32, #tpu.memory_space<vmem>> -> memref<64xi32, #tpu.memory_space<vmem>>
      %dma_wait3A_270 = arith.constant 0 : i32
      %dma_wait3A_271 = arith.constant 0 : i32
      %dma_wait3A_272 = tpu.memref_slice %arg9[%dma_wait3A_270, %dma_wait3A_271] : memref<10240x128xf32, #tpu.memory_space<vmem_shared>> -> memref<10240x128xf32, #tpu.memory_space<vmem_shared>>
      %dma_wait3A_273 = tpu.memref_slice %arg11[%dma_wait3A_262] : memref<4x!tpu.dma_semaphore, #tpu.memory_space<semaphore_mem>> -> memref<1x!tpu.dma_semaphore, #tpu.memory_space<semaphore_mem>>
      %dma_wait3A_274 = tpu.memref_squeeze %dma_wait3A_273 : memref<1x!tpu.dma_semaphore, #tpu.memory_space<semaphore_mem>> -> memref<!tpu.dma_semaphore, #tpu.memory_space<semaphore_mem>>
      tpu.wait_indirect_dma semaphore(%dma_wait3A_274 : memref<!tpu.dma_semaphore, #tpu.memory_space<semaphore_mem>>) src(%dma_wait3A_266 : memref<64x128xf32, #tpu.memory_space<vmem>>) dst(%dma_wait3A_272 : memref<10240x128xf32, #tpu.memory_space<vmem_shared>>)
    }
    %scan3A_16 = arith.constant 4 : i32
    %barrier3A_17 = arith.constant 0 : index
    tpu.barrier barrier_id(%barrier3A_17)
    %mul3A_18 = arith.constant 640 : i32
    %mul3A_19 = arith.muli %arg1, %mul3A_18 : i32
    %mul3A_20 = arith.constant 640 : i32
    %mul3A_21 = arith.muli %arg1, %mul3A_20 : i32
    "tpu.region"() ({
      %run_scoped3A = tpu.sem_alloc : memref<!tpu.dma_semaphore, #tpu.memory_space<semaphore_mem>>
      %dma_start3A = arith.constant 0 : i32
      %dma_start3A_22 = tpu.memref_slice %arg5[%arg0, %mul3A_21, %dma_start3A] : memref<2x10240x128xf32, #tpu.memory_space<hbm>> -> memref<1x640x128xf32, #tpu.memory_space<hbm>>
      %dma_start3A_23 = tpu.memref_squeeze %dma_start3A_22 : memref<1x640x128xf32, #tpu.memory_space<hbm>> -> memref<640x128xf32, #tpu.memory_space<hbm>>
      %dma_start3A_24 = arith.constant 0 : i32
      %dma_start3A_25 = tpu.memref_slice %arg9[%mul3A_19, %dma_start3A_24] : memref<10240x128xf32, #tpu.memory_space<vmem_shared>> -> memref<640x128xf32, #tpu.memory_space<vmem_shared>>
      tpu.enqueue_dma source(%dma_start3A_25 : memref<640x128xf32, #tpu.memory_space<vmem_shared>>) target(%dma_start3A_23 : memref<640x128xf32, #tpu.memory_space<hbm>>) target_semaphore(%run_scoped3A : memref<!tpu.dma_semaphore, #tpu.memory_space<semaphore_mem>>)
      %dma_wait3A = arith.constant 0 : i32
      %dma_wait3A_26 = tpu.memref_slice %arg5[%arg0, %mul3A_21, %dma_wait3A] : memref<2x10240x128xf32, #tpu.memory_space<hbm>> -> memref<1x640x128xf32, #tpu.memory_space<hbm>>
      %dma_wait3A_27 = tpu.memref_squeeze %dma_wait3A_26 : memref<1x640x128xf32, #tpu.memory_space<hbm>> -> memref<640x128xf32, #tpu.memory_space<hbm>>
      %dma_wait3A_28 = arith.constant 0 : i32
      %dma_wait3A_29 = tpu.memref_slice %arg9[%mul3A_19, %dma_wait3A_28] : memref<10240x128xf32, #tpu.memory_space<vmem_shared>> -> memref<640x128xf32, #tpu.memory_space<vmem_shared>>
      tpu.wait_dma2 semaphore(%run_scoped3A : memref<!tpu.dma_semaphore, #tpu.memory_space<semaphore_mem>>) src(%dma_wait3A_29 : memref<640x128xf32, #tpu.memory_space<vmem_shared>>) dst(%dma_wait3A_27 : memref<640x128xf32, #tpu.memory_space<hbm>>)
      tpu.yield
    }) : () -> ()
    return
  }
}

module attributes {stable_mosaic.version = 14 : i64} {
  func.func @body(%arg0: i32, %arg1: memref<1024x128xf32, #tpu.memory_space<vmem>>, %arg2: memref<1x1024x16xf32, #tpu.memory_space<vmem>>, %arg3: memref<1x1024x16xf32, #tpu.memory_space<vmem>>, %arg4: memref<128x128xf32, #tpu.memory_space<vmem>>, %arg5: memref<1024x128xf32, #tpu.memory_space<vmem>>) attributes {dimension_semantics = [#tpu.dimension_semantics<arbitrary>], iteration_bounds = array<i64: 10>, scalar_prefetch = 0 : i64, scratch_operands = 0 : i64, tpu.core_type = #tpu.core_type<tc>, window_params = [{transform_indices = @transform_0, window_bounds = array<i64: 1024, 128>}, {transform_indices = @transform_1, window_bounds = array<i64: 1, 1024, 16>}, {transform_indices = @transform_2, window_bounds = array<i64: 1, 1024, 16>}, {pipeline_mode = #tpu.pipeline_mode<synchronous>, transform_indices = @transform_3, window_bounds = array<i64: 128, 128>}, {transform_indices = @transform_4, window_bounds = array<i64: 1024, 128>}]} {
    %get3A = arith.constant 0 : index
    %get3A_0 = arith.constant 0 : index
    %get3A_1 = vector.load %arg1[%get3A, %get3A_0] : memref<1024x128xf32, #tpu.memory_space<vmem>>, vector<1024x128xf32>
    %get3A_2 = arith.constant 0 : index
    %get3A_3 = arith.constant 0 : index
    %get3A_4 = vector.load %arg4[%get3A_2, %get3A_3] : memref<128x128xf32, #tpu.memory_space<vmem>>, vector<128x128xf32>
    %dot_general3A = arith.constant dense<0.000000e+00> : vector<1024x128xf32>
    %dot_general3A_5 = tpu.matmul %get3A_1, %get3A_4, %dot_general3A {dimension_numbers = #tpu.dot_dimension_numbers<[1], [0], [0], [1], [0, 0, 1, 1], [], []>, transpose_lhs_hint = false} : vector<1024x128xf32>, vector<128x128xf32>, vector<1024x128xf32> -> vector<1024x128xf32>
    %get3A_6 = arith.constant 0 : index
    %get3A_7 = arith.constant 0 : index
    %get3A_8 = arith.constant 0 : index
    %get3A_9 = vector.load %arg2[%get3A_6, %get3A_7, %get3A_8] : memref<1x1024x16xf32, #tpu.memory_space<vmem>>, vector<1x1024x16xf32>
    %get3A_10 = vector.shape_cast %get3A_9 : vector<1x1024x16xf32> to vector<1024x16xf32>
    %slice3A = vector.extract_strided_slice %get3A_10 {offsets = [0, 0], sizes = [1024, 1], strides = [1, 1]} : vector<1024x16xf32> to vector<1024x1xf32>
    %get3A_11 = arith.constant 0 : index
    %get3A_12 = arith.constant 0 : index
    %get3A_13 = arith.constant 0 : index
    %get3A_14 = vector.load %arg3[%get3A_11, %get3A_12, %get3A_13] : memref<1x1024x16xf32, #tpu.memory_space<vmem>>, vector<1x1024x16xf32>
    %get3A_15 = vector.shape_cast %get3A_14 : vector<1x1024x16xf32> to vector<1024x16xf32>
    %slice3A_16 = vector.extract_strided_slice %get3A_15 {offsets = [0, 0], sizes = [1024, 1], strides = [1, 1]} : vector<1024x16xf32> to vector<1024x1xf32>
    %add3A = arith.addf %slice3A, %slice3A_16 : vector<1024x1xf32>
    %add3A_17 = arith.constant 1.000000e+00 : f32
    %add3A_18 = vector.broadcast %add3A_17 : f32 to vector<1024x1xf32>
    %add3A_19 = arith.addf %add3A, %add3A_18 : vector<1024x1xf32>
    %rsqrt3A = math.rsqrt %add3A_19 : vector<1024x1xf32>
    %mul3A = vector.broadcast %rsqrt3A : vector<1024x1xf32> to vector<1024x128xf32>
    %mul3A_20 = arith.mulf %dot_general3A_5, %mul3A : vector<1024x128xf32>
    %swap3A = arith.constant 0 : index
    %swap3A_21 = arith.constant 0 : index
    %swap3A_22 = vector.load %arg5[%swap3A, %swap3A_21] : memref<1024x128xf32, #tpu.memory_space<vmem>>, vector<1024x128xf32>
    tpu.vector_store %arg5[%swap3A, %swap3A_21], %mul3A_20 {strides = array<i32>} : memref<1024x128xf32, #tpu.memory_space<vmem>>, vector<1024x128xf32>,
    return
  }
  func.func @transform_0(%arg0: i32) -> (i32, i32) {
    %c0_i32 = arith.constant 0 : i32
    %c0_i32_0 = arith.constant 0 : i32
    return %arg0, %c0_i32 : i32, i32
  }
  func.func @transform_1(%arg0: i32) -> (i32, i32, i32) {
    %c0_i32 = arith.constant 0 : i32
    %c0_i32_0 = arith.constant 0 : i32
    %c0_i32_1 = arith.constant 0 : i32
    return %c0_i32, %arg0, %c0_i32_0 : i32, i32, i32
  }
  func.func @transform_2(%arg0: i32) -> (i32, i32, i32) {
    %c1_i32 = arith.constant 1 : i32
    %c0_i32 = arith.constant 0 : i32
    %c0_i32_0 = arith.constant 0 : i32
    return %c1_i32, %arg0, %c0_i32 : i32, i32, i32
  }
  func.func @transform_3(%arg0: i32) -> (i32, i32) {
    %c0_i32 = arith.constant 0 : i32
    %c0_i32_0 = arith.constant 0 : i32
    %c0_i32_1 = arith.constant 0 : i32
    return %c0_i32, %c0_i32_0 : i32, i32
  }
  func.func @transform_4(%arg0: i32) -> (i32, i32) {
    %c0_i32 = arith.constant 0 : i32
    %c0_i32_0 = arith.constant 0 : i32
    return %arg0, %c0_i32 : i32, i32
  }
}

module attributes {stable_mosaic.version = 14 : i64} {
  func.func @body(%arg0: i32, %arg1: memref<1x1024x128xf32, #tpu.memory_space<vmem>>, %arg2: memref<1x1024x128xf32, #tpu.memory_space<vmem>>, %arg3: memref<1024x128xf32, #tpu.memory_space<vmem>>, %arg4: memref<1x1024x16xf32, #tpu.memory_space<vmem>>, %arg5: memref<1x1024x16xf32, #tpu.memory_space<vmem>>, %arg6: memref<1x128xf32, #tpu.memory_space<vmem>>, %arg7: memref<128x64xf32, #tpu.memory_space<vmem>>, %arg8: memref<1024x128xf32, #tpu.memory_space<vmem>>) attributes {dimension_semantics = [#tpu.dimension_semantics<arbitrary>], iteration_bounds = array<i64: 10>, scalar_prefetch = 0 : i64, scratch_operands = 0 : i64, tpu.core_type = #tpu.core_type<tc>, window_params = [{transform_indices = @transform_0, window_bounds = array<i64: 1, 1024, 128>}, {transform_indices = @transform_1, window_bounds = array<i64: 1, 1024, 128>}, {transform_indices = @transform_2, window_bounds = array<i64: 1024, 128>}, {transform_indices = @transform_3, window_bounds = array<i64: 1, 1024, 16>}, {transform_indices = @transform_4, window_bounds = array<i64: 1, 1024, 16>}, {pipeline_mode = #tpu.pipeline_mode<synchronous>, transform_indices = @transform_5, window_bounds = array<i64: 1, 128>}, {pipeline_mode = #tpu.pipeline_mode<synchronous>, transform_indices = @transform_6, window_bounds = array<i64: 128, 64>}, {transform_indices = @transform_7, window_bounds = array<i64: 1024, 128>}]} {
    %get3A = arith.constant 0 : index
    %get3A_0 = arith.constant 0 : index
    %get3A_1 = arith.constant 0 : index
    %get3A_2 = vector.load %arg4[%get3A, %get3A_0, %get3A_1] : memref<1x1024x16xf32, #tpu.memory_space<vmem>>, vector<1x1024x16xf32>
    %get3A_3 = vector.shape_cast %get3A_2 : vector<1x1024x16xf32> to vector<1024x16xf32>
    %slice3A = vector.extract_strided_slice %get3A_3 {offsets = [0, 0], sizes = [1024, 1], strides = [1, 1]} : vector<1024x16xf32> to vector<1024x1xf32>
    %get3A_4 = arith.constant 0 : index
    %get3A_5 = arith.constant 0 : index
    %get3A_6 = arith.constant 0 : index
    %get3A_7 = vector.load %arg5[%get3A_4, %get3A_5, %get3A_6] : memref<1x1024x16xf32, #tpu.memory_space<vmem>>, vector<1x1024x16xf32>
    %get3A_8 = vector.shape_cast %get3A_7 : vector<1x1024x16xf32> to vector<1024x16xf32>
    %slice3A_9 = vector.extract_strided_slice %get3A_8 {offsets = [0, 0], sizes = [1024, 1], strides = [1, 1]} : vector<1024x16xf32> to vector<1024x1xf32>
    %add3A = arith.addf %slice3A, %slice3A_9 : vector<1024x1xf32>
    %add3A_10 = arith.constant 1.000000e+00 : f32
    %add3A_11 = vector.broadcast %add3A_10 : f32 to vector<1024x1xf32>
    %add3A_12 = arith.addf %add3A, %add3A_11 : vector<1024x1xf32>
    %rsqrt3A = math.rsqrt %add3A_12 : vector<1024x1xf32>
    %get3A_13 = arith.constant 0 : index
    %get3A_14 = arith.constant 0 : index
    %get3A_15 = vector.load %arg3[%get3A_13, %get3A_14] : memref<1024x128xf32, #tpu.memory_space<vmem>>, vector<1024x128xf32>
    %get3A_16 = arith.constant 0 : index
    %get3A_17 = arith.constant 0 : index
    %get3A_18 = arith.constant 0 : index
    %get3A_19 = vector.load %arg1[%get3A_16, %get3A_17, %get3A_18] : memref<1x1024x128xf32, #tpu.memory_space<vmem>>, vector<1x1024x128xf32>
    %get3A_20 = vector.shape_cast %get3A_19 : vector<1x1024x128xf32> to vector<1024x128xf32>
    %get3A_21 = arith.constant 0 : index
    %get3A_22 = arith.constant 0 : index
    %get3A_23 = arith.constant 0 : index
    %get3A_24 = vector.load %arg2[%get3A_21, %get3A_22, %get3A_23] : memref<1x1024x128xf32, #tpu.memory_space<vmem>>, vector<1x1024x128xf32>
    %get3A_25 = vector.shape_cast %get3A_24 : vector<1x1024x128xf32> to vector<1024x128xf32>
    %add3A_26 = arith.addf %get3A_20, %get3A_25 : vector<1024x128xf32>
    %add3A_27 = arith.addf %add3A_26, %get3A_15 : vector<1024x128xf32>
    %mul3A = vector.broadcast %rsqrt3A : vector<1024x1xf32> to vector<1024x128xf32>
    %mul3A_28 = arith.mulf %add3A_27, %mul3A : vector<1024x128xf32>
    %get3A_29 = arith.constant 0 : index
    %get3A_30 = arith.constant 0 : index
    %get3A_31 = vector.load %arg6[%get3A_29, %get3A_30] : memref<1x128xf32, #tpu.memory_space<vmem>>, vector<1x128xf32>
    %add3A_32 = vector.broadcast %get3A_31 : vector<1x128xf32> to vector<1024x128xf32>
    %add3A_33 = arith.addf %mul3A_28, %add3A_32 : vector<1024x128xf32>
    %max3A = arith.constant 0.000000e+00 : f32
    %max3A_34 = vector.broadcast %max3A : f32 to vector<1024x128xf32>
    %max3A_35 = arith.maximumf %add3A_33, %max3A_34 : vector<1024x128xf32>
    %get3A_36 = arith.constant 0 : index
    %get3A_37 = arith.constant 0 : index
    %get3A_38 = vector.load %arg7[%get3A_36, %get3A_37] : memref<128x64xf32, #tpu.memory_space<vmem>>, vector<128x64xf32>
    %dot_general3A = arith.constant dense<0.000000e+00> : vector<1024x64xf32>
    %dot_general3A_39 = tpu.matmul %max3A_35, %get3A_38, %dot_general3A {dimension_numbers = #tpu.dot_dimension_numbers<[1], [0], [0], [1], [0, 0, 1, 1], [], []>, transpose_lhs_hint = false} : vector<1024x128xf32>, vector<128x64xf32>, vector<1024x64xf32> -> vector<1024x64xf32>
    %mul3A_40 = vector.broadcast %rsqrt3A : vector<1024x1xf32> to vector<1024x64xf32>
    %mul3A_41 = arith.mulf %dot_general3A_39, %mul3A_40 : vector<1024x64xf32>
    %jit3A = arith.constant 0 : i32
    %convert_element_type3A = arith.sitofp %jit3A : i32 to f32
    %pad3A = vector.broadcast %convert_element_type3A : f32 to vector<1024x64xf32>
    %pad3A_42 = tpu.concatenate %mul3A_41, %pad3A in 1 : vector<1024x64xf32>, vector<1024x64xf32> -> vector<1024x128xf32>
    %swap3A = arith.constant 0 : index
    %swap3A_43 = arith.constant 0 : index
    %swap3A_44 = vector.load %arg8[%swap3A, %swap3A_43] : memref<1024x128xf32, #tpu.memory_space<vmem>>, vector<1024x128xf32>
    tpu.vector_store %arg8[%swap3A, %swap3A_43], %pad3A_42 {strides = array<i32>} : memref<1024x128xf32, #tpu.memory_space<vmem>>, vector<1024x128xf32>,
    return
  }
  func.func @transform_0(%arg0: i32) -> (i32, i32, i32) {
    %c0_i32 = arith.constant 0 : i32
    %c0_i32_0 = arith.constant 0 : i32
    %c0_i32_1 = arith.constant 0 : i32
    return %c0_i32, %arg0, %c0_i32_0 : i32, i32, i32
  }
  func.func @transform_1(%arg0: i32) -> (i32, i32, i32) {
    %c1_i32 = arith.constant 1 : i32
    %c0_i32 = arith.constant 0 : i32
    %c0_i32_0 = arith.constant 0 : i32
    return %c1_i32, %arg0, %c0_i32 : i32, i32, i32
  }
  func.func @transform_2(%arg0: i32) -> (i32, i32) {
    %c0_i32 = arith.constant 0 : i32
    %c0_i32_0 = arith.constant 0 : i32
    return %arg0, %c0_i32 : i32, i32
  }
  func.func @transform_3(%arg0: i32) -> (i32, i32, i32) {
    %c0_i32 = arith.constant 0 : i32
    %c0_i32_0 = arith.constant 0 : i32
    %c0_i32_1 = arith.constant 0 : i32
    return %c0_i32, %arg0, %c0_i32_0 : i32, i32, i32
  }
  func.func @transform_4(%arg0: i32) -> (i32, i32, i32) {
    %c1_i32 = arith.constant 1 : i32
    %c0_i32 = arith.constant 0 : i32
    %c0_i32_0 = arith.constant 0 : i32
    return %c1_i32, %arg0, %c0_i32 : i32, i32, i32
  }
  func.func @transform_5(%arg0: i32) -> (i32, i32) {
    %c0_i32 = arith.constant 0 : i32
    %c0_i32_0 = arith.constant 0 : i32
    %c0_i32_1 = arith.constant 0 : i32
    return %c0_i32, %c0_i32_0 : i32, i32
  }
  func.func @transform_6(%arg0: i32) -> (i32, i32) {
    %c0_i32 = arith.constant 0 : i32
    %c0_i32_0 = arith.constant 0 : i32
    %c0_i32_1 = arith.constant 0 : i32
    return %c0_i32, %c0_i32_0 : i32, i32
  }
  func.func @transform_7(%arg0: i32) -> (i32, i32) {
    %c0_i32 = arith.constant 0 : i32
    %c0_i32_0 = arith.constant 0 : i32
    return %arg0, %c0_i32 : i32, i32
  }
}

module attributes {stable_mosaic.version = 14 : i64} {
  func.func @body(%arg0: i32, %arg1: memref<1x1000x128xf32, #tpu.memory_space<vmem>>, %arg2: memref<1x1000x128xf32, #tpu.memory_space<vmem>>, %arg3: memref<1000x128xf32, #tpu.memory_space<vmem>>, %arg4: memref<1x1000x16xf32, #tpu.memory_space<vmem>>, %arg5: memref<1x1000x16xf32, #tpu.memory_space<vmem>>, %arg6: memref<1x64xf32, #tpu.memory_space<vmem>>, %arg7: memref<1000x64xf32, #tpu.memory_space<vmem>>) attributes {dimension_semantics = [#tpu.dimension_semantics<arbitrary>], iteration_bounds = array<i64: 10>, scalar_prefetch = 0 : i64, scratch_operands = 0 : i64, tpu.core_type = #tpu.core_type<tc>, window_params = [{transform_indices = @transform_0, window_bounds = array<i64: 1, 1000, 128>}, {transform_indices = @transform_1, window_bounds = array<i64: 1, 1000, 128>}, {transform_indices = @transform_2, window_bounds = array<i64: 1000, 128>}, {transform_indices = @transform_3, window_bounds = array<i64: 1, 1000, 16>}, {transform_indices = @transform_4, window_bounds = array<i64: 1, 1000, 16>}, {pipeline_mode = #tpu.pipeline_mode<synchronous>, transform_indices = @transform_5, window_bounds = array<i64: 1, 64>}, {transform_indices = @transform_6, window_bounds = array<i64: 1000, 64>}]} {
    %get3A = arith.constant 0 : index
    %get3A_0 = arith.constant 0 : index
    %get3A_1 = arith.constant 0 : index
    %get3A_2 = vector.load %arg4[%get3A, %get3A_0, %get3A_1] : memref<1x1000x16xf32, #tpu.memory_space<vmem>>, vector<1x1000x16xf32>
    %get3A_3 = vector.shape_cast %get3A_2 : vector<1x1000x16xf32> to vector<1000x16xf32>
    %slice3A = vector.extract_strided_slice %get3A_3 {offsets = [0, 0], sizes = [1000, 1], strides = [1, 1]} : vector<1000x16xf32> to vector<1000x1xf32>
    %get3A_4 = arith.constant 0 : index
    %get3A_5 = arith.constant 0 : index
    %get3A_6 = arith.constant 0 : index
    %get3A_7 = vector.load %arg5[%get3A_4, %get3A_5, %get3A_6] : memref<1x1000x16xf32, #tpu.memory_space<vmem>>, vector<1x1000x16xf32>
    %get3A_8 = vector.shape_cast %get3A_7 : vector<1x1000x16xf32> to vector<1000x16xf32>
    %slice3A_9 = vector.extract_strided_slice %get3A_8 {offsets = [0, 0], sizes = [1000, 1], strides = [1, 1]} : vector<1000x16xf32> to vector<1000x1xf32>
    %add3A = arith.addf %slice3A, %slice3A_9 : vector<1000x1xf32>
    %add3A_10 = arith.constant 1.000000e+00 : f32
    %add3A_11 = vector.broadcast %add3A_10 : f32 to vector<1000x1xf32>
    %add3A_12 = arith.addf %add3A, %add3A_11 : vector<1000x1xf32>
    %rsqrt3A = math.rsqrt %add3A_12 : vector<1000x1xf32>
    %get3A_13 = arith.constant 0 : index
    %get3A_14 = arith.constant 0 : index
    %get3A_15 = arith.constant 0 : index
    %get3A_16 = vector.load %arg1[%get3A_13, %get3A_14, %get3A_15] : memref<1x1000x128xf32, #tpu.memory_space<vmem>>, vector<1x1000x128xf32>
    %get3A_17 = vector.shape_cast %get3A_16 : vector<1x1000x128xf32> to vector<1000x128xf32>
    %get3A_18 = arith.constant 0 : index
    %get3A_19 = arith.constant 0 : index
    %get3A_20 = arith.constant 0 : index
    %get3A_21 = vector.load %arg2[%get3A_18, %get3A_19, %get3A_20] : memref<1x1000x128xf32, #tpu.memory_space<vmem>>, vector<1x1000x128xf32>
    %get3A_22 = vector.shape_cast %get3A_21 : vector<1x1000x128xf32> to vector<1000x128xf32>
    %add3A_23 = arith.addf %get3A_17, %get3A_22 : vector<1000x128xf32>
    %get3A_24 = arith.constant 0 : index
    %get3A_25 = arith.constant 0 : index
    %get3A_26 = vector.load %arg3[%get3A_24, %get3A_25] : memref<1000x128xf32, #tpu.memory_space<vmem>>, vector<1000x128xf32>
    %add3A_27 = arith.addf %add3A_23, %get3A_26 : vector<1000x128xf32>
    %mul3A = vector.broadcast %rsqrt3A : vector<1000x1xf32> to vector<1000x128xf32>
    %mul3A_28 = arith.mulf %add3A_27, %mul3A : vector<1000x128xf32>
    %slice3A_29 = vector.extract_strided_slice %mul3A_28 {offsets = [0, 0], sizes = [1000, 64], strides = [1, 1]} : vector<1000x128xf32> to vector<1000x64xf32>
    %get3A_30 = arith.constant 0 : index
    %get3A_31 = arith.constant 0 : index
    %get3A_32 = vector.load %arg6[%get3A_30, %get3A_31] : memref<1x64xf32, #tpu.memory_space<vmem>>, vector<1x64xf32>
    %add3A_33 = vector.broadcast %get3A_32 : vector<1x64xf32> to vector<1000x64xf32>
    %add3A_34 = arith.addf %slice3A_29, %add3A_33 : vector<1000x64xf32>
    %reduce_max3A = arith.constant dense<0xFF800000> : vector<1000xf32>
    %reduce_max3A_35 = vector.multi_reduction <maximumf>, %add3A_34, %reduce_max3A [1] : vector<1000x64xf32> to vector<1000xf32>
    %broadcast_in_dim3A = vector.shape_cast %reduce_max3A_35 : vector<1000xf32> to vector<1000x1xf32>
    %sub3A = vector.broadcast %broadcast_in_dim3A : vector<1000x1xf32> to vector<1000x64xf32>
    %sub3A_36 = arith.subf %add3A_34, %sub3A : vector<1000x64xf32>
    %exp3A = math.exp %sub3A_36 : vector<1000x64xf32>
    %reduce_sum3A = arith.constant dense<0.000000e+00> : vector<1000xf32>
    %reduce_sum3A_37 = vector.multi_reduction <add>, %exp3A, %reduce_sum3A [1] : vector<1000x64xf32> to vector<1000xf32>
    %broadcast_in_dim3A_38 = vector.shape_cast %reduce_sum3A_37 : vector<1000xf32> to vector<1000x1xf32>
    %log3A = math.log %broadcast_in_dim3A_38 : vector<1000x1xf32>
    %sub3A_39 = vector.broadcast %broadcast_in_dim3A : vector<1000x1xf32> to vector<1000x64xf32>
    %sub3A_40 = arith.subf %add3A_34, %sub3A_39 : vector<1000x64xf32>
    %sub3A_41 = vector.broadcast %log3A : vector<1000x1xf32> to vector<1000x64xf32>
    %sub3A_42 = arith.subf %sub3A_40, %sub3A_41 : vector<1000x64xf32>
    %swap3A = arith.constant 0 : index
    %swap3A_43 = arith.constant 0 : index
    %swap3A_44 = vector.load %arg7[%swap3A, %swap3A_43] : memref<1000x64xf32, #tpu.memory_space<vmem>>, vector<1000x64xf32>
    tpu.vector_store %arg7[%swap3A, %swap3A_43], %sub3A_42 {strides = array<i32>} : memref<1000x64xf32, #tpu.memory_space<vmem>>, vector<1000x64xf32>,
    return
  }
  func.func @transform_0(%arg0: i32) -> (i32, i32, i32) {
    %c0_i32 = arith.constant 0 : i32
    %c0_i32_0 = arith.constant 0 : i32
    %c0_i32_1 = arith.constant 0 : i32
    return %c0_i32, %arg0, %c0_i32_0 : i32, i32, i32
  }
  func.func @transform_1(%arg0: i32) -> (i32, i32, i32) {
    %c1_i32 = arith.constant 1 : i32
    %c0_i32 = arith.constant 0 : i32
    %c0_i32_0 = arith.constant 0 : i32
    return %c1_i32, %arg0, %c0_i32 : i32, i32, i32
  }
  func.func @transform_2(%arg0: i32) -> (i32, i32) {
    %c0_i32 = arith.constant 0 : i32
    %c0_i32_0 = arith.constant 0 : i32
    return %arg0, %c0_i32 : i32, i32
  }
  func.func @transform_3(%arg0: i32) -> (i32, i32, i32) {
    %c0_i32 = arith.constant 0 : i32
    %c0_i32_0 = arith.constant 0 : i32
    %c0_i32_1 = arith.constant 0 : i32
    return %c0_i32, %arg0, %c0_i32_0 : i32, i32, i32
  }
  func.func @transform_4(%arg0: i32) -> (i32, i32, i32) {
    %c1_i32 = arith.constant 1 : i32
    %c0_i32 = arith.constant 0 : i32
    %c0_i32_0 = arith.constant 0 : i32
    return %c1_i32, %arg0, %c0_i32 : i32, i32, i32
  }
  func.func @transform_5(%arg0: i32) -> (i32, i32) {
    %c0_i32 = arith.constant 0 : i32
    %c0_i32_0 = arith.constant 0 : i32
    %c0_i32_1 = arith.constant 0 : i32
    return %c0_i32, %c0_i32_0 : i32, i32
  }
  func.func @transform_6(%arg0: i32) -> (i32, i32) {
    %c0_i32 = arith.constant 0 : i32
    %c0_i32_0 = arith.constant 0 : i32
    return %arg0, %c0_i32 : i32, i32
  }
}

</mosaic_0001>

<sc_bundles>
// kernel: kernel.11.cloned.1.call-start
scs
__scs_entry_jumppad:
0x0: {  	(pc) =	sbr.rel $0x88, $3  }
0x1: {  	(tag) =	ssettag $0x0;
	lr =	simm.s32 $0x1  }
0x2: {  	[smem:$0x3F9B] =	sst lr;
	_ =	strace $0xD0000000  }
0x3: {  	_ = 	snop  }
0x4: {  	_ = 	snop  }
0x5: {  	_ = 	snop  }
0x6: {  	_ = 	snop  }
0x7: {  	_ = 	snop  }
__scs_overlays_trampoline_lowered:
0x8: {  	[smem:$0x3FAA] =	sst s0  }
0x9: {  	[smem:$0x3FAB] =	sst s1  }
0xa: {  	[smem:$0x3FAC] =	sst s2  }
0xb: {  	[smem:$0x3FAD] =	sst s3  }
0xc: {  	[smem:$0x3FAE] =	sst s4  }
0xd: {  	[smem:$0x3FAF] =	sst s5  }
0xe: {  	[smem:$0x3FB0] =	sst s6  }
0xf: {  	[smem:$0x3FB1] =	sst s7  }
0x10: {  	[smem:$0x3FB2] =	sst s8  }
0x11: {  	[smem:$0x3FB3] =	sst s9;
	s0 =	simm.s32 @!p0 $0x0  }
0x12: {  	s1 =	sld [smem:$0x3F99];
	s0 =	simm.s32 @p0 $0x1  }
0x13: {  	[smem:$0x3FB4] =	sst s0;
	s0 =	simm.s32 @!p1 $0x0  }
0x14: {  	s2 =	sld [smem:$0x3F98];
	s0 =	simm.s32 @p1 $0x1  }
0x15: {  	[smem:$0x3FB5] =	sst s0;
	s0 =	simm.s32 @!p2 $0x0  }
0x16: {  	s3 =	sld [smem:$0x3FDB];
	s0 =	simm.s32 @p2 $0x1  }
0x17: {  	s4 =	simm.s32 $0x1BF5;
	[smem:$0x3FB7] =	sst s0  }
0x18: {  	s0 =	sld [smem:$0x3F9A];
	_ =	swait.ge [sflag:s4], $0x0  }
0x19: {  	s7 =	sld [smem:$0x3F9B]  }
0x1a: {  	s8 =	sadd.s32 $0xFFFFE003, lr  }
0x1b: {  	s9 =	sadd.s32 $0xFFFFFEF7, lr;
	s5 =	simm.s32 $0xFFFFFFFF;
	p2 =	slt.u32 s8, $0xFFFFF086  }
0x1c: {  	p1 =	slt.u32 s9, $0xF7A;
	s5 =	simm.s32 @!p2 $0x0  }
0x1d: {  	s5 =	simm.s32 @p1 $0x1;
	p0 =	seq.s32 s7, s2  }
0x1e: {  	s7 =	smul.u32 @!p0 $0xF7A, s2;
	p2 =	seq.s32 @!p0 s5, $0x0  }
0x1f: {  	s9 =	smul.u32 $0xF7A, s1;
	s8 =	simm.s32 @!p0 $0x1BF5;
	p2 =	por !p2, p0  }
0x20: {  	[sflag:s8] =	ssyncset.s32 @!p0 $0xFFFFF086;
	s6 =	sadd.s32 @!p0 s3, s7;
	s7 =	simm.s32 @!p0 $0x108  }
0x21: {  	s3 =	sadd.s32 s3, s9;
	s6 =	sadd.s32 @!p0 $0x88, s6;
	s7 =	simm.s32 @p2 $0x1082  }
0x22: {  	[simem:s7], [sflag:s8] =	dma.local @!p0 [hbm:s6], $0xF7A  }
0x23: {  	s9 =	sor.u32 $0xD0000000, s2;
	s6 =	simm.s32 $0x108;
	_ =	swait.ge @!p0 [sflag:s8], $0x0  }
0x24: {  	s3 =	sadd.s32 $0x88, s3;
	s6 =	simm.s32 @!p1 $0x1082;
	[sflag:s4] =	ssyncset.s32 $0xFFFFF086  }
0x25: {  	[simem:s6], [sflag:s4] =	dma.local [hbm:s3], $0xF7A  }
0x26: {  	[smem:$0x3F9B] =	sst s1;
	(tag) =	ssettag s2;
	_ =	strace s9  }
0x27: {  	s1 =	sld [smem:$0x3FAB]  }
0x28: {  	s2 =	sld [smem:$0x3FAC]  }
0x29: {  	s4 =	sld [smem:$0x3FAE]  }
0x2a: {  	p0 =	seq.s32 s5, $0x0;
	s5 =	sld [smem:$0x3FAF]  }
0x2b: {  	s6 =	sld [smem:$0x3FB0]  }
0x2c: {  	s7 =	sld [smem:$0x3FB1]  }
0x2d: {  	s3 =	simm.s32 $0x108;
	s8 =	sld [smem:$0x3FB2]  }
0x2e: {  	s3 =	simm.s32 @!p0 $0x1082;
	s9 =	sld [smem:$0x3FB3]  }
0x2f: {  	lr =	sadd.s32 s0, s3;
	s0 =	sld [smem:$0x3FAA]  }
0x30: {  	s3 =	sld [smem:$0x3FAD]  }
0x31: {  	[smem:$0x3FB6] =	sst s10  }
0x32: {  	s10 =	sld [smem:$0x3FB4];
	_ =	sdelay $0x3  }
0x33: {  	p0 =	seq.s32 s10, $0x1;
	s10 =	sld [smem:$0x3FB6];
	_ =	sdelay $0x3  }
0x34: {  	[smem:$0x3FB6] =	sst s10  }
0x35: {  	s10 =	sld [smem:$0x3FB5];
	_ =	sdelay $0x3  }
0x36: {  	p1 =	seq.s32 s10, $0x1;
	s10 =	sld [smem:$0x3FB6];
	_ =	sdelay $0x3  }
0x37: {  	[smem:$0x3FB6] =	sst s10  }
0x38: {  	s10 =	sld [smem:$0x3FB7]  }
0x39: {  	_ = 	snop;
	(pc) =	sbr.ind lr, $3  }
0x3a: {  	_ = 	snop  }
0x3b: {  	_ = 	snop  }
0x3c: {  	p2 =	seq.s32 s10, $0x1;
	s10 =	sld [smem:$0x3FB6]  }
0x3d: {  	_ =	shalt  }
0x3e: {  	_ =	shalt  }
0x3f: {  	_ =	shalt  }
0x40: {  	_ =	shalt  }
0x41: {  	_ =	shalt  }
0x42: {  	_ =	shalt  }
0x43: {  	_ =	shalt  }
0x44: {  	_ =	shalt  }
0x45: {  	_ =	shalt  }
0x46: {  	_ =	shalt  }
0x47: {  	_ =	shalt  }
0x48: {  	_ =	shalt  }
0x49: {  	_ =	shalt  }
0x4a: {  	_ =	shalt  }
0x4b: {  	_ =	shalt  }
0x4c: {  	_ =	shalt  }
0x4d: {  	_ =	shalt  }
0x4e: {  	_ =	shalt  }
0x4f: {  	_ =	shalt  }
0x50: {  	_ =	shalt  }
0x51: {  	_ =	shalt  }
0x52: {  	_ =	shalt  }
0x53: {  	_ =	shalt  }
0x54: {  	_ =	shalt  }
0x55: {  	_ =	shalt  }
0x56: {  	_ =	shalt  }
0x57: {  	_ =	shalt  }
0x58: {  	_ =	shalt  }
0x59: {  	_ =	shalt  }
0x5a: {  	_ =	shalt  }
0x5b: {  	_ =	shalt  }
0x5c: {  	_ =	shalt  }
0x5d: {  	_ =	shalt  }
0x5e: {  	_ =	shalt  }
0x5f: {  	_ =	shalt  }
0x60: {  	_ =	shalt  }
0x61: {  	_ =	shalt  }
0x62: {  	_ =	shalt  }
0x63: {  	_ =	shalt  }
0x64: {  	_ =	shalt  }
0x65: {  	_ =	shalt  }
0x66: {  	_ =	shalt  }
0x67: {  	_ =	shalt  }
0x68: {  	_ =	shalt  }
0x69: {  	_ =	shalt  }
0x6a: {  	_ =	shalt  }
0x6b: {  	_ =	shalt  }
0x6c: {  	_ =	shalt  }
0x6d: {  	_ =	shalt  }
0x6e: {  	_ =	shalt  }
0x6f: {  	_ =	shalt  }
0x70: {  	_ =	shalt  }
0x71: {  	_ =	shalt  }
0x72: {  	_ =	shalt  }
0x73: {  	_ =	shalt  }
0x74: {  	_ =	shalt  }
0x75: {  	_ =	shalt  }
0x76: {  	_ =	shalt  }
0x77: {  	_ =	shalt  }
0x78: {  	_ =	shalt  }
0x79: {  	_ =	shalt  }
0x7a: {  	_ =	shalt  }
0x7b: {  	_ =	shalt  }
0x7c: {  	_ =	shalt  }
0x7d: {  	_ =	shalt  }
0x7e: {  	_ =	shalt  }
0x7f: {  	_ =	shalt  }
0x80: {  	_ =	shalt  }
0x81: {  	_ =	shalt  }
0x82: {  	_ =	shalt  }
0x83: {  	_ =	shalt  }
0x84: {  	_ =	shalt  }
0x85: {  	_ =	shalt  }
0x86: {  	_ =	shalt  }
0x87: {  	_ =	shalt  }
.Lfunc_end0:
.L_simem_size_0:
called_computation.1_lowered:
.L_overlay_start_0:
0x88: {  	s2 =	sld [smem:$0x3FD9]  }
0x89: {  	s3 =	sld [smem:$0x3FFE];
	_ =	sdelay $0x1  }
0x8a: {  	s1 =	srdreg.scid  }
0x8b: {  	s0 =	sand.u32 $0x1, s1  }
0x8c: {  	s16 =	sshll.u32 s0, $0xA;
	s2 =	sadd.s32 s3, s2  }
0x8d: {  	s2 =	sadd.s32 s2, s16  }
0x8e: {  	[smem:$0x3FC2] =	sst s2  }
0x8f: {  	_ = 	snop  }
0x90: {  	(tm) =	ssettm $0x1  }
0x91: {  	s17 =	sld [smem:$0x3FFB];
	_ =	sdelay $0x3  }
0x92: {  	_ =	strace s17  }
0x93: {  	s2 =	sld [smem:$0x3FFC];
	_ =	sdelay $0x3  }
0x94: {  	_ =	strace s2  }
0x95: {  	s2 =	sld [smem:$0x3FFD];
	_ =	sdelay $0x3  }
0x96: {  	_ =	strace s2  }
0x97: {  	_ =	strace $0x8FFFFFFF  }
0x98: {  	s18 =	sld [smem:$0x3FDB];
	_ =	sdelay $0x1  }
0x99: {  	s19 =	simm.s32 $_scs_section_size  }
0x9a: {  	s4 =	simm.s32 $_size__tile_overlayer_lowered;
	s5 =	simm.s32 $_tile_overlayer_lowered  }
0x9b: {  	s22 =	simm.s32 $0x1BFF;
	s21 =	sshll.u32 s5, $0x1;
	s2 =	sadd.s32 s19, s18  }
0x9c: {  	s6 =	simm.s32 $0x0;
	s20 =	sshll.u32 s4, $0x1;
	s4 =	sadd.s32 s21, s2  }
0x9d: {  	[timem:s6], [sflag:s22] =	dma.local [hbm:s4], s20  }
0x9e: {  	_ =	swait.ge [sflag:s22], s20  }
0x9f: {  	s3 =	ssub.s32 $0x0, s20;
	[sflag:s22] =	ssyncset.done $0x0  }
0xa0: {  	[sflag:s22] =	ssyncadd.s32 s3;
	_ =	sdelay $0x1  }
0xa1: {  	s23 =	simm.s32 $0x1B8B  }
0xa2: {  	_ =	swait.ge [sflag:s23], $0x1  }
0xa3: {  	[sflag:s23] =	ssyncset.done $0x0  }
0xa4: {  	s25 =	simm.s32 $0x1B8E;
	s24 =	sld [smem:$0x3FFE];
	[sflag:s23] =	ssyncadd.s32 $0xFFFFFFFF  }
0xa5: {  	s26 =	simm.s32 $execute0_lowered;
	[smem:$0x3FD2] =	sst s25  }
0xa6: {  	s4 =	sshll.u32 s26, $0x1;
	_ =	strace $0x80000049;
	[dreg:$0x1] =	wrdreg $0xFFFFFFFF  }
0xa7: {  	s28 =	simm.s32 $_size_execute0_lowered;
	s2 =	sadd.s32 s2, s4;
	[dreg:$0x0] =	wrdreg $0x0  }
0xa8: {  	s4 =	sshll.u32 s28, $0x1;
	[dreg:$0x2] =	wrdreg s2  }
0xa9: {  	[dreg:$0x3] =	wrdreg s4  }
0xaa: {  	[dreg:$0x4] =	wrdreg $0xC0  }
0xab: {  	_ =	task [dreg:s6], $0x5FFFF  }
0xac: {  	[dreg:$0x1] =	wrdreg $0xFFFFFFFF  }
0xad: {  	[dreg:$0x0] =	wrdreg $0x60  }
0xae: {  	[dreg:$0x2] =	wrdreg s24  }
0xaf: {  	[dreg:$0x3] =	wrdreg $0xA8000  }
0xb0: {  	[dreg:$0x4] =	wrdreg $0x9  }
0xb1: {  	_ =	task.clear_ibuf [dreg:s6], $0x5FFFF;
	_ =	strace $0x90000049  }
0xb2: {  	s29 =	simm.s32 $0x9;
	_ =	strace $0x8000004B  }
0xb3: {  	_ =	swait.ge [sflag:s29], $0x1  }
0xb4: {  	[sflag:s29] =	ssyncadd.s32 $0xFFFFFFFF  }
0xb5: {  	_ =	strace $0x9000004B  }
0xb6: {  	_ =	sfence  }
0xb7: {  	s30 =	sld [smem:$0x0];
	_ =	sdelay $0x2  }
0xb8: {  	s31 =	sshll.u32 s1, $0xD;
	s1 =	sshrl.u32 s1, $0x2  }
0xb9: {  	s3 =	sand.u32 $0x4000, s31;
	s1 =	sadd.s32 s1, s30  }
0xba: {  	s0 =	sor.u32 s3, s0;
	s1 =	sshll.u32 s1, $0x11  }
0xbb: {  	s0 =	sor.u32 s1, s0  }
0xbc: {  	s0 =	sadd.s32 $0x8F2B, s0  }
0xbd: {  	[sflag:s0] =	ssyncadd.remote.s32 $0x1  }
0xbe: {  	_ =	sfence.sel $0xFFFF  }
0xbf: {  	[dreg:$0x0] =	wrdreg $0xFFFFFFFF;
	(pc) =	sbr.abs _section_cstart, $3  }
0xc0: {  	[dreg:$0x1] =	wrdreg $0xFFFFFFFF  }
0xc1: {  	_ =	task.clear_ibuf [dreg:s6], $0x2FFFF;
	_ =	strace $0x9FFFFFFF  }
0xc2: {  	(tm) =	ssettm $0x7FFFFFFF  }
0xc3: {  	_ =	shalt  }
tec
execute0_lowered:
.L_overlay_start_1:
0x0: {  	(tag) =	ssettag $0x1  }
0x1: {  	s0 =	rddreg [dreg:$0x0]  }
0x2: {  	s1 =	rddreg [dreg:$0x1];
	s2 =	srdreg.scid  }
0x3: {  	s18 =	simm.s32 $0x0;
	s9 =	stileid.u32;
	s28 =	simm.s32 $0x6800  }
0x4: {  	s29 =	simm.s32 $0x180;
	s30 =	simm.s32 $0x8800;
	s31 =	simm.s32 $0x1  }
0x5: {  	s10 =	simm.s32 $0x5;
	s11 =	simm.s32 $0x6;
	s12 =	simm.s32 $0x7  }
0x6: {  	s13 =	simm.s32 $0x8;
	s2 =	sand.u32 $0x1, s2;
	s7 =	smul.u32 $0x50000, s9  }
0x7: {  	[smem:$0x7FF] =	sst s18;
	s6 =	smul.u32 $0x14000, s9;
	s4 =	sadd.s32 $0x7A600, s0  }
0x8: {  	s5 =	sadd.s32 $0x66600, s0;
	s3 =	smul.u32 $0x140000, s2;
	s7 =	sshrl.u32 s7, $0x2  }
0x9: {  	_ =	strace $0x8000004A;
	s14 =	ssub.s32 $0x2, s2;
	s19 =	sadd.s32 s7, s1  }
0xa: {  	s2 =	sshll.u32 s2, $0x4;
	s16 =	sadd.s32 $0x2000, s19;
	[dreg:$0x4] =	wrdreg s19  }
0xb: {  	s8 =	sshrl.u32 s14, $0x1;
	s17 =	sadd.s32 $0x4000, s19;
	[dreg:$0x7] =	wrdreg s16  }
0xc: {  	s2 =	sor.u32 s9, s2;
	s20 =	sadd.s32 $0x6000, s19;
	[dreg:$0x8] =	wrdreg s17  }
0xd: {  	s9 =	simm.s32 $0x4;
	s21 =	sadd.s32 $0x8000, s19;
	[dreg:$0x9] =	wrdreg s20  }
0xe: {  	s3 =	sadd.s32 s6, s3;
	s22 =	sadd.s32 $0xA000, s19;
	[dreg:$0xa] =	wrdreg s21  }
0xf: {  	s6 =	sadd.s32 $0x52600, s0;
	s23 =	sadd.s32 $0xC000, s19;
	[dreg:$0xb] =	wrdreg s22  }
0x10: {  	s3 =	sshrl.u32 s3, $0x3;
	s24 =	sadd.s32 $0xE000, s19;
	[dreg:$0xc] =	wrdreg s23  }
0x11: {  	s25 =	sadd.s32 $0x10000, s19;
	s26 =	sadd.s32 $0x12000, s19;
	[dreg:$0xd] =	wrdreg s24  }
0x12: {  	s0 =	sadd.s32 s3, s0;
	s3 =	ssub.s32 s14, s8;
	[dreg:$0xe] =	wrdreg s25  }
0x13: {  	s8 =	smul.u32 $0xA0, s2;
	[dreg:$0xf] =	wrdreg s26;
	s20 =	simm.s32 $0x2800  }
0x14: {  	s21 =	simm.s32 $0x9;
	s23 =	simm.s32 $0x40;
	s24 =	simm.s32 $0x80  }
0x15: {  	s25 =	simm.s32 $0x4800;
	s26 =	simm.s32 $0x100;
	s2 =	simm.s32 $0x3  }
0x16: {  	s14 =	simm.s32 $0x2600;
	s16 =	simm.s32 $0x2700;
	s0 =	sadd.s32 $0xA2600, s0  }
0x17: {  	s17 =	simm.s32 $0x2780;
	s15 =	smax.u32 s3, $0x1;
	[dreg:$0x5] =	wrdreg s0  }
0x18: {  	v0 =	vimm.f32 $0.0e+00;
	[dreg:$0x6] =	wrdreg s15;
	s0 =	simm.s32 $0x2;
	s15 =	simm.s32 $0x2680  }
.LBB2_1:
0x19: {  	[dreg:$0x3] =	wrdreg s18;
	s3 =	simm.s32 $0x0;
	s7 =	simm.s32 $0x200  }
.LBB2_2:
0x1a: {  	p0 =	sne.s32 s7, $0x7E00;
	[tilespmem:s3+$0x2870] =	vst v0  }
0x1b: {  	[tilespmem:s3+$0x2800] =	vst v0  }
0x1c: {  	[tilespmem:s3+$0x2810] =	vst v0  }
.Ltmp0:
0x1d: {  	[tilespmem:s3+$0x2820] =	vst v0;
	(pc) =	sbr.rel @p0 .LBB2_2-.Ltmp0, $4  }
0x1e: {  	[tilespmem:s3+$0x2830] =	vst v0  }
0x1f: {  	[tilespmem:s3+$0x2840] =	vst v0  }
0x20: {  	[tilespmem:s3+$0x2850] =	vst v0  }
0x21: {  	[tilespmem:s3+$0x2860] =	vst v0;
	s3 =	sshra.s32 s7, $0x2;
	s7 =	sadd.s32 $0x200, s7  }
0x22: {  	[tilespmem:s3+$0x2870] =	vst v0  }
0x23: {  	[tilespmem:s3+$0x2800] =	vst v0  }
0x24: {  	[tilespmem:s3+$0x2810] =	vst v0  }
0x25: {  	[tilespmem:s3+$0x2820] =	vst v0  }
0x26: {  	[tilespmem:s3+$0x2830] =	vst v0  }
0x27: {  	[tilespmem:s3+$0x2840] =	vst v0  }
0x28: {  	[tilespmem:s3+$0x2850] =	vst v0  }
0x29: {  	[tilespmem:s3+$0x2860] =	vst v0  }
0x2a: {  	[spmem:s19] =	stream.linear.scatter [tilespmem:s20], [sflag:$0x9], $0x2000, $0x38;
	[tilespmem:$0x1E800] =	vst v63  }
0x2b: {  	_ =	swait.ge [sflag:s21], $0x2000  }
0x2c: {  	[sflag:s21] =	ssyncset.done $0x0  }
0x2d: {  	s22 =	rddreg [dreg:$0x7];
	[sflag:s21] =	ssyncadd.s32 $0xFFFFE000  }
0x2e: {  	[spmem:s22] =	stream.linear.scatter [tilespmem:s20], [sflag:$0x9], $0x2000, $0x38;
	[tilespmem:$0x1E800] =	vst v63  }
0x2f: {  	_ =	swait.ge [sflag:s21], $0x2000  }
0x30: {  	[sflag:s21] =	ssyncset.done $0x0  }
0x31: {  	s7 =	rddreg [dreg:$0x8];
	[sflag:s21] =	ssyncadd.s32 $0xFFFFE000  }
0x32: {  	[spmem:s7] =	stream.linear.scatter [tilespmem:s20], [sflag:$0x9], $0x2000, $0x38;
	[tilespmem:$0x1E800] =	vst v63  }
0x33: {  	_ =	swait.ge [sflag:s21], $0x2000  }
0x34: {  	[sflag:s21] =	ssyncset.done $0x0  }
0x35: {  	s18 =	rddreg [dreg:$0x9];
	[sflag:s21] =	ssyncadd.s32 $0xFFFFE000  }
0x36: {  	[spmem:s18] =	stream.linear.scatter [tilespmem:s20], [sflag:$0x9], $0x2000, $0x38;
	[tilespmem:$0x1E800] =	vst v63  }
0x37: {  	_ =	swait.ge [sflag:s21], $0x2000  }
0x38: {  	[sflag:s21] =	ssyncset.done $0x0  }
0x39: {  	s19 =	rddreg [dreg:$0xa];
	[sflag:s21] =	ssyncadd.s32 $0xFFFFE000  }
0x3a: {  	[spmem:s19] =	stream.linear.scatter [tilespmem:s20], [sflag:$0x9], $0x2000, $0x38;
	[tilespmem:$0x1E800] =	vst v63  }
0x3b: {  	_ =	swait.ge [sflag:s21], $0x2000  }
0x3c: {  	[sflag:s21] =	ssyncset.done $0x0  }
0x3d: {  	s22 =	rddreg [dreg:$0xb];
	[sflag:s21] =	ssyncadd.s32 $0xFFFFE000  }
0x3e: {  	[spmem:s22] =	stream.linear.scatter [tilespmem:s20], [sflag:$0x9], $0x2000, $0x38;
	[tilespmem:$0x1E800] =	vst v63  }
0x3f: {  	_ =	swait.ge [sflag:s21], $0x2000  }
0x40: {  	[sflag:s21] =	ssyncset.done $0x0  }
0x41: {  	s7 =	rddreg [dreg:$0xc];
	[sflag:s21] =	ssyncadd.s32 $0xFFFFE000  }
0x42: {  	[spmem:s7] =	stream.linear.scatter [tilespmem:s20], [sflag:$0x9], $0x2000, $0x38;
	[tilespmem:$0x1E800] =	vst v63  }
0x43: {  	_ =	swait.ge [sflag:s21], $0x2000  }
0x44: {  	[sflag:s21] =	ssyncset.done $0x0  }
0x45: {  	s18 =	rddreg [dreg:$0xd];
	[sflag:s21] =	ssyncadd.s32 $0xFFFFE000  }
0x46: {  	[spmem:s18] =	stream.linear.scatter [tilespmem:s20], [sflag:$0x9], $0x2000, $0x38;
	[tilespmem:$0x1E800] =	vst v63  }
0x47: {  	_ =	swait.ge [sflag:s21], $0x2000  }
0x48: {  	[sflag:s21] =	ssyncset.done $0x0  }
0x49: {  	s19 =	rddreg [dreg:$0xe];
	[sflag:s21] =	ssyncadd.s32 $0xFFFFE000  }
0x4a: {  	[spmem:s19] =	stream.linear.scatter [tilespmem:s20], [sflag:$0x9], $0x2000, $0x38;
	[tilespmem:$0x1E800] =	vst v63  }
0x4b: {  	_ =	swait.ge [sflag:s21], $0x2000  }
0x4c: {  	[sflag:s21] =	ssyncset.done $0x0  }
0x4d: {  	s22 =	rddreg [dreg:$0xf];
	[sflag:s21] =	ssyncadd.s32 $0xFFFFE000  }
0x4e: {  	[spmem:s22] =	stream.linear.scatter [tilespmem:s20], [sflag:$0x9], $0x2000, $0x38;
	[tilespmem:$0x1E800] =	vst v63  }
0x4f: {  	_ =	swait.ge [sflag:s21], $0x2000  }
0x50: {  	[sflag:s21] =	ssyncset.done $0x0  }
0x51: {  	[sflag:s21] =	ssyncadd.s32 $0xFFFFE000  }
0x52: {  	s18 =	simm.s32 $0x0;
	s19 =	simm.s32 $0x0;
	[bflag:$0x0] =	sbarrier.arrive $0xFFFF  }
.LBB2_4:
0x53: {  	s3 =	smul.u32 $0x28, s19;
	_ =	sdelay $0x1  }
0x54: {  	s3 =	sadd.s32 s8, s3  }
0x55: {  	s3 =	sshll.u32 s3, $0x4  }
0x56: {  	s7 =	sadd.s32 s5, s3  }
0x57: {  	[tilespmem:s18], [sflag:$0x9] =	stream.linear.gather [hbm4b:s7+s18], $0x1400, $0x38;
	[tilespmem:$0x1E800] =	vst v63  }
0x58: {  	_ =	swait.ge [sflag:s21], $0x1400  }
0x59: {  	[sflag:s21] =	ssyncset.done $0x0  }
0x5a: {  	s22 =	simm.s32 $0x1400;
	s3 =	sadd.s32 s6, s3;
	[sflag:s21] =	ssyncadd.s32 $0xFFFFEC00  }
0x5b: {  	[tilespmem:s22], [sflag:$0x9] =	stream.linear.gather [hbm4b:s3+s18], $0x1400, $0x38;
	[tilespmem:$0x1E800] =	vst v63  }
0x5c: {  	_ =	swait.ge [sflag:s21], $0x1400  }
0x5d: {  	[sflag:s21] =	ssyncset.done $0x0  }
0x5e: {  	[sflag:s21] =	ssyncadd.s32 $0xFFFFEC00  }
0x5f: {  	[tilespmem:s20], [sflag:$0x1] =	stream.indirect.gather [hbm4b:s4+s23], $0x80, s18, s23, $0xb8;
	[tilespmem:$0x1E800] =	vst v63  }
0x60: {  	_ = 	snop  }
0x61: {  	[tilespmem:s25], [sflag:$0x2] =	stream.indirect.gather [hbm4b:s4+s23], $0x80, s24, s23, $0xb8;
	[tilespmem:$0x1E800] =	vst v63  }
0x62: {  	_ = 	snop  }
0x63: {  	[tilespmem:s28], [sflag:$0x3] =	stream.indirect.gather [hbm4b:s4+s23], $0x80, s26, s23, $0xb8;
	[tilespmem:$0x1E800] =	vst v63  }
0x64: {  	_ = 	snop  }
0x65: {  	[tilespmem:s30], [sflag:$0x4] =	stream.indirect.gather [hbm4b:s4+s23], $0x80, s29, s23, $0xb8;
	[tilespmem:$0x1E800] =	vst v63  }
0x66: {  	_ =	swait.ge [sflag:s31], $0x2000  }
0x67: {  	[sflag:s31] =	ssyncset.done $0x0  }
0x68: {  	s22 =	simm.s32 $0x1400;
	[sflag:s31] =	ssyncadd.s32 $0xFFFFE000  }
0x69: {  	[spmem:s1] =	stream.indirect.scatter.add.f32 [tilespmem:s20], [sflag:$0x5], $0x80, s22, s23, $0xb8;
	[tilespmem:$0x1E800] =	vst v63  }
0x6a: {  	_ =	swait.ge [sflag:s0], $0x2000  }
0x6b: {  	[sflag:s0] =	ssyncset.done $0x0  }
0x6c: {  	s7 =	simm.s32 $0x1480;
	[sflag:s0] =	ssyncadd.s32 $0xFFFFE000  }
0x6d: {  	[spmem:s1] =	stream.indirect.scatter.add.f32 [tilespmem:s25], [sflag:$0x6], $0x80, s7, s23, $0xb8;
	[tilespmem:$0x1E800] =	vst v63  }
0x6e: {  	_ =	swait.ge [sflag:s2], $0x2000  }
0x6f: {  	[sflag:s2] =	ssyncset.done $0x0  }
0x70: {  	s22 =	simm.s32 $0x1500;
	[sflag:s2] =	ssyncadd.s32 $0xFFFFE000  }
0x71: {  	[spmem:s1] =	stream.indirect.scatter.add.f32 [tilespmem:s28], [sflag:$0x7], $0x80, s22, s23, $0xb8;
	[tilespmem:$0x1E800] =	vst v63  }
0x72: {  	_ =	swait.ge [sflag:s9], $0x2000  }
0x73: {  	[sflag:s9] =	ssyncset.done $0x0  }
0x74: {  	s7 =	simm.s32 $0x1580;
	[sflag:s9] =	ssyncadd.s32 $0xFFFFE000  }
0x75: {  	[spmem:s1] =	stream.indirect.scatter.add.f32 [tilespmem:s30], [sflag:$0x8], $0x80, s7, s23, $0xb8;
	[tilespmem:$0x1E800] =	vst v63  }
0x76: {  	_ =	swait.ge [sflag:s10], $0x2000  }
0x77: {  	[sflag:s10] =	ssyncset.done $0x0  }
0x78: {  	s22 =	simm.s32 $0x200;
	[sflag:s10] =	ssyncadd.s32 $0xFFFFE000  }
0x79: {  	[tilespmem:s20], [sflag:$0x1] =	stream.indirect.gather [hbm4b:s4+s23], $0x80, s22, s23, $0xb8;
	[tilespmem:$0x1E800] =	vst v63  }
0x7a: {  	_ =	swait.ge [sflag:s11], $0x2000  }
0x7b: {  	[sflag:s11] =	ssyncset.done $0x0  }
0x7c: {  	s7 =	simm.s32 $0x280;
	[sflag:s11] =	ssyncadd.s32 $0xFFFFE000  }
0x7d: {  	[tilespmem:s25], [sflag:$0x2] =	stream.indirect.gather [hbm4b:s4+s23], $0x80, s7, s23, $0xb8;
	[tilespmem:$0x1E800] =	vst v63  }
0x7e: {  	_ =	swait.ge [sflag:s12], $0x2000  }
0x7f: {  	[sflag:s12] =	ssyncset.done $0x0  }
0x80: {  	s22 =	simm.s32 $0x300;
	[sflag:s12] =	ssyncadd.s32 $0xFFFFE000  }
0x81: {  	[tilespmem:s28], [sflag:$0x3] =	stream.indirect.gather [hbm4b:s4+s23], $0x80, s22, s23, $0xb8;
	[tilespmem:$0x1E800] =	vst v63  }
0x82: {  	_ =	swait.ge [sflag:s13], $0x2000  }
0x83: {  	[sflag:s13] =	ssyncset.done $0x0  }
0x84: {  	s3 =	simm.s32 $0x380;
	s7 =	simm.s32 $0x800;
	[sflag:s13] =	ssyncadd.s32 $0xFFFFE000  }
.LBB2_5:
0x85: {  	[tilespmem:s30], [sflag:$0x4] =	stream.indirect.gather [hbm4b:s4+s23], $0x80, s3, s23, $0xb8;
	[tilespmem:$0x1E800] =	vst v63  }
0x86: {  	s3 =	smov.u32 s7  }
0x87: {  	p0 =	sne.s32 s7, $0x4000;
	s7 =	sadd.s32 $0x800, s7;
	_ =	swait.ge [sflag:s31], $0x2000  }
0x88: {  	s3 =	sshra.s32 s3, $0x2;
	[sflag:s31] =	ssyncset.done $0x0  }
0x89: {  	s22 =	sadd.s32 $0x1400, s3;
	[sflag:s31] =	ssyncadd.s32 $0xFFFFE000  }
0x8a: {  	[spmem:s1] =	stream.indirect.scatter.add.f32 [tilespmem:s20], [sflag:$0x5], $0x80, s22, s23, $0xb8;
	[tilespmem:$0x1E800] =	vst v63  }
0x8b: {  	_ =	swait.ge [sflag:s0], $0x2000  }
0x8c: {  	[sflag:s0] =	ssyncset.done $0x0  }
0x8d: {  	s22 =	sadd.s32 $0x1480, s3;
	[sflag:s0] =	ssyncadd.s32 $0xFFFFE000  }
0x8e: {  	[spmem:s1] =	stream.indirect.scatter.add.f32 [tilespmem:s25], [sflag:$0x6], $0x80, s22, s23, $0xb8;
	[tilespmem:$0x1E800] =	vst v63  }
0x8f: {  	_ =	swait.ge [sflag:s2], $0x2000  }
0x90: {  	[sflag:s2] =	ssyncset.done $0x0  }
0x91: {  	s22 =	sadd.s32 $0x1500, s3;
	[sflag:s2] =	ssyncadd.s32 $0xFFFFE000  }
0x92: {  	[spmem:s1] =	stream.indirect.scatter.add.f32 [tilespmem:s28], [sflag:$0x7], $0x80, s22, s23, $0xb8;
	[tilespmem:$0x1E800] =	vst v63  }
0x93: {  	_ =	swait.ge [sflag:s9], $0x2000  }
0x94: {  	[sflag:s9] =	ssyncset.done $0x0  }
0x95: {  	s22 =	sadd.s32 $0x1580, s3;
	[sflag:s9] =	ssyncadd.s32 $0xFFFFE000  }
0x96: {  	[spmem:s1] =	stream.indirect.scatter.add.f32 [tilespmem:s30], [sflag:$0x8], $0x80, s22, s23, $0xb8;
	[tilespmem:$0x1E800] =	vst v63  }
0x97: {  	_ =	swait.ge [sflag:s10], $0x2000  }
0x98: {  	[sflag:s10] =	ssyncset.done $0x0  }
0x99: {  	s22 =	sadd.s32 $0x200, s3;
	[sflag:s10] =	ssyncadd.s32 $0xFFFFE000  }
0x9a: {  	[tilespmem:s20], [sflag:$0x1] =	stream.indirect.gather [hbm4b:s4+s23], $0x80, s22, s23, $0xb8;
	[tilespmem:$0x1E800] =	vst v63  }
0x9b: {  	_ =	swait.ge [sflag:s11], $0x2000  }
0x9c: {  	[sflag:s11] =	ssyncset.done $0x0  }
0x9d: {  	s22 =	sadd.s32 $0x280, s3;
	[sflag:s11] =	ssyncadd.s32 $0xFFFFE000  }
0x9e: {  	[tilespmem:s25], [sflag:$0x2] =	stream.indirect.gather [hbm4b:s4+s23], $0x80, s22, s23, $0xb8;
	[tilespmem:$0x1E800] =	vst v63  }
0x9f: {  	_ =	swait.ge [sflag:s12], $0x2000  }
0xa0: {  	[sflag:s12] =	ssyncset.done $0x0  }
.Ltmp1:
0xa1: {  	s22 =	sadd.s32 $0x300, s3;
	[sflag:s12] =	ssyncadd.s32 $0xFFFFE000;
	(pc) =	sbr.rel @p0 .LBB2_5-.Ltmp1, $4  }
0xa2: {  	[tilespmem:s28], [sflag:$0x3] =	stream.indirect.gather [hbm4b:s4+s23], $0x80, s22, s23, $0xb8;
	[tilespmem:$0x1E800] =	vst v63  }
0xa3: {  	_ =	swait.ge [sflag:s13], $0x2000  }
0xa4: {  	[sflag:s13] =	ssyncset.done $0x0  }
0xa5: {  	s3 =	sadd.s32 $0x380, s3;
	[sflag:s13] =	ssyncadd.s32 $0xFFFFE000  }
0xa6: {  	[tilespmem:s30], [sflag:$0x4] =	stream.indirect.gather [hbm4b:s4+s23], $0x80, s3, s23, $0xb8;
	[tilespmem:$0x1E800] =	vst v63  }
0xa7: {  	_ =	swait.ge [sflag:s31], $0x2000  }
0xa8: {  	[sflag:s31] =	ssyncset.done $0x0  }
0xa9: {  	[sflag:s31] =	ssyncadd.s32 $0xFFFFE000  }
0xaa: {  	[spmem:s1] =	stream.indirect.scatter.add.f32 [tilespmem:s20], [sflag:$0x5], $0x80, s14, s23, $0xb8;
	[tilespmem:$0x1E800] =	vst v63  }
0xab: {  	_ =	swait.ge [sflag:s0], $0x2000  }
0xac: {  	[sflag:s0] =	ssyncset.done $0x0  }
0xad: {  	[sflag:s0] =	ssyncadd.s32 $0xFFFFE000  }
0xae: {  	[spmem:s1] =	stream.indirect.scatter.add.f32 [tilespmem:s25], [sflag:$0x6], $0x80, s15, s23, $0xb8;
	[tilespmem:$0x1E800] =	vst v63  }
0xaf: {  	_ =	swait.ge [sflag:s2], $0x2000  }
0xb0: {  	[sflag:s2] =	ssyncset.done $0x0  }
0xb1: {  	[sflag:s2] =	ssyncadd.s32 $0xFFFFE000  }
0xb2: {  	[spmem:s1] =	stream.indirect.scatter.add.f32 [tilespmem:s28], [sflag:$0x7], $0x80, s16, s23, $0xb8;
	[tilespmem:$0x1E800] =	vst v63  }
0xb3: {  	_ =	swait.ge [sflag:s9], $0x2000  }
0xb4: {  	[sflag:s9] =	ssyncset.done $0x0  }
0xb5: {  	[sflag:s9] =	ssyncadd.s32 $0xFFFFE000  }
0xb6: {  	[spmem:s1] =	stream.indirect.scatter.add.f32 [tilespmem:s30], [sflag:$0x8], $0x80, s17, s23, $0xb8;
	[tilespmem:$0x1E800] =	vst v63  }
0xb7: {  	_ =	swait.ge [sflag:s10], $0x2000  }
0xb8: {  	[sflag:s10] =	ssyncset.done $0x0  }
0xb9: {  	[sflag:s10] =	ssyncadd.s32 $0xFFFFE000  }
0xba: {  	_ =	swait.ge [sflag:s11], $0x2000  }
0xbb: {  	[sflag:s11] =	ssyncset.done $0x0  }
0xbc: {  	s19 =	sadd.s32 $0x1, s19;
	[sflag:s11] =	ssyncadd.s32 $0xFFFFE000  }
0xbd: {  	p0 =	sne.s32 s19, $0x4;
	_ =	swait.ge [sflag:s12], $0x2000  }
.Ltmp2:
0xbe: {  	[sflag:s12] =	ssyncset.done $0x0;
	(pc) =	sbr.rel @p0 .LBB2_4-.Ltmp2, $4  }
0xbf: {  	[sflag:s12] =	ssyncadd.s32 $0xFFFFE000  }
0xc0: {  	_ =	swait.ge [sflag:s13], $0x2000  }
0xc1: {  	[sflag:s13] =	ssyncset.done $0x0  }
0xc2: {  	[sflag:s13] =	ssyncadd.s32 $0xFFFFE000  }
0xc3: {  	s3 =	stileid.u32;
	[bflag:$0x0] =	sbarrier.arrive $0xFFFF  }
0xc4: {  	s3 =	sshll.u32 s3, $0x6;
	s19 =	rddreg [dreg:$0x4]  }
0xc5: {  	s18 =	rddreg [dreg:$0x5];
	s3 =	sor.u32 $0x1C09, s3;
	s7 =	sshrl.u32 s19, $0x3  }
0xc6: {  	[hbm:s18], [sflag:s3] =	dma.local [spmem:s7], $0x2800  }
0xc7: {  	_ =	swait.ge [sflag:s21], $0x2800  }
0xc8: {  	s7 =	rddreg [dreg:$0x3]  }
0xc9: {  	s22 =	rddreg [dreg:$0x6];
	s18 =	sadd.s32 $0x1, s7  }
0xca: {  	p0 =	sne.s32 s18, s22  }
.Ltmp3:
0xcb: {  	_ = 	snop;
	(pc) =	sbr.rel @p0 .LBB2_1-.Ltmp3, $3  }
0xcc: {  	_ =	sdelay $0x1  }
0xcd: {  	[sflag:s21] =	ssyncset.done $0x0  }
0xce: {  	[sflag:s21] =	ssyncadd.s32 $0xFFFFD800  }
0xcf: {  	_ =	sfence.sel $0x180000  }
0xd0: {  	[bflag:$0x0] =	sbarrier.arrive $0xFFFF  }
0xd1: {  	_ =	strace $0x9000004A  }
0xd2: {  	s0 =	stileid.u32;
	[bflag:$0x2] =	sbarrier.arrive $0xFFFF  }
0xd3: {  	p0 =	sne.s32 s0, $0x0;
	s0 =	rddreg [dreg:$0x2]  }
0xd4: {  	s0 =	sadd.s32 @!p0 $0x100000, s0  }
0xd5: {  	[sflag:s0] =	ssyncadd.tile.s32 @!p0 $0x1;
	_ =	shalt  }
.Lfunc_end2:
_tile_overlayer_lowered:
.L_overlay_start_2:
0xd6: {  	(tag) =	ssettag $0x2  }
0xd7: {  	s0 =	rddreg [dreg:$0x0];
	s2 =	stileid.u32  }
0xd8: {  	s1 =	rddreg [dreg:$0x1];
	p0 =	sne.s32 s2, $0x0  }
0xd9: {  	s3 =	rddreg [dreg:$0x2];
	[bflag:$0x3] =	sbarrier.arrive $0xFFFF;
	s2 =	simm.s32 @!p0 $0x1C09  }
0xda: {  	[timem:s3], [sflag:s2] =	dma.local @!p0 [hbm:s0], s1  }
0xdb: {  	s0 =	simm.s32 @!p0 $0x9  }
0xdc: {  	_ =	swait.ge @!p0 [sflag:s0], s1  }
0xdd: {  	s1 =	ssub.s32 @!p0 $0x0, s1;
	[sflag:s0] =	ssyncset.done @!p0 $0x0  }
0xde: {  	[sflag:s0] =	ssyncadd.s32 @!p0 s1  }
0xdf: {  	[bflag:$0x3] =	sbarrier.arrive $0xFFFF  }
0xe0: {  	_ =	shalt  }

// kernel: kernel.14.cloned.1.call-start
scs
__scs_entry_jumppad:
0x0: {  	(pc) =	sbr.rel $0x88, $3  }
0x1: {  	(tag) =	ssettag $0x0;
	lr =	simm.s32 $0x1  }
0x2: {  	[smem:$0x3F9B] =	sst lr;
	_ =	strace $0xD0000000  }
0x3: {  	_ = 	snop  }
0x4: {  	_ = 	snop  }
0x5: {  	_ = 	snop  }
0x6: {  	_ = 	snop  }
0x7: {  	_ = 	snop  }
__scs_overlays_trampoline_lowered:
0x8: {  	[smem:$0x3FAA] =	sst s0  }
0x9: {  	[smem:$0x3FAB] =	sst s1  }
0xa: {  	[smem:$0x3FAC] =	sst s2  }
0xb: {  	[smem:$0x3FAD] =	sst s3  }
0xc: {  	[smem:$0x3FAE] =	sst s4  }
0xd: {  	[smem:$0x3FAF] =	sst s5  }
0xe: {  	[smem:$0x3FB0] =	sst s6  }
0xf: {  	[smem:$0x3FB1] =	sst s7  }
0x10: {  	[smem:$0x3FB2] =	sst s8  }
0x11: {  	[smem:$0x3FB3] =	sst s9;
	s0 =	simm.s32 @!p0 $0x0  }
0x12: {  	s1 =	sld [smem:$0x3F99];
	s0 =	simm.s32 @p0 $0x1  }
0x13: {  	[smem:$0x3FB4] =	sst s0;
	s0 =	simm.s32 @!p1 $0x0  }
0x14: {  	s2 =	sld [smem:$0x3F98];
	s0 =	simm.s32 @p1 $0x1  }
0x15: {  	[smem:$0x3FB5] =	sst s0;
	s0 =	simm.s32 @!p2 $0x0  }
0x16: {  	s3 =	sld [smem:$0x3FDB];
	s0 =	simm.s32 @p2 $0x1  }
0x17: {  	s4 =	simm.s32 $0x1BF5;
	[smem:$0x3FB7] =	sst s0  }
0x18: {  	s0 =	sld [smem:$0x3F9A];
	_ =	swait.ge [sflag:s4], $0x0  }
0x19: {  	s7 =	sld [smem:$0x3F9B]  }
0x1a: {  	s8 =	sadd.s32 $0xFFFFE003, lr  }
0x1b: {  	s9 =	sadd.s32 $0xFFFFFEF7, lr;
	s5 =	simm.s32 $0xFFFFFFFF;
	p2 =	slt.u32 s8, $0xFFFFF086  }
0x1c: {  	p1 =	slt.u32 s9, $0xF7A;
	s5 =	simm.s32 @!p2 $0x0  }
0x1d: {  	s5 =	simm.s32 @p1 $0x1;
	p0 =	seq.s32 s7, s2  }
0x1e: {  	s7 =	smul.u32 @!p0 $0xF7A, s2;
	p2 =	seq.s32 @!p0 s5, $0x0  }
0x1f: {  	s9 =	smul.u32 $0xF7A, s1;
	s8 =	simm.s32 @!p0 $0x1BF5;
	p2 =	por !p2, p0  }
0x20: {  	[sflag:s8] =	ssyncset.s32 @!p0 $0xFFFFF086;
	s6 =	sadd.s32 @!p0 s3, s7;
	s7 =	simm.s32 @!p0 $0x108  }
0x21: {  	s3 =	sadd.s32 s3, s9;
	s6 =	sadd.s32 @!p0 $0x88, s6;
	s7 =	simm.s32 @p2 $0x1082  }
0x22: {  	[simem:s7], [sflag:s8] =	dma.local @!p0 [hbm:s6], $0xF7A  }
0x23: {  	s9 =	sor.u32 $0xD0000000, s2;
	s6 =	simm.s32 $0x108;
	_ =	swait.ge @!p0 [sflag:s8], $0x0  }
0x24: {  	s3 =	sadd.s32 $0x88, s3;
	s6 =	simm.s32 @!p1 $0x1082;
	[sflag:s4] =	ssyncset.s32 $0xFFFFF086  }
0x25: {  	[simem:s6], [sflag:s4] =	dma.local [hbm:s3], $0xF7A  }
0x26: {  	[smem:$0x3F9B] =	sst s1;
	(tag) =	ssettag s2;
	_ =	strace s9  }
0x27: {  	s1 =	sld [smem:$0x3FAB]  }
0x28: {  	s2 =	sld [smem:$0x3FAC]  }
0x29: {  	s4 =	sld [smem:$0x3FAE]  }
0x2a: {  	p0 =	seq.s32 s5, $0x0;
	s5 =	sld [smem:$0x3FAF]  }
0x2b: {  	s6 =	sld [smem:$0x3FB0]  }
0x2c: {  	s7 =	sld [smem:$0x3FB1]  }
0x2d: {  	s3 =	simm.s32 $0x108;
	s8 =	sld [smem:$0x3FB2]  }
0x2e: {  	s3 =	simm.s32 @!p0 $0x1082;
	s9 =	sld [smem:$0x3FB3]  }
0x2f: {  	lr =	sadd.s32 s0, s3;
	s0 =	sld [smem:$0x3FAA]  }
0x30: {  	s3 =	sld [smem:$0x3FAD]  }
0x31: {  	[smem:$0x3FB6] =	sst s10  }
0x32: {  	s10 =	sld [smem:$0x3FB4];
	_ =	sdelay $0x3  }
0x33: {  	p0 =	seq.s32 s10, $0x1;
	s10 =	sld [smem:$0x3FB6];
	_ =	sdelay $0x3  }
0x34: {  	[smem:$0x3FB6] =	sst s10  }
0x35: {  	s10 =	sld [smem:$0x3FB5];
	_ =	sdelay $0x3  }
0x36: {  	p1 =	seq.s32 s10, $0x1;
	s10 =	sld [smem:$0x3FB6];
	_ =	sdelay $0x3  }
0x37: {  	[smem:$0x3FB6] =	sst s10  }
0x38: {  	s10 =	sld [smem:$0x3FB7]  }
0x39: {  	_ = 	snop;
	(pc) =	sbr.ind lr, $3  }
0x3a: {  	_ = 	snop  }
0x3b: {  	_ = 	snop  }
0x3c: {  	p2 =	seq.s32 s10, $0x1;
	s10 =	sld [smem:$0x3FB6]  }
0x3d: {  	_ =	shalt  }
0x3e: {  	_ =	shalt  }
0x3f: {  	_ =	shalt  }
0x40: {  	_ =	shalt  }
0x41: {  	_ =	shalt  }
0x42: {  	_ =	shalt  }
0x43: {  	_ =	shalt  }
0x44: {  	_ =	shalt  }
0x45: {  	_ =	shalt  }
0x46: {  	_ =	shalt  }
0x47: {  	_ =	shalt  }
0x48: {  	_ =	shalt  }
0x49: {  	_ =	shalt  }
0x4a: {  	_ =	shalt  }
0x4b: {  	_ =	shalt  }
0x4c: {  	_ =	shalt  }
0x4d: {  	_ =	shalt  }
0x4e: {  	_ =	shalt  }
0x4f: {  	_ =	shalt  }
0x50: {  	_ =	shalt  }
0x51: {  	_ =	shalt  }
0x52: {  	_ =	shalt  }
0x53: {  	_ =	shalt  }
0x54: {  	_ =	shalt  }
0x55: {  	_ =	shalt  }
0x56: {  	_ =	shalt  }
0x57: {  	_ =	shalt  }
0x58: {  	_ =	shalt  }
0x59: {  	_ =	shalt  }
0x5a: {  	_ =	shalt  }
0x5b: {  	_ =	shalt  }
0x5c: {  	_ =	shalt  }
0x5d: {  	_ =	shalt  }
0x5e: {  	_ =	shalt  }
0x5f: {  	_ =	shalt  }
0x60: {  	_ =	shalt  }
0x61: {  	_ =	shalt  }
0x62: {  	_ =	shalt  }
0x63: {  	_ =	shalt  }
0x64: {  	_ =	shalt  }
0x65: {  	_ =	shalt  }
0x66: {  	_ =	shalt  }
0x67: {  	_ =	shalt  }
0x68: {  	_ =	shalt  }
0x69: {  	_ =	shalt  }
0x6a: {  	_ =	shalt  }
0x6b: {  	_ =	shalt  }
0x6c: {  	_ =	shalt  }
0x6d: {  	_ =	shalt  }
0x6e: {  	_ =	shalt  }
0x6f: {  	_ =	shalt  }
0x70: {  	_ =	shalt  }
0x71: {  	_ =	shalt  }
0x72: {  	_ =	shalt  }
0x73: {  	_ =	shalt  }
0x74: {  	_ =	shalt  }
0x75: {  	_ =	shalt  }
0x76: {  	_ =	shalt  }
0x77: {  	_ =	shalt  }
0x78: {  	_ =	shalt  }
0x79: {  	_ =	shalt  }
0x7a: {  	_ =	shalt  }
0x7b: {  	_ =	shalt  }
0x7c: {  	_ =	shalt  }
0x7d: {  	_ =	shalt  }
0x7e: {  	_ =	shalt  }
0x7f: {  	_ =	shalt  }
0x80: {  	_ =	shalt  }
0x81: {  	_ =	shalt  }
0x82: {  	_ =	shalt  }
0x83: {  	_ =	shalt  }
0x84: {  	_ =	shalt  }
0x85: {  	_ =	shalt  }
0x86: {  	_ =	shalt  }
0x87: {  	_ =	shalt  }
.Lfunc_end0:
.L_simem_size_0:
called_computation.2_lowered:
.L_overlay_start_0:
0x88: {  	s2 =	sld [smem:$0x3FD9]  }
0x89: {  	s3 =	sld [smem:$0x3FFE];
	_ =	sdelay $0x1  }
0x8a: {  	s1 =	srdreg.scid  }
0x8b: {  	s0 =	sand.u32 $0x1, s1  }
0x8c: {  	s16 =	sshll.u32 s0, $0xA;
	s2 =	sadd.s32 s3, s2  }
0x8d: {  	s2 =	sadd.s32 s2, s16  }
0x8e: {  	[smem:$0x3FC2] =	sst s2  }
0x8f: {  	_ = 	snop  }
0x90: {  	(tm) =	ssettm $0x1  }
0x91: {  	s17 =	sld [smem:$0x3FFB];
	_ =	sdelay $0x3  }
0x92: {  	_ =	strace s17  }
0x93: {  	s2 =	sld [smem:$0x3FFC];
	_ =	sdelay $0x3  }
0x94: {  	_ =	strace s2  }
0x95: {  	s2 =	sld [smem:$0x3FFD];
	_ =	sdelay $0x3  }
0x96: {  	_ =	strace s2  }
0x97: {  	_ =	strace $0x8FFFFFFF  }
0x98: {  	s18 =	sld [smem:$0x3FDB];
	_ =	sdelay $0x1  }
0x99: {  	s19 =	simm.s32 $_scs_section_size  }
0x9a: {  	s4 =	simm.s32 $_size__tile_overlayer_lowered;
	s5 =	simm.s32 $_tile_overlayer_lowered  }
0x9b: {  	s22 =	simm.s32 $0x1BFF;
	s21 =	sshll.u32 s5, $0x1;
	s2 =	sadd.s32 s19, s18  }
0x9c: {  	s6 =	simm.s32 $0x0;
	s20 =	sshll.u32 s4, $0x1;
	s4 =	sadd.s32 s21, s2  }
0x9d: {  	[timem:s6], [sflag:s22] =	dma.local [hbm:s4], s20  }
0x9e: {  	_ =	swait.ge [sflag:s22], s20  }
0x9f: {  	s3 =	ssub.s32 $0x0, s20;
	[sflag:s22] =	ssyncset.done $0x0  }
0xa0: {  	[sflag:s22] =	ssyncadd.s32 s3;
	_ =	sdelay $0x1  }
0xa1: {  	s23 =	simm.s32 $0x1B8B  }
0xa2: {  	_ =	swait.ge [sflag:s23], $0x1  }
0xa3: {  	[sflag:s23] =	ssyncset.done $0x0  }
0xa4: {  	s25 =	simm.s32 $0x1B8E;
	s24 =	sld [smem:$0x3FFE];
	[sflag:s23] =	ssyncadd.s32 $0xFFFFFFFF  }
0xa5: {  	s26 =	simm.s32 $execute0_lowered;
	[smem:$0x3FD2] =	sst s25  }
0xa6: {  	s4 =	sshll.u32 s26, $0x1;
	_ =	strace $0x8000004C;
	[dreg:$0x1] =	wrdreg $0xFFFFFFFF  }
0xa7: {  	s28 =	simm.s32 $_size_execute0_lowered;
	s2 =	sadd.s32 s2, s4;
	[dreg:$0x0] =	wrdreg $0x0  }
0xa8: {  	s4 =	sshll.u32 s28, $0x1;
	[dreg:$0x2] =	wrdreg s2  }
0xa9: {  	[dreg:$0x3] =	wrdreg s4  }
0xaa: {  	[dreg:$0x4] =	wrdreg $0xC0  }
0xab: {  	_ =	task [dreg:s6], $0x5FFFF  }
0xac: {  	[dreg:$0x1] =	wrdreg $0xFFFFFFFF  }
0xad: {  	[dreg:$0x0] =	wrdreg $0x60  }
0xae: {  	[dreg:$0x2] =	wrdreg s24  }
0xaf: {  	[dreg:$0x3] =	wrdreg $0xA8000  }
0xb0: {  	[dreg:$0x4] =	wrdreg $0x9  }
0xb1: {  	_ =	task.clear_ibuf [dreg:s6], $0x5FFFF;
	_ =	strace $0x9000004C  }
0xb2: {  	s29 =	simm.s32 $0x9;
	_ =	strace $0x8000004E  }
0xb3: {  	_ =	swait.ge [sflag:s29], $0x1  }
0xb4: {  	[sflag:s29] =	ssyncadd.s32 $0xFFFFFFFF  }
0xb5: {  	_ =	strace $0x9000004E  }
0xb6: {  	_ =	sfence  }
0xb7: {  	s30 =	sld [smem:$0x0];
	_ =	sdelay $0x2  }
0xb8: {  	s31 =	sshll.u32 s1, $0xD;
	s1 =	sshrl.u32 s1, $0x2  }
0xb9: {  	s3 =	sand.u32 $0x4000, s31;
	s1 =	sadd.s32 s1, s30  }
0xba: {  	s0 =	sor.u32 s3, s0;
	s1 =	sshll.u32 s1, $0x11  }
0xbb: {  	s0 =	sor.u32 s1, s0  }
0xbc: {  	s0 =	sadd.s32 $0x8F2B, s0  }
0xbd: {  	[sflag:s0] =	ssyncadd.remote.s32 $0x1  }
0xbe: {  	_ =	sfence.sel $0xFFFF  }
0xbf: {  	[dreg:$0x0] =	wrdreg $0xFFFFFFFF;
	(pc) =	sbr.abs _section_cstart, $3  }
0xc0: {  	[dreg:$0x1] =	wrdreg $0xFFFFFFFF  }
0xc1: {  	_ =	task.clear_ibuf [dreg:s6], $0x2FFFF;
	_ =	strace $0x9FFFFFFF  }
0xc2: {  	(tm) =	ssettm $0x7FFFFFFF  }
0xc3: {  	_ =	shalt  }
tec
execute0_lowered:
.L_overlay_start_1:
0x0: {  	(tag) =	ssettag $0x1  }
0x1: {  	s0 =	rddreg [dreg:$0x0]  }
0x2: {  	s1 =	rddreg [dreg:$0x1];
	s2 =	srdreg.scid  }
0x3: {  	s18 =	simm.s32 $0x0;
	s9 =	stileid.u32;
	s28 =	simm.s32 $0x6800  }
0x4: {  	s29 =	simm.s32 $0x180;
	s30 =	simm.s32 $0x8800;
	s31 =	simm.s32 $0x1  }
0x5: {  	s10 =	simm.s32 $0x5;
	s11 =	simm.s32 $0x6;
	s12 =	simm.s32 $0x7  }
0x6: {  	s13 =	simm.s32 $0x8;
	s2 =	sand.u32 $0x1, s2;
	s7 =	smul.u32 $0x50000, s9  }
0x7: {  	[smem:$0x7FF] =	sst s18;
	s6 =	smul.u32 $0x14000, s9;
	s4 =	sadd.s32 $0x7A600, s0  }
0x8: {  	s5 =	sadd.s32 $0x66600, s0;
	s3 =	smul.u32 $0x140000, s2;
	s7 =	sshrl.u32 s7, $0x2  }
0x9: {  	_ =	strace $0x8000004D;
	s14 =	ssub.s32 $0x2, s2;
	s19 =	sadd.s32 s7, s1  }
0xa: {  	s2 =	sshll.u32 s2, $0x4;
	s16 =	sadd.s32 $0x2000, s19;
	[dreg:$0x4] =	wrdreg s19  }
0xb: {  	s8 =	sshrl.u32 s14, $0x1;
	s17 =	sadd.s32 $0x4000, s19;
	[dreg:$0x7] =	wrdreg s16  }
0xc: {  	s2 =	sor.u32 s9, s2;
	s20 =	sadd.s32 $0x6000, s19;
	[dreg:$0x8] =	wrdreg s17  }
0xd: {  	s9 =	simm.s32 $0x4;
	s21 =	sadd.s32 $0x8000, s19;
	[dreg:$0x9] =	wrdreg s20  }
0xe: {  	s3 =	sadd.s32 s6, s3;
	s22 =	sadd.s32 $0xA000, s19;
	[dreg:$0xa] =	wrdreg s21  }
0xf: {  	s6 =	sadd.s32 $0x52600, s0;
	s23 =	sadd.s32 $0xC000, s19;
	[dreg:$0xb] =	wrdreg s22  }
0x10: {  	s3 =	sshrl.u32 s3, $0x3;
	s24 =	sadd.s32 $0xE000, s19;
	[dreg:$0xc] =	wrdreg s23  }
0x11: {  	s25 =	sadd.s32 $0x10000, s19;
	s26 =	sadd.s32 $0x12000, s19;
	[dreg:$0xd] =	wrdreg s24  }
0x12: {  	s0 =	sadd.s32 s3, s0;
	s3 =	ssub.s32 s14, s8;
	[dreg:$0xe] =	wrdreg s25  }
0x13: {  	s8 =	smul.u32 $0xA0, s2;
	[dreg:$0xf] =	wrdreg s26;
	s20 =	simm.s32 $0x2800  }
0x14: {  	s21 =	simm.s32 $0x9;
	s23 =	simm.s32 $0x40;
	s24 =	simm.s32 $0x80  }
0x15: {  	s25 =	simm.s32 $0x4800;
	s26 =	simm.s32 $0x100;
	s2 =	simm.s32 $0x3  }
0x16: {  	s14 =	simm.s32 $0x2600;
	s16 =	simm.s32 $0x2700;
	s0 =	sadd.s32 $0xA2600, s0  }
0x17: {  	s17 =	simm.s32 $0x2780;
	s15 =	smax.u32 s3, $0x1;
	[dreg:$0x5] =	wrdreg s0  }
0x18: {  	v0 =	vimm.f32 $0.0e+00;
	[dreg:$0x6] =	wrdreg s15;
	s0 =	simm.s32 $0x2;
	s15 =	simm.s32 $0x2680  }
.LBB2_1:
0x19: {  	[dreg:$0x3] =	wrdreg s18;
	s3 =	simm.s32 $0x0;
	s7 =	simm.s32 $0x200  }
.LBB2_2:
0x1a: {  	p0 =	sne.s32 s7, $0x7E00;
	[tilespmem:s3+$0x2870] =	vst v0  }
0x1b: {  	[tilespmem:s3+$0x2800] =	vst v0  }
0x1c: {  	[tilespmem:s3+$0x2810] =	vst v0  }
.Ltmp0:
0x1d: {  	[tilespmem:s3+$0x2820] =	vst v0;
	(pc) =	sbr.rel @p0 .LBB2_2-.Ltmp0, $4  }
0x1e: {  	[tilespmem:s3+$0x2830] =	vst v0  }
0x1f: {  	[tilespmem:s3+$0x2840] =	vst v0  }
0x20: {  	[tilespmem:s3+$0x2850] =	vst v0  }
0x21: {  	[tilespmem:s3+$0x2860] =	vst v0;
	s3 =	sshra.s32 s7, $0x2;
	s7 =	sadd.s32 $0x200, s7  }
0x22: {  	[tilespmem:s3+$0x2870] =	vst v0  }
0x23: {  	[tilespmem:s3+$0x2800] =	vst v0  }
0x24: {  	[tilespmem:s3+$0x2810] =	vst v0  }
0x25: {  	[tilespmem:s3+$0x2820] =	vst v0  }
0x26: {  	[tilespmem:s3+$0x2830] =	vst v0  }
0x27: {  	[tilespmem:s3+$0x2840] =	vst v0  }
0x28: {  	[tilespmem:s3+$0x2850] =	vst v0  }
0x29: {  	[tilespmem:s3+$0x2860] =	vst v0  }
0x2a: {  	[spmem:s19] =	stream.linear.scatter [tilespmem:s20], [sflag:$0x9], $0x2000, $0x38;
	[tilespmem:$0x1E800] =	vst v63  }
0x2b: {  	_ =	swait.ge [sflag:s21], $0x2000  }
0x2c: {  	[sflag:s21] =	ssyncset.done $0x0  }
0x2d: {  	s22 =	rddreg [dreg:$0x7];
	[sflag:s21] =	ssyncadd.s32 $0xFFFFE000  }
0x2e: {  	[spmem:s22] =	stream.linear.scatter [tilespmem:s20], [sflag:$0x9], $0x2000, $0x38;
	[tilespmem:$0x1E800] =	vst v63  }
0x2f: {  	_ =	swait.ge [sflag:s21], $0x2000  }
0x30: {  	[sflag:s21] =	ssyncset.done $0x0  }
0x31: {  	s7 =	rddreg [dreg:$0x8];
	[sflag:s21] =	ssyncadd.s32 $0xFFFFE000  }
0x32: {  	[spmem:s7] =	stream.linear.scatter [tilespmem:s20], [sflag:$0x9], $0x2000, $0x38;
	[tilespmem:$0x1E800] =	vst v63  }
0x33: {  	_ =	swait.ge [sflag:s21], $0x2000  }
0x34: {  	[sflag:s21] =	ssyncset.done $0x0  }
0x35: {  	s18 =	rddreg [dreg:$0x9];
	[sflag:s21] =	ssyncadd.s32 $0xFFFFE000  }
0x36: {  	[spmem:s18] =	stream.linear.scatter [tilespmem:s20], [sflag:$0x9], $0x2000, $0x38;
	[tilespmem:$0x1E800] =	vst v63  }
0x37: {  	_ =	swait.ge [sflag:s21], $0x2000  }
0x38: {  	[sflag:s21] =	ssyncset.done $0x0  }
0x39: {  	s19 =	rddreg [dreg:$0xa];
	[sflag:s21] =	ssyncadd.s32 $0xFFFFE000  }
0x3a: {  	[spmem:s19] =	stream.linear.scatter [tilespmem:s20], [sflag:$0x9], $0x2000, $0x38;
	[tilespmem:$0x1E800] =	vst v63  }
0x3b: {  	_ =	swait.ge [sflag:s21], $0x2000  }
0x3c: {  	[sflag:s21] =	ssyncset.done $0x0  }
0x3d: {  	s22 =	rddreg [dreg:$0xb];
	[sflag:s21] =	ssyncadd.s32 $0xFFFFE000  }
0x3e: {  	[spmem:s22] =	stream.linear.scatter [tilespmem:s20], [sflag:$0x9], $0x2000, $0x38;
	[tilespmem:$0x1E800] =	vst v63  }
0x3f: {  	_ =	swait.ge [sflag:s21], $0x2000  }
0x40: {  	[sflag:s21] =	ssyncset.done $0x0  }
0x41: {  	s7 =	rddreg [dreg:$0xc];
	[sflag:s21] =	ssyncadd.s32 $0xFFFFE000  }
0x42: {  	[spmem:s7] =	stream.linear.scatter [tilespmem:s20], [sflag:$0x9], $0x2000, $0x38;
	[tilespmem:$0x1E800] =	vst v63  }
0x43: {  	_ =	swait.ge [sflag:s21], $0x2000  }
0x44: {  	[sflag:s21] =	ssyncset.done $0x0  }
0x45: {  	s18 =	rddreg [dreg:$0xd];
	[sflag:s21] =	ssyncadd.s32 $0xFFFFE000  }
0x46: {  	[spmem:s18] =	stream.linear.scatter [tilespmem:s20], [sflag:$0x9], $0x2000, $0x38;
	[tilespmem:$0x1E800] =	vst v63  }
0x47: {  	_ =	swait.ge [sflag:s21], $0x2000  }
0x48: {  	[sflag:s21] =	ssyncset.done $0x0  }
0x49: {  	s19 =	rddreg [dreg:$0xe];
	[sflag:s21] =	ssyncadd.s32 $0xFFFFE000  }
0x4a: {  	[spmem:s19] =	stream.linear.scatter [tilespmem:s20], [sflag:$0x9], $0x2000, $0x38;
	[tilespmem:$0x1E800] =	vst v63  }
0x4b: {  	_ =	swait.ge [sflag:s21], $0x2000  }
0x4c: {  	[sflag:s21] =	ssyncset.done $0x0  }
0x4d: {  	s22 =	rddreg [dreg:$0xf];
	[sflag:s21] =	ssyncadd.s32 $0xFFFFE000  }
0x4e: {  	[spmem:s22] =	stream.linear.scatter [tilespmem:s20], [sflag:$0x9], $0x2000, $0x38;
	[tilespmem:$0x1E800] =	vst v63  }
0x4f: {  	_ =	swait.ge [sflag:s21], $0x2000  }
0x50: {  	[sflag:s21] =	ssyncset.done $0x0  }
0x51: {  	[sflag:s21] =	ssyncadd.s32 $0xFFFFE000  }
0x52: {  	s18 =	simm.s32 $0x0;
	s19 =	simm.s32 $0x0;
	[bflag:$0x0] =	sbarrier.arrive $0xFFFF  }
.LBB2_4:
0x53: {  	s3 =	smul.u32 $0x28, s19;
	_ =	sdelay $0x1  }
0x54: {  	s3 =	sadd.s32 s8, s3  }
0x55: {  	s3 =	sshll.u32 s3, $0x4  }
0x56: {  	s7 =	sadd.s32 s5, s3  }
0x57: {  	[tilespmem:s18], [sflag:$0x9] =	stream.linear.gather [hbm4b:s7+s18], $0x1400, $0x38;
	[tilespmem:$0x1E800] =	vst v63  }
0x58: {  	_ =	swait.ge [sflag:s21], $0x1400  }
0x59: {  	[sflag:s21] =	ssyncset.done $0x0  }
0x5a: {  	s22 =	simm.s32 $0x1400;
	s3 =	sadd.s32 s6, s3;
	[sflag:s21] =	ssyncadd.s32 $0xFFFFEC00  }
0x5b: {  	[tilespmem:s22], [sflag:$0x9] =	stream.linear.gather [hbm4b:s3+s18], $0x1400, $0x38;
	[tilespmem:$0x1E800] =	vst v63  }
0x5c: {  	_ =	swait.ge [sflag:s21], $0x1400  }
0x5d: {  	[sflag:s21] =	ssyncset.done $0x0  }
0x5e: {  	[sflag:s21] =	ssyncadd.s32 $0xFFFFEC00  }
0x5f: {  	[tilespmem:s20], [sflag:$0x1] =	stream.indirect.gather [hbm4b:s4+s23], $0x80, s18, s23, $0xb8;
	[tilespmem:$0x1E800] =	vst v63  }
0x60: {  	_ = 	snop  }
0x61: {  	[tilespmem:s25], [sflag:$0x2] =	stream.indirect.gather [hbm4b:s4+s23], $0x80, s24, s23, $0xb8;
	[tilespmem:$0x1E800] =	vst v63  }
0x62: {  	_ = 	snop  }
0x63: {  	[tilespmem:s28], [sflag:$0x3] =	stream.indirect.gather [hbm4b:s4+s23], $0x80, s26, s23, $0xb8;
	[tilespmem:$0x1E800] =	vst v63  }
0x64: {  	_ = 	snop  }
0x65: {  	[tilespmem:s30], [sflag:$0x4] =	stream.indirect.gather [hbm4b:s4+s23], $0x80, s29, s23, $0xb8;
	[tilespmem:$0x1E800] =	vst v63  }
0x66: {  	_ =	swait.ge [sflag:s31], $0x2000  }
0x67: {  	[sflag:s31] =	ssyncset.done $0x0  }
0x68: {  	s22 =	simm.s32 $0x1400;
	[sflag:s31] =	ssyncadd.s32 $0xFFFFE000  }
0x69: {  	[spmem:s1] =	stream.indirect.scatter.add.f32 [tilespmem:s20], [sflag:$0x5], $0x80, s22, s23, $0xb8;
	[tilespmem:$0x1E800] =	vst v63  }
0x6a: {  	_ =	swait.ge [sflag:s0], $0x2000  }
0x6b: {  	[sflag:s0] =	ssyncset.done $0x0  }
0x6c: {  	s7 =	simm.s32 $0x1480;
	[sflag:s0] =	ssyncadd.s32 $0xFFFFE000  }
0x6d: {  	[spmem:s1] =	stream.indirect.scatter.add.f32 [tilespmem:s25], [sflag:$0x6], $0x80, s7, s23, $0xb8;
	[tilespmem:$0x1E800] =	vst v63  }
0x6e: {  	_ =	swait.ge [sflag:s2], $0x2000  }
0x6f: {  	[sflag:s2] =	ssyncset.done $0x0  }
0x70: {  	s22 =	simm.s32 $0x1500;
	[sflag:s2] =	ssyncadd.s32 $0xFFFFE000  }
0x71: {  	[spmem:s1] =	stream.indirect.scatter.add.f32 [tilespmem:s28], [sflag:$0x7], $0x80, s22, s23, $0xb8;
	[tilespmem:$0x1E800] =	vst v63  }
0x72: {  	_ =	swait.ge [sflag:s9], $0x2000  }
0x73: {  	[sflag:s9] =	ssyncset.done $0x0  }
0x74: {  	s7 =	simm.s32 $0x1580;
	[sflag:s9] =	ssyncadd.s32 $0xFFFFE000  }
0x75: {  	[spmem:s1] =	stream.indirect.scatter.add.f32 [tilespmem:s30], [sflag:$0x8], $0x80, s7, s23, $0xb8;
	[tilespmem:$0x1E800] =	vst v63  }
0x76: {  	_ =	swait.ge [sflag:s10], $0x2000  }
0x77: {  	[sflag:s10] =	ssyncset.done $0x0  }
0x78: {  	s22 =	simm.s32 $0x200;
	[sflag:s10] =	ssyncadd.s32 $0xFFFFE000  }
0x79: {  	[tilespmem:s20], [sflag:$0x1] =	stream.indirect.gather [hbm4b:s4+s23], $0x80, s22, s23, $0xb8;
	[tilespmem:$0x1E800] =	vst v63  }
0x7a: {  	_ =	swait.ge [sflag:s11], $0x2000  }
0x7b: {  	[sflag:s11] =	ssyncset.done $0x0  }
0x7c: {  	s7 =	simm.s32 $0x280;
	[sflag:s11] =	ssyncadd.s32 $0xFFFFE000  }
0x7d: {  	[tilespmem:s25], [sflag:$0x2] =	stream.indirect.gather [hbm4b:s4+s23], $0x80, s7, s23, $0xb8;
	[tilespmem:$0x1E800] =	vst v63  }
0x7e: {  	_ =	swait.ge [sflag:s12], $0x2000  }
0x7f: {  	[sflag:s12] =	ssyncset.done $0x0  }
0x80: {  	s22 =	simm.s32 $0x300;
	[sflag:s12] =	ssyncadd.s32 $0xFFFFE000  }
0x81: {  	[tilespmem:s28], [sflag:$0x3] =	stream.indirect.gather [hbm4b:s4+s23], $0x80, s22, s23, $0xb8;
	[tilespmem:$0x1E800] =	vst v63  }
0x82: {  	_ =	swait.ge [sflag:s13], $0x2000  }
0x83: {  	[sflag:s13] =	ssyncset.done $0x0  }
0x84: {  	s3 =	simm.s32 $0x380;
	s7 =	simm.s32 $0x800;
	[sflag:s13] =	ssyncadd.s32 $0xFFFFE000  }
.LBB2_5:
0x85: {  	[tilespmem:s30], [sflag:$0x4] =	stream.indirect.gather [hbm4b:s4+s23], $0x80, s3, s23, $0xb8;
	[tilespmem:$0x1E800] =	vst v63  }
0x86: {  	s3 =	smov.u32 s7  }
0x87: {  	p0 =	sne.s32 s7, $0x4000;
	s7 =	sadd.s32 $0x800, s7;
	_ =	swait.ge [sflag:s31], $0x2000  }
0x88: {  	s3 =	sshra.s32 s3, $0x2;
	[sflag:s31] =	ssyncset.done $0x0  }
0x89: {  	s22 =	sadd.s32 $0x1400, s3;
	[sflag:s31] =	ssyncadd.s32 $0xFFFFE000  }
0x8a: {  	[spmem:s1] =	stream.indirect.scatter.add.f32 [tilespmem:s20], [sflag:$0x5], $0x80, s22, s23, $0xb8;
	[tilespmem:$0x1E800] =	vst v63  }
0x8b: {  	_ =	swait.ge [sflag:s0], $0x2000  }
0x8c: {  	[sflag:s0] =	ssyncset.done $0x0  }
0x8d: {  	s22 =	sadd.s32 $0x1480, s3;
	[sflag:s0] =	ssyncadd.s32 $0xFFFFE000  }
0x8e: {  	[spmem:s1] =	stream.indirect.scatter.add.f32 [tilespmem:s25], [sflag:$0x6], $0x80, s22, s23, $0xb8;
	[tilespmem:$0x1E800] =	vst v63  }
0x8f: {  	_ =	swait.ge [sflag:s2], $0x2000  }
0x90: {  	[sflag:s2] =	ssyncset.done $0x0  }
0x91: {  	s22 =	sadd.s32 $0x1500, s3;
	[sflag:s2] =	ssyncadd.s32 $0xFFFFE000  }
0x92: {  	[spmem:s1] =	stream.indirect.scatter.add.f32 [tilespmem:s28], [sflag:$0x7], $0x80, s22, s23, $0xb8;
	[tilespmem:$0x1E800] =	vst v63  }
0x93: {  	_ =	swait.ge [sflag:s9], $0x2000  }
0x94: {  	[sflag:s9] =	ssyncset.done $0x0  }
0x95: {  	s22 =	sadd.s32 $0x1580, s3;
	[sflag:s9] =	ssyncadd.s32 $0xFFFFE000  }
0x96: {  	[spmem:s1] =	stream.indirect.scatter.add.f32 [tilespmem:s30], [sflag:$0x8], $0x80, s22, s23, $0xb8;
	[tilespmem:$0x1E800] =	vst v63  }
0x97: {  	_ =	swait.ge [sflag:s10], $0x2000  }
0x98: {  	[sflag:s10] =	ssyncset.done $0x0  }
0x99: {  	s22 =	sadd.s32 $0x200, s3;
	[sflag:s10] =	ssyncadd.s32 $0xFFFFE000  }
0x9a: {  	[tilespmem:s20], [sflag:$0x1] =	stream.indirect.gather [hbm4b:s4+s23], $0x80, s22, s23, $0xb8;
	[tilespmem:$0x1E800] =	vst v63  }
0x9b: {  	_ =	swait.ge [sflag:s11], $0x2000  }
0x9c: {  	[sflag:s11] =	ssyncset.done $0x0  }
0x9d: {  	s22 =	sadd.s32 $0x280, s3;
	[sflag:s11] =	ssyncadd.s32 $0xFFFFE000  }
0x9e: {  	[tilespmem:s25], [sflag:$0x2] =	stream.indirect.gather [hbm4b:s4+s23], $0x80, s22, s23, $0xb8;
	[tilespmem:$0x1E800] =	vst v63  }
0x9f: {  	_ =	swait.ge [sflag:s12], $0x2000  }
0xa0: {  	[sflag:s12] =	ssyncset.done $0x0  }
.Ltmp1:
0xa1: {  	s22 =	sadd.s32 $0x300, s3;
	[sflag:s12] =	ssyncadd.s32 $0xFFFFE000;
	(pc) =	sbr.rel @p0 .LBB2_5-.Ltmp1, $4  }
0xa2: {  	[tilespmem:s28], [sflag:$0x3] =	stream.indirect.gather [hbm4b:s4+s23], $0x80, s22, s23, $0xb8;
	[tilespmem:$0x1E800] =	vst v63  }
0xa3: {  	_ =	swait.ge [sflag:s13], $0x2000  }
0xa4: {  	[sflag:s13] =	ssyncset.done $0x0  }
0xa5: {  	s3 =	sadd.s32 $0x380, s3;
	[sflag:s13] =	ssyncadd.s32 $0xFFFFE000  }
0xa6: {  	[tilespmem:s30], [sflag:$0x4] =	stream.indirect.gather [hbm4b:s4+s23], $0x80, s3, s23, $0xb8;
	[tilespmem:$0x1E800] =	vst v63  }
0xa7: {  	_ =	swait.ge [sflag:s31], $0x2000  }
0xa8: {  	[sflag:s31] =	ssyncset.done $0x0  }
0xa9: {  	[sflag:s31] =	ssyncadd.s32 $0xFFFFE000  }
0xaa: {  	[spmem:s1] =	stream.indirect.scatter.add.f32 [tilespmem:s20], [sflag:$0x5], $0x80, s14, s23, $0xb8;
	[tilespmem:$0x1E800] =	vst v63  }
0xab: {  	_ =	swait.ge [sflag:s0], $0x2000  }
0xac: {  	[sflag:s0] =	ssyncset.done $0x0  }
0xad: {  	[sflag:s0] =	ssyncadd.s32 $0xFFFFE000  }
0xae: {  	[spmem:s1] =	stream.indirect.scatter.add.f32 [tilespmem:s25], [sflag:$0x6], $0x80, s15, s23, $0xb8;
	[tilespmem:$0x1E800] =	vst v63  }
0xaf: {  	_ =	swait.ge [sflag:s2], $0x2000  }
0xb0: {  	[sflag:s2] =	ssyncset.done $0x0  }
0xb1: {  	[sflag:s2] =	ssyncadd.s32 $0xFFFFE000  }
0xb2: {  	[spmem:s1] =	stream.indirect.scatter.add.f32 [tilespmem:s28], [sflag:$0x7], $0x80, s16, s23, $0xb8;
	[tilespmem:$0x1E800] =	vst v63  }
0xb3: {  	_ =	swait.ge [sflag:s9], $0x2000  }
0xb4: {  	[sflag:s9] =	ssyncset.done $0x0  }
0xb5: {  	[sflag:s9] =	ssyncadd.s32 $0xFFFFE000  }
0xb6: {  	[spmem:s1] =	stream.indirect.scatter.add.f32 [tilespmem:s30], [sflag:$0x8], $0x80, s17, s23, $0xb8;
	[tilespmem:$0x1E800] =	vst v63  }
0xb7: {  	_ =	swait.ge [sflag:s10], $0x2000  }
0xb8: {  	[sflag:s10] =	ssyncset.done $0x0  }
0xb9: {  	[sflag:s10] =	ssyncadd.s32 $0xFFFFE000  }
0xba: {  	_ =	swait.ge [sflag:s11], $0x2000  }
0xbb: {  	[sflag:s11] =	ssyncset.done $0x0  }
0xbc: {  	s19 =	sadd.s32 $0x1, s19;
	[sflag:s11] =	ssyncadd.s32 $0xFFFFE000  }
0xbd: {  	p0 =	sne.s32 s19, $0x4;
	_ =	swait.ge [sflag:s12], $0x2000  }
.Ltmp2:
0xbe: {  	[sflag:s12] =	ssyncset.done $0x0;
	(pc) =	sbr.rel @p0 .LBB2_4-.Ltmp2, $4  }
0xbf: {  	[sflag:s12] =	ssyncadd.s32 $0xFFFFE000  }
0xc0: {  	_ =	swait.ge [sflag:s13], $0x2000  }
0xc1: {  	[sflag:s13] =	ssyncset.done $0x0  }
0xc2: {  	[sflag:s13] =	ssyncadd.s32 $0xFFFFE000  }
0xc3: {  	s3 =	stileid.u32;
	[bflag:$0x0] =	sbarrier.arrive $0xFFFF  }
0xc4: {  	s3 =	sshll.u32 s3, $0x6;
	s19 =	rddreg [dreg:$0x4]  }
0xc5: {  	s18 =	rddreg [dreg:$0x5];
	s3 =	sor.u32 $0x1C09, s3;
	s7 =	sshrl.u32 s19, $0x3  }
0xc6: {  	[hbm:s18], [sflag:s3] =	dma.local [spmem:s7], $0x2800  }
0xc7: {  	_ =	swait.ge [sflag:s21], $0x2800  }
0xc8: {  	s7 =	rddreg [dreg:$0x3]  }
0xc9: {  	s22 =	rddreg [dreg:$0x6];
	s18 =	sadd.s32 $0x1, s7  }
0xca: {  	p0 =	sne.s32 s18, s22  }
.Ltmp3:
0xcb: {  	_ = 	snop;
	(pc) =	sbr.rel @p0 .LBB2_1-.Ltmp3, $3  }
0xcc: {  	_ =	sdelay $0x1  }
0xcd: {  	[sflag:s21] =	ssyncset.done $0x0  }
0xce: {  	[sflag:s21] =	ssyncadd.s32 $0xFFFFD800  }
0xcf: {  	_ =	sfence.sel $0x180000  }
0xd0: {  	[bflag:$0x0] =	sbarrier.arrive $0xFFFF  }
0xd1: {  	_ =	strace $0x9000004D  }
0xd2: {  	s0 =	stileid.u32;
	[bflag:$0x2] =	sbarrier.arrive $0xFFFF  }
0xd3: {  	p0 =	sne.s32 s0, $0x0;
	s0 =	rddreg [dreg:$0x2]  }
0xd4: {  	s0 =	sadd.s32 @!p0 $0x100000, s0  }
0xd5: {  	[sflag:s0] =	ssyncadd.tile.s32 @!p0 $0x1;
	_ =	shalt  }
.Lfunc_end2:
_tile_overlayer_lowered:
.L_overlay_start_2:
0xd6: {  	(tag) =	ssettag $0x2  }
0xd7: {  	s0 =	rddreg [dreg:$0x0];
	s2 =	stileid.u32  }
0xd8: {  	s1 =	rddreg [dreg:$0x1];
	p0 =	sne.s32 s2, $0x0  }
0xd9: {  	s3 =	rddreg [dreg:$0x2];
	[bflag:$0x3] =	sbarrier.arrive $0xFFFF;
	s2 =	simm.s32 @!p0 $0x1C09  }
0xda: {  	[timem:s3], [sflag:s2] =	dma.local @!p0 [hbm:s0], s1  }
0xdb: {  	s0 =	simm.s32 @!p0 $0x9  }
0xdc: {  	_ =	swait.ge @!p0 [sflag:s0], s1  }
0xdd: {  	s1 =	ssub.s32 @!p0 $0x0, s1;
	[sflag:s0] =	ssyncset.done @!p0 $0x0  }
0xde: {  	[sflag:s0] =	ssyncadd.s32 @!p0 s1  }
0xdf: {  	[bflag:$0x3] =	sbarrier.arrive $0xFFFF  }
0xe0: {  	_ =	shalt  }

// kernel: kernel.8.cloned.1.call-start
scs
__scs_entry_jumppad:
0x0: {  	(pc) =	sbr.rel $0x88, $3  }
0x1: {  	(tag) =	ssettag $0x0;
	lr =	simm.s32 $0x1  }
0x2: {  	[smem:$0x3F9B] =	sst lr;
	_ =	strace $0xD0000000  }
0x3: {  	_ = 	snop  }
0x4: {  	_ = 	snop  }
0x5: {  	_ = 	snop  }
0x6: {  	_ = 	snop  }
0x7: {  	_ = 	snop  }
__scs_overlays_trampoline_lowered:
0x8: {  	[smem:$0x3FAA] =	sst s0  }
0x9: {  	[smem:$0x3FAB] =	sst s1  }
0xa: {  	[smem:$0x3FAC] =	sst s2  }
0xb: {  	[smem:$0x3FAD] =	sst s3  }
0xc: {  	[smem:$0x3FAE] =	sst s4  }
0xd: {  	[smem:$0x3FAF] =	sst s5  }
0xe: {  	[smem:$0x3FB0] =	sst s6  }
0xf: {  	[smem:$0x3FB1] =	sst s7  }
0x10: {  	[smem:$0x3FB2] =	sst s8  }
0x11: {  	[smem:$0x3FB3] =	sst s9;
	s0 =	simm.s32 @!p0 $0x0  }
0x12: {  	s1 =	sld [smem:$0x3F99];
	s0 =	simm.s32 @p0 $0x1  }
0x13: {  	[smem:$0x3FB4] =	sst s0;
	s0 =	simm.s32 @!p1 $0x0  }
0x14: {  	s2 =	sld [smem:$0x3F98];
	s0 =	simm.s32 @p1 $0x1  }
0x15: {  	[smem:$0x3FB5] =	sst s0;
	s0 =	simm.s32 @!p2 $0x0  }
0x16: {  	s3 =	sld [smem:$0x3FDB];
	s0 =	simm.s32 @p2 $0x1  }
0x17: {  	s4 =	simm.s32 $0x1BF5;
	[smem:$0x3FB7] =	sst s0  }
0x18: {  	s0 =	sld [smem:$0x3F9A];
	_ =	swait.ge [sflag:s4], $0x0  }
0x19: {  	s7 =	sld [smem:$0x3F9B]  }
0x1a: {  	s8 =	sadd.s32 $0xFFFFE003, lr  }
0x1b: {  	s9 =	sadd.s32 $0xFFFFFEF7, lr;
	s5 =	simm.s32 $0xFFFFFFFF;
	p2 =	slt.u32 s8, $0xFFFFF086  }
0x1c: {  	p1 =	slt.u32 s9, $0xF7A;
	s5 =	simm.s32 @!p2 $0x0  }
0x1d: {  	s5 =	simm.s32 @p1 $0x1;
	p0 =	seq.s32 s7, s2  }
0x1e: {  	s7 =	smul.u32 @!p0 $0xF7A, s2;
	p2 =	seq.s32 @!p0 s5, $0x0  }
0x1f: {  	s9 =	smul.u32 $0xF7A, s1;
	s8 =	simm.s32 @!p0 $0x1BF5;
	p2 =	por !p2, p0  }
0x20: {  	[sflag:s8] =	ssyncset.s32 @!p0 $0xFFFFF086;
	s6 =	sadd.s32 @!p0 s3, s7;
	s7 =	simm.s32 @!p0 $0x108  }
0x21: {  	s3 =	sadd.s32 s3, s9;
	s6 =	sadd.s32 @!p0 $0x88, s6;
	s7 =	simm.s32 @p2 $0x1082  }
0x22: {  	[simem:s7], [sflag:s8] =	dma.local @!p0 [hbm:s6], $0xF7A  }
0x23: {  	s9 =	sor.u32 $0xD0000000, s2;
	s6 =	simm.s32 $0x108;
	_ =	swait.ge @!p0 [sflag:s8], $0x0  }
0x24: {  	s3 =	sadd.s32 $0x88, s3;
	s6 =	simm.s32 @!p1 $0x1082;
	[sflag:s4] =	ssyncset.s32 $0xFFFFF086  }
0x25: {  	[simem:s6], [sflag:s4] =	dma.local [hbm:s3], $0xF7A  }
0x26: {  	[smem:$0x3F9B] =	sst s1;
	(tag) =	ssettag s2;
	_ =	strace s9  }
0x27: {  	s1 =	sld [smem:$0x3FAB]  }
0x28: {  	s2 =	sld [smem:$0x3FAC]  }
0x29: {  	s4 =	sld [smem:$0x3FAE]  }
0x2a: {  	p0 =	seq.s32 s5, $0x0;
	s5 =	sld [smem:$0x3FAF]  }
0x2b: {  	s6 =	sld [smem:$0x3FB0]  }
0x2c: {  	s7 =	sld [smem:$0x3FB1]  }
0x2d: {  	s3 =	simm.s32 $0x108;
	s8 =	sld [smem:$0x3FB2]  }
0x2e: {  	s3 =	simm.s32 @!p0 $0x1082;
	s9 =	sld [smem:$0x3FB3]  }
0x2f: {  	lr =	sadd.s32 s0, s3;
	s0 =	sld [smem:$0x3FAA]  }
0x30: {  	s3 =	sld [smem:$0x3FAD]  }
0x31: {  	[smem:$0x3FB6] =	sst s10  }
0x32: {  	s10 =	sld [smem:$0x3FB4];
	_ =	sdelay $0x3  }
0x33: {  	p0 =	seq.s32 s10, $0x1;
	s10 =	sld [smem:$0x3FB6];
	_ =	sdelay $0x3  }
0x34: {  	[smem:$0x3FB6] =	sst s10  }
0x35: {  	s10 =	sld [smem:$0x3FB5];
	_ =	sdelay $0x3  }
0x36: {  	p1 =	seq.s32 s10, $0x1;
	s10 =	sld [smem:$0x3FB6];
	_ =	sdelay $0x3  }
0x37: {  	[smem:$0x3FB6] =	sst s10  }
0x38: {  	s10 =	sld [smem:$0x3FB7]  }
0x39: {  	_ = 	snop;
	(pc) =	sbr.ind lr, $3  }
0x3a: {  	_ = 	snop  }
0x3b: {  	_ = 	snop  }
0x3c: {  	p2 =	seq.s32 s10, $0x1;
	s10 =	sld [smem:$0x3FB6]  }
0x3d: {  	_ =	shalt  }
0x3e: {  	_ =	shalt  }
0x3f: {  	_ =	shalt  }
0x40: {  	_ =	shalt  }
0x41: {  	_ =	shalt  }
0x42: {  	_ =	shalt  }
0x43: {  	_ =	shalt  }
0x44: {  	_ =	shalt  }
0x45: {  	_ =	shalt  }
0x46: {  	_ =	shalt  }
0x47: {  	_ =	shalt  }
0x48: {  	_ =	shalt  }
0x49: {  	_ =	shalt  }
0x4a: {  	_ =	shalt  }
0x4b: {  	_ =	shalt  }
0x4c: {  	_ =	shalt  }
0x4d: {  	_ =	shalt  }
0x4e: {  	_ =	shalt  }
0x4f: {  	_ =	shalt  }
0x50: {  	_ =	shalt  }
0x51: {  	_ =	shalt  }
0x52: {  	_ =	shalt  }
0x53: {  	_ =	shalt  }
0x54: {  	_ =	shalt  }
0x55: {  	_ =	shalt  }
0x56: {  	_ =	shalt  }
0x57: {  	_ =	shalt  }
0x58: {  	_ =	shalt  }
0x59: {  	_ =	shalt  }
0x5a: {  	_ =	shalt  }
0x5b: {  	_ =	shalt  }
0x5c: {  	_ =	shalt  }
0x5d: {  	_ =	shalt  }
0x5e: {  	_ =	shalt  }
0x5f: {  	_ =	shalt  }
0x60: {  	_ =	shalt  }
0x61: {  	_ =	shalt  }
0x62: {  	_ =	shalt  }
0x63: {  	_ =	shalt  }
0x64: {  	_ =	shalt  }
0x65: {  	_ =	shalt  }
0x66: {  	_ =	shalt  }
0x67: {  	_ =	shalt  }
0x68: {  	_ =	shalt  }
0x69: {  	_ =	shalt  }
0x6a: {  	_ =	shalt  }
0x6b: {  	_ =	shalt  }
0x6c: {  	_ =	shalt  }
0x6d: {  	_ =	shalt  }
0x6e: {  	_ =	shalt  }
0x6f: {  	_ =	shalt  }
0x70: {  	_ =	shalt  }
0x71: {  	_ =	shalt  }
0x72: {  	_ =	shalt  }
0x73: {  	_ =	shalt  }
0x74: {  	_ =	shalt  }
0x75: {  	_ =	shalt  }
0x76: {  	_ =	shalt  }
0x77: {  	_ =	shalt  }
0x78: {  	_ =	shalt  }
0x79: {  	_ =	shalt  }
0x7a: {  	_ =	shalt  }
0x7b: {  	_ =	shalt  }
0x7c: {  	_ =	shalt  }
0x7d: {  	_ =	shalt  }
0x7e: {  	_ =	shalt  }
0x7f: {  	_ =	shalt  }
0x80: {  	_ =	shalt  }
0x81: {  	_ =	shalt  }
0x82: {  	_ =	shalt  }
0x83: {  	_ =	shalt  }
0x84: {  	_ =	shalt  }
0x85: {  	_ =	shalt  }
0x86: {  	_ =	shalt  }
0x87: {  	_ =	shalt  }
.Lfunc_end0:
.L_simem_size_0:
called_computation_lowered:
.L_overlay_start_0:
0x88: {  	s2 =	sld [smem:$0x3FD9]  }
0x89: {  	s3 =	sld [smem:$0x3FFE];
	_ =	sdelay $0x1  }
0x8a: {  	s1 =	srdreg.scid  }
0x8b: {  	s0 =	sand.u32 $0x1, s1  }
0x8c: {  	s17 =	sshll.u32 s0, $0xA;
	s2 =	sadd.s32 s3, s2  }
0x8d: {  	s2 =	sadd.s32 s2, s17  }
0x8e: {  	[smem:$0x3FC2] =	sst s2  }
0x8f: {  	_ = 	snop  }
0x90: {  	s2 =	sld [smem:$0x3FD0];
	(tm) =	ssettm $0x1  }
0x91: {  	s18 =	sld [smem:$0x3FFB];
	_ =	sdelay $0x3  }
0x92: {  	_ =	strace s18  }
0x93: {  	s3 =	sld [smem:$0x3FFC];
	_ =	sdelay $0x3  }
0x94: {  	_ =	strace s3  }
0x95: {  	s3 =	sld [smem:$0x3FFD];
	_ =	sdelay $0x3  }
0x96: {  	_ =	strace s3  }
0x97: {  	_ =	strace $0x8FFFFFFF  }
0x98: {  	s19 =	sld [smem:$0x3FDB];
	_ =	sdelay $0x1  }
0x99: {  	s4 =	simm.s32 $_scs_section_size  }
0x9a: {  	s5 =	simm.s32 $_size__tile_overlayer_lowered;
	s6 =	simm.s32 $_tile_overlayer_lowered  }
0x9b: {  	s22 =	simm.s32 $0x1BFF;
	s21 =	sshll.u32 s6, $0x1;
	s3 =	sadd.s32 s4, s19  }
0x9c: {  	s7 =	simm.s32 $0x0;
	s20 =	sshll.u32 s5, $0x1;
	s5 =	sadd.s32 s21, s3  }
0x9d: {  	[timem:s7], [sflag:s22] =	dma.local [hbm:s5], s20  }
0x9e: {  	_ =	swait.ge [sflag:s22], s20  }
0x9f: {  	s4 =	ssub.s32 $0x0, s20;
	[sflag:s22] =	ssyncset.done $0x0  }
0xa0: {  	[sflag:s22] =	ssyncadd.s32 s4;
	_ =	sdelay $0x1  }
0xa1: {  	s23 =	simm.s32 $0x1B8B  }
0xa2: {  	_ =	swait.ge [sflag:s23], $0x1  }
0xa3: {  	[sflag:s23] =	ssyncset.done $0x0  }
0xa4: {  	s25 =	simm.s32 $0x1B8E;
	s24 =	sld [smem:$0x3FFE];
	[sflag:s23] =	ssyncadd.s32 $0xFFFFFFFF  }
0xa5: {  	s26 =	simm.s32 $execute0_lowered;
	[smem:$0x3FD2] =	sst s25  }
0xa6: {  	s5 =	sshll.u32 s26, $0x1;
	_ =	strace $0x80000046;
	[dreg:$0x1] =	wrdreg $0xFFFFFFFF  }
0xa7: {  	s28 =	simm.s32 $_size_execute0_lowered;
	s3 =	sadd.s32 s3, s5;
	[dreg:$0x0] =	wrdreg $0x0  }
0xa8: {  	s5 =	sshll.u32 s28, $0x1;
	[dreg:$0x2] =	wrdreg s3  }
0xa9: {  	[dreg:$0x3] =	wrdreg s5  }
0xaa: {  	[dreg:$0x4] =	wrdreg $0xC0  }
0xab: {  	_ =	task [dreg:s7], $0x5FFFF  }
0xac: {  	[dreg:$0x1] =	wrdreg $0xFFFFFFFF  }
0xad: {  	[dreg:$0x0] =	wrdreg $0x60  }
0xae: {  	[dreg:$0x2] =	wrdreg s2  }
0xaf: {  	[dreg:$0x3] =	wrdreg s24  }
0xb0: {  	[dreg:$0x4] =	wrdreg $0x70000  }
0xb1: {  	[dreg:$0x5] =	wrdreg $0x9  }
0xb2: {  	_ =	task.clear_ibuf [dreg:s7], $0x6FFFF;
	_ =	strace $0x90000046  }
0xb3: {  	s29 =	simm.s32 $0x9;
	_ =	strace $0x80000048  }
0xb4: {  	_ =	swait.ge [sflag:s29], $0x1  }
0xb5: {  	[sflag:s29] =	ssyncadd.s32 $0xFFFFFFFF  }
0xb6: {  	_ =	strace $0x90000048  }
0xb7: {  	_ =	sfence  }
0xb8: {  	s30 =	sld [smem:$0x0];
	_ =	sdelay $0x2  }
0xb9: {  	s31 =	sshll.u32 s1, $0xD;
	s1 =	sshrl.u32 s1, $0x2  }
0xba: {  	s3 =	sand.u32 $0x4000, s31;
	s1 =	sadd.s32 s1, s30  }
0xbb: {  	s0 =	sor.u32 s3, s0;
	s1 =	sshll.u32 s1, $0x11  }
0xbc: {  	s0 =	sor.u32 s1, s0  }
0xbd: {  	s0 =	sadd.s32 $0x8F2B, s0  }
0xbe: {  	[sflag:s0] =	ssyncadd.remote.s32 $0x1  }
0xbf: {  	_ =	sfence.sel $0xFFFF  }
0xc0: {  	[dreg:$0x0] =	wrdreg $0xFFFFFFFF;
	(pc) =	sbr.abs _section_cstart, $3  }
0xc1: {  	[dreg:$0x1] =	wrdreg $0xFFFFFFFF  }
0xc2: {  	_ =	task.clear_ibuf [dreg:s7], $0x2FFFF;
	_ =	strace $0x9FFFFFFF  }
0xc3: {  	(tm) =	ssettm $0x7FFFFFFF  }
tec
execute0_lowered:
.L_overlay_start_1:
0x0: {  	(tag) =	ssettag $0x1  }
0x1: {  	s5 =	rddreg [dreg:$0x0]  }
0x2: {  	s4 =	rddreg [dreg:$0x1]  }
0x3: {  	s1 =	rddreg [dreg:$0x2]  }
0x4: {  	s2 =	srdreg.scid;
	s0 =	rddreg [dreg:$0x3];
	s3 =	simm.s32 $0x0  }
0x5: {  	s11 =	simm.s32 $0x2800;
	s12 =	simm.s32 $0x1;
	s13 =	simm.s32 $0x2  }
0x6: {  	s14 =	simm.s32 $0x3;
	s15 =	simm.s32 $0x4;
	s16 =	simm.s32 $0x5  }
0x7: {  	s17 =	simm.s32 $0x6;
	s6 =	sand.u32 $0x1, s2;
	s2 =	stileid.u32  }
0x8: {  	s18 =	simm.s32 $0x7;
	[smem:$0x7FF] =	sst s3;
	s7 =	smul.u32 $0x140000, s6  }
0x9: {  	s19 =	simm.s32 $0x8;
	s8 =	smul.u32 $0x14000, s2;
	_ =	strace $0x80000047  }
0xa: {  	s31 =	sshll.u32 s6, $0x4;
	s9 =	smul.u32 $0x50000, s2;
	s6 =	ssub.s32 $0x2, s6  }
0xb: {  	s10 =	sshrl.u32 s6, $0x1;
	s7 =	sadd.s32 s8, s7;
	s8 =	sor.u32 s2, s31  }
0xc: {  	s9 =	sshrl.u32 s9, $0x2;
	s7 =	sshrl.u32 s7, $0x3;
	s8 =	smul.u32 $0x500, s8  }
0xd: {  	s10 =	ssub.s32 s6, s10;
	s7 =	sadd.s32 s7, s4;
	s4 =	sadd.s32 s9, s1  }
0xe: {  	s9 =	simm.s32 $0x9;
	s5 =	sadd.s32 s5, s8;
	s6 =	sadd.s32 $0x2600, s7  }
0xf: {  	v0 =	vimm.f32 $1.000000000e+00;
	v1 =	vimm.f32 $0.0e+00;
	s7 =	smax.u32 s10, $0x1;
	s8 =	simm.s32 $0x6800;
	s10 =	simm.s32 $0x80  }
.LBB2_1:
0x10: {  	s20 =	simm.s32 $0x200;
	s21 =	simm.s32 $0x0  }
.LBB2_2:
0x11: {  	p0 =	sne.s32 s20, $0xFE00;
	[tilespmem:s21+$0x2800] =	vst v0;
	s21 =	smov.u32 s20;
	s20 =	sadd.s32 $0x200, s20  }
.Ltmp0:
0x12: {  	(pc) =	sbr.rel @p0 .LBB2_2-.Ltmp0, $2  }
0x13: {  	_ =	sdelay $0x2  }
0x14: {  	s21 =	sshra.s32 s21, $0x2  }
0x15: {  	[tilespmem:s21+$0x2800] =	vst v0  }
0x16: {  	[tilespmem:$0x6800] =	vst v1  }
0x17: {  	[tilespmem:$0x6880] =	vst v1  }
0x18: {  	[tilespmem:$0x6900] =	vst v1  }
0x19: {  	[tilespmem:$0x6980] =	vst v1  }
0x1a: {  	[tilespmem:$0x6A00] =	vst v1  }
0x1b: {  	[tilespmem:$0x6A80] =	vst v1  }
0x1c: {  	[tilespmem:$0x6B00] =	vst v1  }
0x1d: {  	[tilespmem:$0x6B80] =	vst v1  }
0x1e: {  	[tilespmem:$0x6C00] =	vst v1  }
0x1f: {  	[tilespmem:$0x6C80] =	vst v1  }
0x20: {  	[tilespmem:$0x6D00] =	vst v1  }
0x21: {  	[tilespmem:$0x6D80] =	vst v1  }
0x22: {  	[tilespmem:$0x6E00] =	vst v1  }
0x23: {  	[tilespmem:$0x6E80] =	vst v1  }
0x24: {  	[tilespmem:$0x6F00] =	vst v1  }
0x25: {  	s20 =	sadd.s32 $0x0, s4;
	[tilespmem:$0x6F80] =	vst v1  }
0x26: {  	[spmem:s20] =	stream.linear.scatter [tilespmem:s8], [sflag:$0x9], $0x800, $0x38;
	[tilespmem:$0x9800] =	vst v63  }
0x27: {  	s20 =	simm.s32 $0x2000;
	_ =	swait.ge [sflag:s9], $0x800  }
.LBB2_4:
0x28: {  	s21 =	sshra.s32 s20, $0x2;
	[sflag:s9] =	ssyncset.done $0x0;
	p0 =	sne.s32 s20, $0x4E000  }
.Ltmp1:
0x29: {  	s21 =	sadd.s32 s21, s4;
	[sflag:s9] =	ssyncadd.s32 $0xFFFFF800;
	(pc) =	sbr.rel @p0 .LBB2_4-.Ltmp1, $3  }
0x2a: {  	[spmem:s21] =	stream.linear.scatter [tilespmem:s8], [sflag:$0x9], $0x800, $0x38;
	[tilespmem:$0x9800] =	vst v63  }
0x2b: {  	s20 =	sadd.s32 $0x2000, s20;
	_ =	sdelay $0x1  }
0x2c: {  	_ =	swait.ge [sflag:s9], $0x800  }
0x2d: {  	[sflag:s9] =	ssyncset.done $0x0  }
0x2e: {  	s20 =	simm.s32 $0x0;
	[sflag:s9] =	ssyncadd.s32 $0xFFFFF800  }
0x2f: {  	[tilespmem:s20], [sflag:$0x9] =	stream.linear.gather [hbm4b:s5+s20], $0x2800, $0x38;
	[tilespmem:$0x9800] =	vst v63  }
0x30: {  	_ =	swait.ge [sflag:s9], $0x2800  }
0x31: {  	[sflag:s9] =	ssyncset.done $0x0  }
0x32: {  	[sflag:s9] =	ssyncadd.s32 $0xFFFFD800  }
0x33: {  	s23 =	simm.s32 $0x0;
	[bflag:$0x0] =	sbarrier.arrive $0xFFFF  }
0x34: {  	[spmem:s1] =	stream.indirect.scatter.add.f32 [tilespmem:s11], [sflag:$0x1], $0x10, s23, s10, $0xb8;
	[tilespmem:$0x9800] =	vst v63  }
0x35: {  	s24 =	simm.s32 $0x80  }
0x36: {  	[spmem:s1] =	stream.indirect.scatter.add.f32 [tilespmem:s11], [sflag:$0x2], $0x10, s24, s10, $0xb8;
	[tilespmem:$0x9800] =	vst v63  }
0x37: {  	s25 =	simm.s32 $0x100  }
0x38: {  	[spmem:s1] =	stream.indirect.scatter.add.f32 [tilespmem:s11], [sflag:$0x3], $0x10, s25, s10, $0xb8;
	[tilespmem:$0x9800] =	vst v63  }
0x39: {  	s26 =	simm.s32 $0x180  }
0x3a: {  	[spmem:s1] =	stream.indirect.scatter.add.f32 [tilespmem:s11], [sflag:$0x4], $0x10, s26, s10, $0xb8;
	[tilespmem:$0x9800] =	vst v63  }
0x3b: {  	s28 =	simm.s32 $0x200  }
0x3c: {  	[spmem:s1] =	stream.indirect.scatter.add.f32 [tilespmem:s11], [sflag:$0x5], $0x10, s28, s10, $0xb8;
	[tilespmem:$0x9800] =	vst v63  }
0x3d: {  	s29 =	simm.s32 $0x280  }
0x3e: {  	[spmem:s1] =	stream.indirect.scatter.add.f32 [tilespmem:s11], [sflag:$0x6], $0x10, s29, s10, $0xb8;
	[tilespmem:$0x9800] =	vst v63  }
0x3f: {  	s30 =	simm.s32 $0x300  }
0x40: {  	[spmem:s1] =	stream.indirect.scatter.add.f32 [tilespmem:s11], [sflag:$0x7], $0x10, s30, s10, $0xb8;
	[tilespmem:$0x9800] =	vst v63  }
0x41: {  	s31 =	simm.s32 $0x380  }
0x42: {  	[spmem:s1] =	stream.indirect.scatter.add.f32 [tilespmem:s11], [sflag:$0x8], $0x10, s31, s10, $0xb8;
	[tilespmem:$0x9800] =	vst v63  }
0x43: {  	_ =	swait.ge [sflag:s12], $0x800  }
0x44: {  	[sflag:s12] =	ssyncset.done $0x0  }
0x45: {  	[sflag:s12] =	ssyncadd.s32 $0xFFFFF800  }
0x46: {  	_ =	swait.ge [sflag:s13], $0x800  }
0x47: {  	[sflag:s13] =	ssyncset.done $0x0  }
0x48: {  	[sflag:s13] =	ssyncadd.s32 $0xFFFFF800  }
0x49: {  	_ =	swait.ge [sflag:s14], $0x800  }
0x4a: {  	[sflag:s14] =	ssyncset.done $0x0  }
0x4b: {  	[sflag:s14] =	ssyncadd.s32 $0xFFFFF800  }
0x4c: {  	_ =	swait.ge [sflag:s15], $0x800  }
0x4d: {  	[sflag:s15] =	ssyncset.done $0x0  }
0x4e: {  	[sflag:s15] =	ssyncadd.s32 $0xFFFFF800  }
0x4f: {  	_ =	swait.ge [sflag:s16], $0x800  }
0x50: {  	[sflag:s16] =	ssyncset.done $0x0  }
0x51: {  	[sflag:s16] =	ssyncadd.s32 $0xFFFFF800  }
0x52: {  	_ =	swait.ge [sflag:s17], $0x800  }
0x53: {  	[sflag:s17] =	ssyncset.done $0x0  }
0x54: {  	[sflag:s17] =	ssyncadd.s32 $0xFFFFF800  }
0x55: {  	_ =	swait.ge [sflag:s18], $0x800  }
0x56: {  	[sflag:s18] =	ssyncset.done $0x0  }
0x57: {  	[sflag:s18] =	ssyncadd.s32 $0xFFFFF800  }
0x58: {  	_ =	swait.ge [sflag:s19], $0x800  }
0x59: {  	s22 =	simm.s32 $0x2000;
	s20 =	simm.s32 $0x1000;
	[sflag:s19] =	ssyncset.done $0x0  }
.LBB2_6:
0x5a: {  	s23 =	sshra.s32 s20, $0x2  }
0x5b: {  	[sflag:s19] =	ssyncadd.s32 $0xFFFFF800;
	s20 =	smov.u32 s22;
	s21 =	sadd.s32 $0x1000, s22  }
0x5c: {  	[spmem:s1] =	stream.indirect.scatter.add.f32 [tilespmem:s11], [sflag:$0x1], $0x10, s23, s10, $0xb8;
	[tilespmem:$0x9800] =	vst v63  }
0x5d: {  	p0 =	sne.s32 s22, $0x9000;
	s22 =	sadd.s32 $0x80, s23  }
0x5e: {  	[spmem:s1] =	stream.indirect.scatter.add.f32 [tilespmem:s11], [sflag:$0x2], $0x10, s22, s10, $0xb8;
	[tilespmem:$0x9800] =	vst v63  }
0x5f: {  	s22 =	sadd.s32 $0x100, s23  }
0x60: {  	[spmem:s1] =	stream.indirect.scatter.add.f32 [tilespmem:s11], [sflag:$0x3], $0x10, s22, s10, $0xb8;
	[tilespmem:$0x9800] =	vst v63  }
0x61: {  	s22 =	sadd.s32 $0x180, s23  }
0x62: {  	[spmem:s1] =	stream.indirect.scatter.add.f32 [tilespmem:s11], [sflag:$0x4], $0x10, s22, s10, $0xb8;
	[tilespmem:$0x9800] =	vst v63  }
0x63: {  	s22 =	sadd.s32 $0x200, s23  }
0x64: {  	[spmem:s1] =	stream.indirect.scatter.add.f32 [tilespmem:s11], [sflag:$0x5], $0x10, s22, s10, $0xb8;
	[tilespmem:$0x9800] =	vst v63  }
0x65: {  	s22 =	sadd.s32 $0x280, s23  }
0x66: {  	[spmem:s1] =	stream.indirect.scatter.add.f32 [tilespmem:s11], [sflag:$0x6], $0x10, s22, s10, $0xb8;
	[tilespmem:$0x9800] =	vst v63  }
0x67: {  	s22 =	sadd.s32 $0x300, s23  }
0x68: {  	[spmem:s1] =	stream.indirect.scatter.add.f32 [tilespmem:s11], [sflag:$0x7], $0x10, s22, s10, $0xb8;
	[tilespmem:$0x9800] =	vst v63  }
0x69: {  	s22 =	sadd.s32 $0x380, s23  }
0x6a: {  	[spmem:s1] =	stream.indirect.scatter.add.f32 [tilespmem:s11], [sflag:$0x8], $0x10, s22, s10, $0xb8;
	[tilespmem:$0x9800] =	vst v63  }
0x6b: {  	_ =	swait.ge [sflag:s12], $0x800  }
0x6c: {  	[sflag:s12] =	ssyncset.done $0x0  }
0x6d: {  	[sflag:s12] =	ssyncadd.s32 $0xFFFFF800  }
0x6e: {  	_ =	swait.ge [sflag:s13], $0x800  }
0x6f: {  	[sflag:s13] =	ssyncset.done $0x0  }
0x70: {  	[sflag:s13] =	ssyncadd.s32 $0xFFFFF800  }
0x71: {  	_ =	swait.ge [sflag:s14], $0x800  }
0x72: {  	[sflag:s14] =	ssyncset.done $0x0  }
0x73: {  	[sflag:s14] =	ssyncadd.s32 $0xFFFFF800  }
0x74: {  	_ =	swait.ge [sflag:s15], $0x800  }
0x75: {  	[sflag:s15] =	ssyncset.done $0x0  }
0x76: {  	[sflag:s15] =	ssyncadd.s32 $0xFFFFF800  }
0x77: {  	_ =	swait.ge [sflag:s16], $0x800  }
0x78: {  	[sflag:s16] =	ssyncset.done $0x0  }
0x79: {  	[sflag:s16] =	ssyncadd.s32 $0xFFFFF800  }
0x7a: {  	_ =	swait.ge [sflag:s17], $0x800  }
0x7b: {  	[sflag:s17] =	ssyncset.done $0x0  }
0x7c: {  	[sflag:s17] =	ssyncadd.s32 $0xFFFFF800  }
.Ltmp2:
0x7d: {  	_ =	swait.ge [sflag:s18], $0x800;
	(pc) =	sbr.rel @p0 .LBB2_6-.Ltmp2, $4  }
0x7e: {  	[sflag:s18] =	ssyncset.done $0x0  }
0x7f: {  	[sflag:s18] =	ssyncadd.s32 $0xFFFFF800  }
0x80: {  	_ =	swait.ge [sflag:s19], $0x800  }
0x81: {  	s22 =	smov.u32 s21;
	[sflag:s19] =	ssyncset.done $0x0  }
0x82: {  	s20 =	sshra.s32 s20, $0x2;
	[sflag:s19] =	ssyncadd.s32 $0xFFFFF800  }
0x83: {  	[spmem:s1] =	stream.indirect.scatter.add.f32 [tilespmem:s11], [sflag:$0x1], $0x10, s20, s10, $0xb8;
	[tilespmem:$0x9800] =	vst v63  }
0x84: {  	s21 =	sadd.s32 $0x80, s20  }
0x85: {  	[spmem:s1] =	stream.indirect.scatter.add.f32 [tilespmem:s11], [sflag:$0x2], $0x10, s21, s10, $0xb8;
	[tilespmem:$0x9800] =	vst v63  }
0x86: {  	s24 =	sadd.s32 $0x100, s20  }
0x87: {  	[spmem:s1] =	stream.indirect.scatter.add.f32 [tilespmem:s11], [sflag:$0x3], $0x10, s24, s10, $0xb8;
	[tilespmem:$0x9800] =	vst v63  }
0x88: {  	s25 =	sadd.s32 $0x180, s20  }
0x89: {  	[spmem:s1] =	stream.indirect.scatter.add.f32 [tilespmem:s11], [sflag:$0x4], $0x10, s25, s10, $0xb8;
	[tilespmem:$0x9800] =	vst v63  }
0x8a: {  	s26 =	sadd.s32 $0x200, s20  }
0x8b: {  	[spmem:s1] =	stream.indirect.scatter.add.f32 [tilespmem:s11], [sflag:$0x5], $0x10, s26, s10, $0xb8;
	[tilespmem:$0x9800] =	vst v63  }
0x8c: {  	s28 =	sadd.s32 $0x280, s20  }
0x8d: {  	[spmem:s1] =	stream.indirect.scatter.add.f32 [tilespmem:s11], [sflag:$0x6], $0x10, s28, s10, $0xb8;
	[tilespmem:$0x9800] =	vst v63  }
0x8e: {  	s29 =	sadd.s32 $0x300, s20  }
0x8f: {  	[spmem:s1] =	stream.indirect.scatter.add.f32 [tilespmem:s11], [sflag:$0x7], $0x10, s29, s10, $0xb8;
	[tilespmem:$0x9800] =	vst v63  }
0x90: {  	s20 =	sadd.s32 $0x380, s20  }
0x91: {  	[spmem:s1] =	stream.indirect.scatter.add.f32 [tilespmem:s11], [sflag:$0x8], $0x10, s20, s10, $0xb8;
	[tilespmem:$0x9800] =	vst v63  }
0x92: {  	_ =	swait.ge [sflag:s12], $0x800  }
0x93: {  	[sflag:s12] =	ssyncset.done $0x0  }
0x94: {  	[sflag:s12] =	ssyncadd.s32 $0xFFFFF800  }
0x95: {  	_ =	swait.ge [sflag:s13], $0x800  }
0x96: {  	[sflag:s13] =	ssyncset.done $0x0  }
0x97: {  	[sflag:s13] =	ssyncadd.s32 $0xFFFFF800  }
0x98: {  	_ =	swait.ge [sflag:s14], $0x800  }
0x99: {  	[sflag:s14] =	ssyncset.done $0x0  }
0x9a: {  	[sflag:s14] =	ssyncadd.s32 $0xFFFFF800  }
0x9b: {  	_ =	swait.ge [sflag:s15], $0x800  }
0x9c: {  	[sflag:s15] =	ssyncset.done $0x0  }
0x9d: {  	[sflag:s15] =	ssyncadd.s32 $0xFFFFF800  }
0x9e: {  	_ =	swait.ge [sflag:s16], $0x800  }
0x9f: {  	[sflag:s16] =	ssyncset.done $0x0  }
0xa0: {  	[sflag:s16] =	ssyncadd.s32 $0xFFFFF800  }
0xa1: {  	_ =	swait.ge [sflag:s17], $0x800  }
0xa2: {  	[sflag:s17] =	ssyncset.done $0x0  }
0xa3: {  	[sflag:s17] =	ssyncadd.s32 $0xFFFFF800  }
0xa4: {  	_ =	swait.ge [sflag:s18], $0x800  }
0xa5: {  	[sflag:s18] =	ssyncset.done $0x0  }
0xa6: {  	[sflag:s18] =	ssyncadd.s32 $0xFFFFF800  }
0xa7: {  	_ =	swait.ge [sflag:s19], $0x800  }
0xa8: {  	s30 =	sshll.u32 s2, $0x6;
	s3 =	sadd.s32 $0x1, s3;
	[sflag:s19] =	ssyncset.done $0x0  }
0xa9: {  	s31 =	sshrl.u32 s4, $0x3;
	p0 =	sne.s32 s3, s7;
	[sflag:s19] =	ssyncadd.s32 $0xFFFFF800  }
.Ltmp3:
0xaa: {  	s20 =	sor.u32 $0x1C09, s30;
	[bflag:$0x0] =	sbarrier.arrive $0xFFFF;
	(pc) =	sbr.rel @p0 .LBB2_1-.Ltmp3, $4  }
0xab: {  	[hbm:s6], [sflag:s20] =	dma.local [spmem:s31], $0x2800  }
0xac: {  	_ =	swait.ge [sflag:s9], $0x2800  }
0xad: {  	[sflag:s9] =	ssyncset.done $0x0  }
0xae: {  	[sflag:s9] =	ssyncadd.s32 $0xFFFFD800  }
0xaf: {  	_ =	sfence.sel $0x180000  }
0xb0: {  	[bflag:$0x0] =	sbarrier.arrive $0xFFFF  }
0xb1: {  	p0 =	sne.s32 s2, $0x0;
	_ =	strace $0x90000047  }
0xb2: {  	s0 =	sadd.s32 @!p0 $0x100000, s0;
	[bflag:$0x2] =	sbarrier.arrive $0xFFFF  }
0xb3: {  	[sflag:s0] =	ssyncadd.tile.s32 @!p0 $0x1;
	_ =	shalt  }
.Lfunc_end2:
_tile_overlayer_lowered:
.L_overlay_start_2:
0xb4: {  	(tag) =	ssettag $0x2  }
0xb5: {  	s0 =	rddreg [dreg:$0x0];
	s2 =	stileid.u32  }
0xb6: {  	s1 =	rddreg [dreg:$0x1];
	p0 =	sne.s32 s2, $0x0  }
0xb7: {  	s3 =	rddreg [dreg:$0x2];
	[bflag:$0x3] =	sbarrier.arrive $0xFFFF;
	s2 =	simm.s32 @!p0 $0x1C09  }
0xb8: {  	[timem:s3], [sflag:s2] =	dma.local @!p0 [hbm:s0], s1  }
0xb9: {  	s0 =	simm.s32 @!p0 $0x9  }
0xba: {  	_ =	swait.ge @!p0 [sflag:s0], s1  }
0xbb: {  	s1 =	ssub.s32 @!p0 $0x0, s1;
	[sflag:s0] =	ssyncset.done @!p0 $0x0  }
0xbc: {  	[sflag:s0] =	ssyncadd.s32 @!p0 s1  }
0xbd: {  	[bflag:$0x3] =	sbarrier.arrive $0xFFFF  }
0xbe: {  	_ =	shalt  }

</sc_bundles>
